<compile_context>
chip_gen: v7x
topology: tpu7x:2x2x1
jax: 0.10.2.dev20260603
libtpu: 0.0.44.dev20260713+nightly
codegen_flags: <defaults>
</compile_context>

<pallas_src>
import jax
import jax.numpy as jnp
from jax import lax
from jax.experimental import pallas as pl
from jax.experimental.pallas import tpu as pltpu
from jax.experimental.pallas import tpu_sc as plsc

N_NODES = 10000
N_EDGES = 320000
IN_DIM = 200
HIDDEN = 64
OUT_DIM = 16
NUM_GRAPHS = 64

NC = 2
NS = 16
LANES = 16
N_PAD = 10240
ROWS_PER_TILE = N_PAD // NS

ACC_A = 632
ACC_B = N_NODES - 15 * ACC_A

CHUNK = 100
E_PER_TILE = N_EDGES // (NC * NS)
NCHUNK = E_PER_TILE // CHUNK
NBUF = 4
U_ROWS = 10112

HROWS = N_PAD // 128



DEG_PER_TILE = N_EDGES // NS
DEG_NCHUNK = DEG_PER_TILE // CHUNK
DEG_ROWS = N_PAD // NS


def _deg_body(dst_hbm, out_hbm, didx_v, ones_v, buf_v, acc_sh):
    cid = lax.axis_index("c")
    sid = lax.axis_index("s")

    @pl.when(cid == 0)
    def _():
        for i in range(112 // LANES):
            ones_v[pl.ds(i * LANES, LANES)] = jnp.full((LANES,), 1.0, jnp.float32)

        def zfill(i, carry):
            buf_v[pl.ds(i * LANES, LANES)] = jnp.zeros((LANES,), jnp.float32)
            return carry

        lax.fori_loop(0, DEG_ROWS // LANES, zfill, 0)
        pltpu.sync_copy(buf_v, acc_sh.at[pl.ds(sid * DEG_ROWS, DEG_ROWS)])
        pltpu.sync_copy(dst_hbm.at[sid], didx_v)
        plsc.subcore_barrier()

        def count(j, carry):
            pltpu.sync_copy(ones_v.at[pl.ds(0, CHUNK)],
                            acc_sh.at[didx_v.at[j]], add=True)
            return carry

        lax.fori_loop(0, DEG_NCHUNK, count, 0)
        plsc.subcore_barrier()

        pltpu.sync_copy(acc_sh.at[pl.ds(sid * DEG_ROWS, DEG_ROWS)], buf_v)

        def newton(i, carry):
            d = buf_v[pl.ds(i * LANES, LANES)] + 1.0
            bits = lax.bitcast_convert_type(d, jnp.int32)
            y = lax.bitcast_convert_type(
                jnp.int32(0x5F3759DF) - (bits >> 1), jnp.float32)
            for _ in range(3):
                y = y * (1.5 - 0.5 * d * y * y)
            buf_v[pl.ds(i * LANES, LANES)] = y
            return carry

        lax.fori_loop(0, DEG_ROWS // LANES, newton, 0)
        pltpu.sync_copy(buf_v, out_hbm.at[pl.ds(sid * DEG_ROWS, DEG_ROWS)])



def _agg_body(u_hbm, src_hbm, dst_hbm, out_hbm, sidx_v, didx_v,
              rows0, rows1, rows2, rows3, zbuf_v,
              semg0, semg1, semg2, semg3, u_sh, acc_sh):
    cid = lax.axis_index("c")
    sid = lax.axis_index("s")
    wid = cid * NS + sid
    rows = (rows0, rows1, rows2, rows3)
    semg = (semg0, semg1, semg2, semg3)

    for r in range(8):
        for c in range(HIDDEN // LANES):
            zbuf_v[r, pl.ds(c * LANES, LANES)] = jnp.zeros((LANES,), jnp.float32)

    def zcopy(i, carry):
        pltpu.sync_copy(zbuf_v, acc_sh.at[pl.ds(sid * ACC_A + 8 * i, 8), :])
        return carry

    @pl.when(sid < 15)
    def _():
        lax.fori_loop(0, ACC_A // 8, zcopy, 0)

    @pl.when(sid == 15)
    def _():
        lax.fori_loop(0, ACC_B // 8, zcopy, 0)

    @pl.when(sid < 15)
    def _():
        pltpu.sync_copy(u_hbm.at[pl.ds(sid * ACC_A, ACC_A), :],
                        u_sh.at[pl.ds(sid * ACC_A, ACC_A), :])

    @pl.when(sid == 15)
    def _():
        pltpu.sync_copy(u_hbm.at[pl.ds(15 * ACC_A, ACC_B), :],
                        u_sh.at[pl.ds(15 * ACC_A, ACC_B), :])
    pltpu.sync_copy(src_hbm.at[wid], sidx_v)
    pltpu.sync_copy(dst_hbm.at[wid], didx_v)
    plsc.subcore_barrier()

    for b in range(NBUF):
        pltpu.async_copy(u_sh.at[sidx_v.at[b]], rows[b], semg[b])

    def rounds(t, carry):
        for b in range(NBUF):
            j = NBUF * t + b
            pltpu.make_async_copy(u_sh.at[sidx_v.at[j]], rows[b], semg[b]).wait()
            pltpu.sync_copy(rows[b], acc_sh.at[didx_v.at[j]], add=True)

            @pl.when(t < NCHUNK // NBUF - 1)
            def _():
                pltpu.async_copy(u_sh.at[sidx_v.at[j + NBUF]], rows[b], semg[b])
        return carry

    lax.fori_loop(0, NCHUNK // NBUF, rounds, 0)
    plsc.subcore_barrier()

    @pl.when(sid < 15)
    def _():
        pltpu.sync_copy(acc_sh.at[pl.ds(sid * ACC_A, ACC_A), :],
                        out_hbm.at[cid, pl.ds(sid * ACC_A, ACC_A), :])

    @pl.when(sid == 15)
    def _():
        pltpu.sync_copy(acc_sh.at[pl.ds(15 * ACC_A, ACC_B), :],
                        out_hbm.at[cid, pl.ds(15 * ACC_A, ACC_B), :])


_SC_PARAMS = pltpu.CompilerParams(use_tc_tiling_on_sc=False)
_SC_PARAMS_NLP = pltpu.CompilerParams(use_tc_tiling_on_sc=False,
                                      needs_layout_passes=False)


def _sc_mesh():
    return plsc.VectorSubcoreMesh(core_axis_name="c", subcore_axis_name="s",
                                  num_cores=NC, num_subcores=NS)


def _deg_call(dst3):
    k = pl.kernel(
        _deg_body,
        out_type=jax.ShapeDtypeStruct((N_PAD,), jnp.float32),
        mesh=_sc_mesh(),
        compiler_params=_SC_PARAMS,
        scratch_types=[
            pltpu.VMEM((DEG_NCHUNK, CHUNK), jnp.int32),
            pltpu.VMEM((112,), jnp.float32),
            pltpu.VMEM((DEG_ROWS,), jnp.float32),
            pltpu.VMEM_SHARED((N_PAD,), jnp.float32),
        ],
    )
    return k(dst3)


def _agg_call(u, src3, dst3):
    k = pl.kernel(
        _agg_body,
        out_type=jax.ShapeDtypeStruct((NC, N_NODES, HIDDEN), jnp.float32),
        mesh=_sc_mesh(),
        compiler_params=_SC_PARAMS,
        scratch_types=[
            pltpu.VMEM((NCHUNK, CHUNK), jnp.int32),
            pltpu.VMEM((NCHUNK, CHUNK), jnp.int32),
            pltpu.VMEM((CHUNK, HIDDEN), jnp.float32),
            pltpu.VMEM((CHUNK, HIDDEN), jnp.float32),
            pltpu.VMEM((CHUNK, HIDDEN), jnp.float32),
            pltpu.VMEM((CHUNK, HIDDEN), jnp.float32),
            pltpu.VMEM((8, HIDDEN), jnp.float32),
            pltpu.SemaphoreType.DMA,
            pltpu.SemaphoreType.DMA,
            pltpu.SemaphoreType.DMA,
            pltpu.SemaphoreType.DMA,
            pltpu.VMEM_SHARED((U_ROWS, HIDDEN), jnp.float32),
            pltpu.VMEM_SHARED((N_NODES, HIDDEN), jnp.float32),
        ],
    )
    return k(u, src3, dst3)



def _tc1a_body(x_ref, w_ref, xw_ref):
    xw_ref[...] = jnp.dot(x_ref[...], w_ref[...],
                          preferred_element_type=jnp.float32)


def _tc1b_body(xw_ref, dinv_ref, u_ref):
    u_ref[...] = xw_ref[...] * dinv_ref[...]


def _tc2_body(p_ref, u_ref, dinv_ref, b_ref, w_ref, u2_ref):
    agg = p_ref[0] + p_ref[1] + u_ref[...]
    h = jnp.maximum(dinv_ref[...] * agg + b_ref[...], 0.0)
    u2_ref[...] = jnp.dot(h, w_ref[...],
                          preferred_element_type=jnp.float32) * dinv_ref[...]


def _tc3_body(p_ref, u_ref, dinv_ref, b_ref, batch_ref, wc_ref, bc_ref, out_ref):
    agg = p_ref[0] + p_ref[1] + u_ref[...]
    h = jnp.maximum(dinv_ref[...] * agg + b_ref[...], 0.0)
    gid = lax.broadcasted_iota(jnp.int32, (NUM_GRAPHS, N_NODES), 0)
    onehot_t = (batch_ref[...] == gid).astype(jnp.float32)
    seg = jnp.dot(onehot_t, h, preferred_element_type=jnp.float32)
    counts = jnp.sum(onehot_t, axis=1, keepdims=True)
    hg = seg / jnp.maximum(counts, 1.0)
    out_ref[...] = jnp.dot(hg, wc_ref[...],
                           preferred_element_type=jnp.float32) + bc_ref[...]


def kernel(x, edge_index, batch, W1, b1, W2, b2, Wc, bc):
    srcp = edge_index[0].reshape(NC * NS, NCHUNK, CHUNK)
    dstp = edge_index[1].reshape(NC * NS, NCHUNK, CHUNK)
    dstdeg = edge_index[1].reshape(NS, DEG_NCHUNK, CHUNK)

    dinv_pad = _deg_call(dstdeg)
    dinv = dinv_pad[:N_NODES, None]

    xw1 = pl.pallas_call(
        _tc1a_body,
        out_shape=jax.ShapeDtypeStruct((N_NODES, HIDDEN), jnp.float32),
    )(x, W1)
    u1 = pl.pallas_call(
        _tc1b_body,
        out_shape=jax.ShapeDtypeStruct((N_NODES, HIDDEN), jnp.float32),
    )(xw1, dinv)

    p1 = _agg_call(u1, srcp, dstp)

    u2 = pl.pallas_call(
        _tc2_body,
        out_shape=jax.ShapeDtypeStruct((N_NODES, HIDDEN), jnp.float32),
    )(p1, u1, dinv, b1.reshape(1, HIDDEN), W2)

    p2 = _agg_call(u2, srcp, dstp)

    out = pl.pallas_call(
        _tc3_body,
        out_shape=jax.ShapeDtypeStruct((NUM_GRAPHS, OUT_DIM), jnp.float32),
    )(p2, u2, dinv, b2.reshape(1, HIDDEN), batch.reshape(1, N_NODES),
      Wc, bc.reshape(1, OUT_DIM))
    return out

# --- scband reference (transcript-rebuilt; emitter-appended) ---
"""Pipeline reference for scband-temporal-gcn-63084479643890 (READ-ONLY COPY).

The authoritative reference and input builder live on the scoring server;
editing this copy changes nothing except your own understanding.
"""

import jax, jax.numpy as jnp
import numpy as np

N_NODES = 10000
N_EDGES = 320000
IN_DIM = 200
HIDDEN = 64
OUT_DIM = 16
NUM_GRAPHS = 64


def gcn_conv(x, edge_index, W, b):
    # torch_geometric GCNConv: add self-loops, symmetric normalization,
    # out = D^{-1/2} (A + I) D^{-1/2} X W + b
    N = x.shape[0]
    src = edge_index[0]
    dst = edge_index[1]
    self_idx = jnp.arange(N, dtype=src.dtype)
    src = jnp.concatenate([src, self_idx])
    dst = jnp.concatenate([dst, self_idx])
    deg = jnp.zeros((N,), dtype=x.dtype).at[dst].add(1.0)
    deg_inv_sqrt = jnp.where(deg > 0, deg ** -0.5, 0.0)
    norm = deg_inv_sqrt[src] * deg_inv_sqrt[dst]
    xw = x @ W
    msg = xw[src] * norm[:, None]
    out = jnp.zeros((N, W.shape[1]), dtype=x.dtype).at[dst].add(msg)
    return out + b


def setup_inputs(seed: int = 0) -> dict:
    key = jax.random.key(seed)
    ks = jax.random.split(key, 9)
    x = jax.random.normal(ks[0], (N_NODES, IN_DIM), dtype=jnp.float32)
    edge_index = jax.random.randint(ks[1], (2, N_EDGES), 0, N_NODES, dtype=jnp.int32)
    batch = jnp.sort(jax.random.randint(ks[2], (N_NODES,), 0, NUM_GRAPHS, dtype=jnp.int32))
    W1 = jax.random.normal(ks[3], (IN_DIM, HIDDEN), dtype=jnp.float32) * (1.0 / np.sqrt(IN_DIM))
    b1 = jnp.zeros((HIDDEN,), dtype=jnp.float32)
    W2 = jax.random.normal(ks[4], (HIDDEN, HIDDEN), dtype=jnp.float32) * (1.0 / np.sqrt(HIDDEN))
    b2 = jnp.zeros((HIDDEN,), dtype=jnp.float32)
    Wc = jax.random.normal(ks[5], (HIDDEN, OUT_DIM), dtype=jnp.float32) * (1.0 / np.sqrt(HIDDEN))
    bc = jnp.zeros((OUT_DIM,), dtype=jnp.float32)
    return {"x": x, "edge_index": edge_index, "batch": batch,
            "W1": W1, "b1": b1, "W2": W2, "b2": b2, "Wc": Wc, "bc": bc}


def reference(x, edge_index, batch, W1, b1, W2, b2, Wc, bc):
    h = jax.nn.relu(gcn_conv(x, edge_index, W1, b1))
    h = jax.nn.relu(gcn_conv(h, edge_index, W2, b2))
    # global_mean_pool over graph ids in `batch`
    seg_sum = jax.ops.segment_sum(h, batch, num_segments=NUM_GRAPHS)
    counts = jax.ops.segment_sum(jnp.ones((h.shape[0],), dtype=h.dtype), batch, num_segments=NUM_GRAPHS)
    hg = seg_sum / jnp.maximum(counts, 1.0)[:, None]
    out = hg @ Wc + bc
    return out

if __name__ == "__main__":
    import jax
    _d = setup_inputs()
    print(jax.jit(kernel)(*tuple(_d.values())))

</pallas_src>

<mosaic_0001>
#map = affine_map<(d0, d1) -> (0, 0, 0)>
#map1 = affine_map<(d0, d1) -> (0)>
module attributes {stable_mosaic.version = 14 : i64} {
  func.func @_deg_body(%arg0: i32, %arg1: i32, %arg2: memref<16x200x100xi32, #tpu.memory_space<hbm>>, %arg3: memref<10240xf32, #tpu.memory_space<hbm>>, %arg4: memref<200x100xi32, #tpu.memory_space<vmem>>, %arg5: memref<112xf32, #tpu.memory_space<vmem>>, %arg6: memref<640xf32, #tpu.memory_space<vmem>>, %arg7: memref<10240xf32, #tpu.memory_space<vmem_shared>>) attributes {dimension_semantics = [#tpu.dimension_semantics<core_parallel>, #tpu.dimension_semantics<subcore_parallel>], iteration_bounds = array<i64: 2, 16>, scalar_prefetch = 0 : i64, scratch_operands = 4 : i64, tpu.core_type = #tpu.core_type<sc_vector_subcore>, window_params = [{transform_indices = #map}, {transform_indices = #map1}]} {
    %eq3A = arith.constant 0 : i32
    %eq3A_0 = arith.cmpi eq, %arg0, %eq3A : i32
    %convert_element_type3A = arith.extui %eq3A_0 : i1 to i32
    %cond3A = arith.constant 0 : i32
    %cond3A_1 = arith.cmpi ne, %convert_element_type3A, %cond3A : i32
    scf.if %cond3A_1 {
      %broadcast_in_dim3A = arith.constant 1.000000e+00 : f32
      %broadcast_in_dim3A_2 = vector.broadcast %broadcast_in_dim3A : f32 to vector<16xf32>
      %swap3A = arith.constant 0 : index
      %swap3A_3 = tpu.vector_load %arg5[%swap3A] {strides = array<i32>} : memref<112xf32, #tpu.memory_space<vmem>>, vector<16xf32>,
      %swap3A_4 = vector.shape_cast %swap3A_3 : vector<16xf32> to vector<16xf32>
      %swap3A_5 = vector.shape_cast %broadcast_in_dim3A_2 : vector<16xf32> to vector<16xf32>
      tpu.vector_store %arg5[%swap3A], %swap3A_5 {strides = array<i32>} : memref<112xf32, #tpu.memory_space<vmem>>, vector<16xf32>,
      %broadcast_in_dim3A_6 = arith.constant 1.000000e+00 : f32
      %broadcast_in_dim3A_7 = vector.broadcast %broadcast_in_dim3A_6 : f32 to vector<16xf32>
      %swap3A_8 = arith.constant 16 : index
      %swap3A_9 = tpu.vector_load %arg5[%swap3A_8] {strides = array<i32>} : memref<112xf32, #tpu.memory_space<vmem>>, vector<16xf32>,
      %swap3A_10 = vector.shape_cast %swap3A_9 : vector<16xf32> to vector<16xf32>
      %swap3A_11 = vector.shape_cast %broadcast_in_dim3A_7 : vector<16xf32> to vector<16xf32>
      tpu.vector_store %arg5[%swap3A_8], %swap3A_11 {strides = array<i32>} : memref<112xf32, #tpu.memory_space<vmem>>, vector<16xf32>,
      %broadcast_in_dim3A_12 = arith.constant 1.000000e+00 : f32
      %broadcast_in_dim3A_13 = vector.broadcast %broadcast_in_dim3A_12 : f32 to vector<16xf32>
      %swap3A_14 = arith.constant 32 : index
      %swap3A_15 = tpu.vector_load %arg5[%swap3A_14] {strides = array<i32>} : memref<112xf32, #tpu.memory_space<vmem>>, vector<16xf32>,
      %swap3A_16 = vector.shape_cast %swap3A_15 : vector<16xf32> to vector<16xf32>
      %swap3A_17 = vector.shape_cast %broadcast_in_dim3A_13 : vector<16xf32> to vector<16xf32>
      tpu.vector_store %arg5[%swap3A_14], %swap3A_17 {strides = array<i32>} : memref<112xf32, #tpu.memory_space<vmem>>, vector<16xf32>,
      %broadcast_in_dim3A_18 = arith.constant 1.000000e+00 : f32
      %broadcast_in_dim3A_19 = vector.broadcast %broadcast_in_dim3A_18 : f32 to vector<16xf32>
      %swap3A_20 = arith.constant 48 : index
      %swap3A_21 = tpu.vector_load %arg5[%swap3A_20] {strides = array<i32>} : memref<112xf32, #tpu.memory_space<vmem>>, vector<16xf32>,
      %swap3A_22 = vector.shape_cast %swap3A_21 : vector<16xf32> to vector<16xf32>
      %swap3A_23 = vector.shape_cast %broadcast_in_dim3A_19 : vector<16xf32> to vector<16xf32>
      tpu.vector_store %arg5[%swap3A_20], %swap3A_23 {strides = array<i32>} : memref<112xf32, #tpu.memory_space<vmem>>, vector<16xf32>,
      %broadcast_in_dim3A_24 = arith.constant 1.000000e+00 : f32
      %broadcast_in_dim3A_25 = vector.broadcast %broadcast_in_dim3A_24 : f32 to vector<16xf32>
      %swap3A_26 = arith.constant 64 : index
      %swap3A_27 = tpu.vector_load %arg5[%swap3A_26] {strides = array<i32>} : memref<112xf32, #tpu.memory_space<vmem>>, vector<16xf32>,
      %swap3A_28 = vector.shape_cast %swap3A_27 : vector<16xf32> to vector<16xf32>
      %swap3A_29 = vector.shape_cast %broadcast_in_dim3A_25 : vector<16xf32> to vector<16xf32>
      tpu.vector_store %arg5[%swap3A_26], %swap3A_29 {strides = array<i32>} : memref<112xf32, #tpu.memory_space<vmem>>, vector<16xf32>,
      %broadcast_in_dim3A_30 = arith.constant 1.000000e+00 : f32
      %broadcast_in_dim3A_31 = vector.broadcast %broadcast_in_dim3A_30 : f32 to vector<16xf32>
      %swap3A_32 = arith.constant 80 : index
      %swap3A_33 = tpu.vector_load %arg5[%swap3A_32] {strides = array<i32>} : memref<112xf32, #tpu.memory_space<vmem>>, vector<16xf32>,
      %swap3A_34 = vector.shape_cast %swap3A_33 : vector<16xf32> to vector<16xf32>
      %swap3A_35 = vector.shape_cast %broadcast_in_dim3A_31 : vector<16xf32> to vector<16xf32>
      tpu.vector_store %arg5[%swap3A_32], %swap3A_35 {strides = array<i32>} : memref<112xf32, #tpu.memory_space<vmem>>, vector<16xf32>,
      %broadcast_in_dim3A_36 = arith.constant 1.000000e+00 : f32
      %broadcast_in_dim3A_37 = vector.broadcast %broadcast_in_dim3A_36 : f32 to vector<16xf32>
      %swap3A_38 = arith.constant 96 : index
      %swap3A_39 = tpu.vector_load %arg5[%swap3A_38] {strides = array<i32>} : memref<112xf32, #tpu.memory_space<vmem>>, vector<16xf32>,
      %swap3A_40 = vector.shape_cast %swap3A_39 : vector<16xf32> to vector<16xf32>
      %swap3A_41 = vector.shape_cast %broadcast_in_dim3A_37 : vector<16xf32> to vector<16xf32>
      tpu.vector_store %arg5[%swap3A_38], %swap3A_41 {strides = array<i32>} : memref<112xf32, #tpu.memory_space<vmem>>, vector<16xf32>,
      %scan3A = arith.constant 0 : i32
      %scan3A_42 = arith.constant 0 : i32
      %scan3A_43 = arith.constant 40 : i32
      %scan3A_44 = arith.addi %scan3A_42, %scan3A_43 : i32
      %scan3A_45 = arith.constant 1 : i32
      scf.for %scan3A_65 = %scan3A_42 to %scan3A_44 step %scan3A_45  : i32 {
        %broadcast_in_dim3A_66 = arith.constant 0.000000e+00 : f32
        %broadcast_in_dim3A_67 = vector.broadcast %broadcast_in_dim3A_66 : f32 to vector<16xf32>
        %mul3A_68 = arith.constant 16 : i32
        %mul3A_69 = arith.muli %scan3A_65, %mul3A_68 : i32
        %swap3A_70 = arith.index_cast %mul3A_69 : i32 to index
        %swap3A_71 = tpu.vector_load %arg6[%swap3A_70] {strides = array<i32>} : memref<640xf32, #tpu.memory_space<vmem>>, vector<16xf32>,
        %swap3A_72 = vector.shape_cast %swap3A_71 : vector<16xf32> to vector<16xf32>
        %swap3A_73 = vector.shape_cast %broadcast_in_dim3A_67 : vector<16xf32> to vector<16xf32>
        tpu.vector_store %arg6[%swap3A_70], %swap3A_73 {strides = array<i32>} : memref<640xf32, #tpu.memory_space<vmem>>, vector<16xf32>,
      }
      %scan3A_46 = arith.constant 40 : i32
      %mul3A = arith.constant 640 : i32
      %mul3A_47 = arith.muli %arg1, %mul3A : i32
      "tpu.region"() ({
        %run_scoped3A = tpu.sem_alloc : memref<!tpu.dma_semaphore, #tpu.memory_space<semaphore_mem>>
        %dma_start3A = tpu.memref_slice %arg7[%mul3A_47] : memref<10240xf32, #tpu.memory_space<vmem_shared>> -> memref<640xf32, #tpu.memory_space<vmem_shared>>
        %dma_start3A_65 = tpu.memref_slice %arg7[%mul3A_47] : memref<10240xf32, #tpu.memory_space<vmem_shared>> -> memref<640xf32, #tpu.memory_space<vmem_shared>>
        tpu.enqueue_dma source(%arg6 : memref<640xf32, #tpu.memory_space<vmem>>) target(%dma_start3A_65 : memref<640xf32, #tpu.memory_space<vmem_shared>>) target_semaphore(%run_scoped3A : memref<!tpu.dma_semaphore, #tpu.memory_space<semaphore_mem>>)
        %dma_wait3A = tpu.memref_slice %arg7[%mul3A_47] : memref<10240xf32, #tpu.memory_space<vmem_shared>> -> memref<640xf32, #tpu.memory_space<vmem_shared>>
        %dma_wait3A_66 = tpu.memref_slice %arg7[%mul3A_47] : memref<10240xf32, #tpu.memory_space<vmem_shared>> -> memref<640xf32, #tpu.memory_space<vmem_shared>>
        tpu.wait_dma2 semaphore(%run_scoped3A : memref<!tpu.dma_semaphore, #tpu.memory_space<semaphore_mem>>) src(%arg6 : memref<640xf32, #tpu.memory_space<vmem>>) dst(%dma_wait3A_66 : memref<640xf32, #tpu.memory_space<vmem_shared>>)
        tpu.yield
      }) : () -> ()
      "tpu.region"() ({
        %run_scoped3A = tpu.sem_alloc : memref<!tpu.dma_semaphore, #tpu.memory_space<semaphore_mem>>
        %dma_start3A = arith.constant 0 : i32
        %dma_start3A_65 = arith.constant 0 : i32
        %dma_start3A_66 = tpu.memref_slice %arg2[%arg1, %dma_start3A, %dma_start3A_65] : memref<16x200x100xi32, #tpu.memory_space<hbm>> -> memref<1x200x100xi32, #tpu.memory_space<hbm>>
        %dma_start3A_67 = tpu.memref_squeeze %dma_start3A_66 : memref<1x200x100xi32, #tpu.memory_space<hbm>> -> memref<200x100xi32, #tpu.memory_space<hbm>>
        %dma_start3A_68 = arith.constant 0 : i32
        %dma_start3A_69 = arith.constant 0 : i32
        %dma_start3A_70 = tpu.memref_slice %arg2[%arg1, %dma_start3A_68, %dma_start3A_69] : memref<16x200x100xi32, #tpu.memory_space<hbm>> -> memref<1x200x100xi32, #tpu.memory_space<hbm>>
        %dma_start3A_71 = tpu.memref_squeeze %dma_start3A_70 : memref<1x200x100xi32, #tpu.memory_space<hbm>> -> memref<200x100xi32, #tpu.memory_space<hbm>>
        tpu.enqueue_dma source(%dma_start3A_71 : memref<200x100xi32, #tpu.memory_space<hbm>>) target(%arg4 : memref<200x100xi32, #tpu.memory_space<vmem>>) target_semaphore(%run_scoped3A : memref<!tpu.dma_semaphore, #tpu.memory_space<semaphore_mem>>)
        %dma_wait3A = arith.constant 0 : i32
        %dma_wait3A_72 = arith.constant 0 : i32
        %dma_wait3A_73 = tpu.memref_slice %arg2[%arg1, %dma_wait3A, %dma_wait3A_72] : memref<16x200x100xi32, #tpu.memory_space<hbm>> -> memref<1x200x100xi32, #tpu.memory_space<hbm>>
        %dma_wait3A_74 = tpu.memref_squeeze %dma_wait3A_73 : memref<1x200x100xi32, #tpu.memory_space<hbm>> -> memref<200x100xi32, #tpu.memory_space<hbm>>
        %dma_wait3A_75 = arith.constant 0 : i32
        %dma_wait3A_76 = arith.constant 0 : i32
        %dma_wait3A_77 = tpu.memref_slice %arg2[%arg1, %dma_wait3A_75, %dma_wait3A_76] : memref<16x200x100xi32, #tpu.memory_space<hbm>> -> memref<1x200x100xi32, #tpu.memory_space<hbm>>
        %dma_wait3A_78 = tpu.memref_squeeze %dma_wait3A_77 : memref<1x200x100xi32, #tpu.memory_space<hbm>> -> memref<200x100xi32, #tpu.memory_space<hbm>>
        tpu.wait_dma2 semaphore(%run_scoped3A : memref<!tpu.dma_semaphore, #tpu.memory_space<semaphore_mem>>) src(%dma_wait3A_78 : memref<200x100xi32, #tpu.memory_space<hbm>>) dst(%arg4 : memref<200x100xi32, #tpu.memory_space<vmem>>)
        tpu.yield
      }) : () -> ()
      %barrier3A = arith.constant 0 : index
      tpu.barrier barrier_id(%barrier3A)
      %scan3A_48 = arith.constant 0 : i32
      %scan3A_49 = arith.constant 0 : i32
      %scan3A_50 = arith.constant 200 : i32
      %scan3A_51 = arith.addi %scan3A_49, %scan3A_50 : i32
      %scan3A_52 = arith.constant 1 : i32
      scf.for %scan3A_65 = %scan3A_49 to %scan3A_51 step %scan3A_52  : i32 {
        "tpu.region"() ({
          %run_scoped3A = tpu.sem_alloc : memref<!tpu.dma_semaphore, #tpu.memory_space<semaphore_mem>>
          %dma_start3A = arith.constant 0 : i32
          %dma_start3A_66 = tpu.memref_slice %arg5[%dma_start3A] : memref<112xf32, #tpu.memory_space<vmem>> -> memref<100xf32, #tpu.memory_space<vmem>>
          %dma_start3A_67 = arith.constant 0 : i32
          %dma_start3A_68 = tpu.memref_slice %arg4[%scan3A_65, %dma_start3A_67] : memref<200x100xi32, #tpu.memory_space<vmem>> -> memref<1x100xi32, #tpu.memory_space<vmem>>
          %dma_start3A_69 = tpu.memref_squeeze %dma_start3A_68 : memref<1x100xi32, #tpu.memory_space<vmem>> -> memref<100xi32, #tpu.memory_space<vmem>>
          %dma_start3A_70 = arith.constant 0 : i32
          %dma_start3A_71 = tpu.memref_slice %arg7[%dma_start3A_70] : memref<10240xf32, #tpu.memory_space<vmem_shared>> -> memref<10240xf32, #tpu.memory_space<vmem_shared>>
          tpu.enqueue_indirect_dma source(%dma_start3A_66 : memref<100xf32, #tpu.memory_space<vmem>>) target(%dma_start3A_71 : memref<10240xf32, #tpu.memory_space<vmem_shared>>) offsets(%dma_start3A_69 : memref<100xi32, #tpu.memory_space<vmem>>) semaphore(%run_scoped3A : memref<!tpu.dma_semaphore, #tpu.memory_space<semaphore_mem>>) {add = true}
          %dma_wait3A = arith.constant 0 : i32
          %dma_wait3A_72 = tpu.memref_slice %arg5[%dma_wait3A] : memref<112xf32, #tpu.memory_space<vmem>> -> memref<100xf32, #tpu.memory_space<vmem>>
          %dma_wait3A_73 = arith.constant 0 : i32
          %dma_wait3A_74 = tpu.memref_slice %arg4[%scan3A_65, %dma_wait3A_73] : memref<200x100xi32, #tpu.memory_space<vmem>> -> memref<1x100xi32, #tpu.memory_space<vmem>>
          %dma_wait3A_75 = tpu.memref_squeeze %dma_wait3A_74 : memref<1x100xi32, #tpu.memory_space<vmem>> -> memref<100xi32, #tpu.memory_space<vmem>>
          %dma_wait3A_76 = arith.constant 0 : i32
          %dma_wait3A_77 = tpu.memref_slice %arg7[%dma_wait3A_76] : memref<10240xf32, #tpu.memory_space<vmem_shared>> -> memref<10240xf32, #tpu.memory_space<vmem_shared>>
          tpu.wait_indirect_dma semaphore(%run_scoped3A : memref<!tpu.dma_semaphore, #tpu.memory_space<semaphore_mem>>) src(%dma_wait3A_72 : memref<100xf32, #tpu.memory_space<vmem>>) dst(%dma_wait3A_77 : memref<10240xf32, #tpu.memory_space<vmem_shared>>)
          tpu.yield
        }) : () -> ()
      }
      %scan3A_53 = arith.constant 200 : i32
      %barrier3A_54 = arith.constant 0 : index
      tpu.barrier barrier_id(%barrier3A_54)
      %mul3A_55 = arith.constant 640 : i32
      %mul3A_56 = arith.muli %arg1, %mul3A_55 : i32
      "tpu.region"() ({
        %run_scoped3A = tpu.sem_alloc : memref<!tpu.dma_semaphore, #tpu.memory_space<semaphore_mem>>
        %dma_start3A = tpu.memref_slice %arg7[%mul3A_56] : memref<10240xf32, #tpu.memory_space<vmem_shared>> -> memref<640xf32, #tpu.memory_space<vmem_shared>>
        %dma_start3A_65 = tpu.memref_slice %arg7[%mul3A_56] : memref<10240xf32, #tpu.memory_space<vmem_shared>> -> memref<640xf32, #tpu.memory_space<vmem_shared>>
        tpu.enqueue_dma source(%dma_start3A_65 : memref<640xf32, #tpu.memory_space<vmem_shared>>) target(%arg6 : memref<640xf32, #tpu.memory_space<vmem>>) target_semaphore(%run_scoped3A : memref<!tpu.dma_semaphore, #tpu.memory_space<semaphore_mem>>)
        %dma_wait3A = tpu.memref_slice %arg7[%mul3A_56] : memref<10240xf32, #tpu.memory_space<vmem_shared>> -> memref<640xf32, #tpu.memory_space<vmem_shared>>
        %dma_wait3A_66 = tpu.memref_slice %arg7[%mul3A_56] : memref<10240xf32, #tpu.memory_space<vmem_shared>> -> memref<640xf32, #tpu.memory_space<vmem_shared>>
        tpu.wait_dma2 semaphore(%run_scoped3A : memref<!tpu.dma_semaphore, #tpu.memory_space<semaphore_mem>>) src(%dma_wait3A_66 : memref<640xf32, #tpu.memory_space<vmem_shared>>) dst(%arg6 : memref<640xf32, #tpu.memory_space<vmem>>)
        tpu.yield
      }) : () -> ()
      %scan3A_57 = arith.constant 0 : i32
      %scan3A_58 = arith.constant 0 : i32
      %scan3A_59 = arith.constant 40 : i32
      %scan3A_60 = arith.addi %scan3A_58, %scan3A_59 : i32
      %scan3A_61 = arith.constant 1 : i32
      scf.for %scan3A_65 = %scan3A_58 to %scan3A_60 step %scan3A_61  : i32 {
        %mul3A_66 = arith.constant 16 : i32
        %mul3A_67 = arith.muli %scan3A_65, %mul3A_66 : i32
        %get3A = arith.index_cast %mul3A_67 : i32 to index
        %get3A_68 = tpu.vector_load %arg6[%get3A] {strides = array<i32>} : memref<640xf32, #tpu.memory_space<vmem>>, vector<16xf32>,
        %get3A_69 = vector.shape_cast %get3A_68 : vector<16xf32> to vector<16xf32>
        %add3A = arith.constant 1.000000e+00 : f32
        %add3A_70 = vector.broadcast %add3A : f32 to vector<16xf32>
        %add3A_71 = arith.addf %get3A_69, %add3A_70 : vector<16xf32>
        %bitcast_convert_type3A = tpu.bitcast %add3A_71 : vector<16xf32> -> vector<16xi32>
        %shift_right_arithmetic3A = arith.constant 1 : i32
        %shift_right_arithmetic3A_72 = vector.broadcast %shift_right_arithmetic3A : i32 to vector<16xi32>
        %shift_right_arithmetic3A_73 = arith.shrsi %bitcast_convert_type3A, %shift_right_arithmetic3A_72 : vector<16xi32>
        %sub3A = arith.constant 1597463007 : i32
        %sub3A_74 = vector.broadcast %sub3A : i32 to vector<16xi32>
        %sub3A_75 = arith.subi %sub3A_74, %shift_right_arithmetic3A_73 : vector<16xi32>
        %bitcast_convert_type3A_76 = tpu.bitcast %sub3A_75 : vector<16xi32> -> vector<16xf32>
        %mul3A_77 = arith.constant 5.000000e-01 : f32
        %mul3A_78 = vector.broadcast %mul3A_77 : f32 to vector<16xf32>
        %mul3A_79 = arith.mulf %mul3A_78, %add3A_71 : vector<16xf32>
        %mul3A_80 = arith.mulf %mul3A_79, %bitcast_convert_type3A_76 : vector<16xf32>
        %mul3A_81 = arith.mulf %mul3A_80, %bitcast_convert_type3A_76 : vector<16xf32>
        %sub3A_82 = arith.constant 1.500000e+00 : f32
        %sub3A_83 = vector.broadcast %sub3A_82 : f32 to vector<16xf32>
        %sub3A_84 = arith.subf %sub3A_83, %mul3A_81 : vector<16xf32>
        %mul3A_85 = arith.mulf %bitcast_convert_type3A_76, %sub3A_84 : vector<16xf32>
        %mul3A_86 = arith.constant 5.000000e-01 : f32
        %mul3A_87 = vector.broadcast %mul3A_86 : f32 to vector<16xf32>
        %mul3A_88 = arith.mulf %mul3A_87, %add3A_71 : vector<16xf32>
        %mul3A_89 = arith.mulf %mul3A_88, %mul3A_85 : vector<16xf32>
        %mul3A_90 = arith.mulf %mul3A_89, %mul3A_85 : vector<16xf32>
        %sub3A_91 = arith.constant 1.500000e+00 : f32
        %sub3A_92 = vector.broadcast %sub3A_91 : f32 to vector<16xf32>
        %sub3A_93 = arith.subf %sub3A_92, %mul3A_90 : vector<16xf32>
        %mul3A_94 = arith.mulf %mul3A_85, %sub3A_93 : vector<16xf32>
        %mul3A_95 = arith.constant 5.000000e-01 : f32
        %mul3A_96 = vector.broadcast %mul3A_95 : f32 to vector<16xf32>
        %mul3A_97 = arith.mulf %mul3A_96, %add3A_71 : vector<16xf32>
        %mul3A_98 = arith.mulf %mul3A_97, %mul3A_94 : vector<16xf32>
        %mul3A_99 = arith.mulf %mul3A_98, %mul3A_94 : vector<16xf32>
        %sub3A_100 = arith.constant 1.500000e+00 : f32
        %sub3A_101 = vector.broadcast %sub3A_100 : f32 to vector<16xf32>
        %sub3A_102 = arith.subf %sub3A_101, %mul3A_99 : vector<16xf32>
        %mul3A_103 = arith.mulf %mul3A_94, %sub3A_102 : vector<16xf32>
        %mul3A_104 = arith.constant 16 : i32
        %mul3A_105 = arith.muli %scan3A_65, %mul3A_104 : i32
        %swap3A_106 = arith.index_cast %mul3A_105 : i32 to index
        %swap3A_107 = tpu.vector_load %arg6[%swap3A_106] {strides = array<i32>} : memref<640xf32, #tpu.memory_space<vmem>>, vector<16xf32>,
        %swap3A_108 = vector.shape_cast %swap3A_107 : vector<16xf32> to vector<16xf32>
        %swap3A_109 = vector.shape_cast %mul3A_103 : vector<16xf32> to vector<16xf32>
        tpu.vector_store %arg6[%swap3A_106], %swap3A_109 {strides = array<i32>} : memref<640xf32, #tpu.memory_space<vmem>>, vector<16xf32>,
      }
      %scan3A_62 = arith.constant 40 : i32
      %mul3A_63 = arith.constant 640 : i32
      %mul3A_64 = arith.muli %arg1, %mul3A_63 : i32
      "tpu.region"() ({
        %run_scoped3A = tpu.sem_alloc : memref<!tpu.dma_semaphore, #tpu.memory_space<semaphore_mem>>
        %dma_start3A = tpu.memref_slice %arg3[%mul3A_64] : memref<10240xf32, #tpu.memory_space<hbm>> -> memref<640xf32, #tpu.memory_space<hbm>>
        %dma_start3A_65 = tpu.memref_slice %arg3[%mul3A_64] : memref<10240xf32, #tpu.memory_space<hbm>> -> memref<640xf32, #tpu.memory_space<hbm>>
        tpu.enqueue_dma source(%arg6 : memref<640xf32, #tpu.memory_space<vmem>>) target(%dma_start3A_65 : memref<640xf32, #tpu.memory_space<hbm>>) target_semaphore(%run_scoped3A : memref<!tpu.dma_semaphore, #tpu.memory_space<semaphore_mem>>)
        %dma_wait3A = tpu.memref_slice %arg3[%mul3A_64] : memref<10240xf32, #tpu.memory_space<hbm>> -> memref<640xf32, #tpu.memory_space<hbm>>
        %dma_wait3A_66 = tpu.memref_slice %arg3[%mul3A_64] : memref<10240xf32, #tpu.memory_space<hbm>> -> memref<640xf32, #tpu.memory_space<hbm>>
        tpu.wait_dma2 semaphore(%run_scoped3A : memref<!tpu.dma_semaphore, #tpu.memory_space<semaphore_mem>>) src(%arg6 : memref<640xf32, #tpu.memory_space<vmem>>) dst(%dma_wait3A_66 : memref<640xf32, #tpu.memory_space<hbm>>)
        tpu.yield
      }) : () -> ()
    } else {
    }
    return
  }
}

#map = affine_map<(d0, d1) -> (0, 0)>
#map1 = affine_map<(d0, d1) -> (0, 0, 0)>
module attributes {stable_mosaic.version = 14 : i64} {
  func.func @_agg_body(%arg0: i32, %arg1: i32, %arg2: memref<10000x64xf32, #tpu.memory_space<hbm>>, %arg3: memref<32x100x100xi32, #tpu.memory_space<hbm>>, %arg4: memref<32x100x100xi32, #tpu.memory_space<hbm>>, %arg5: memref<2x10000x64xf32, #tpu.memory_space<hbm>>, %arg6: memref<100x100xi32, #tpu.memory_space<vmem>>, %arg7: memref<100x100xi32, #tpu.memory_space<vmem>>, %arg8: memref<100x64xf32, #tpu.memory_space<vmem>>, %arg9: memref<100x64xf32, #tpu.memory_space<vmem>>, %arg10: memref<100x64xf32, #tpu.memory_space<vmem>>, %arg11: memref<100x64xf32, #tpu.memory_space<vmem>>, %arg12: memref<8x64xf32, #tpu.memory_space<vmem>>, %arg13: memref<!tpu.dma_semaphore, #tpu.memory_space<semaphore_mem>>, %arg14: memref<!tpu.dma_semaphore, #tpu.memory_space<semaphore_mem>>, %arg15: memref<!tpu.dma_semaphore, #tpu.memory_space<semaphore_mem>>, %arg16: memref<!tpu.dma_semaphore, #tpu.memory_space<semaphore_mem>>, %arg17: memref<10112x64xf32, #tpu.memory_space<vmem_shared>>, %arg18: memref<10000x64xf32, #tpu.memory_space<vmem_shared>>) attributes {dimension_semantics = [#tpu.dimension_semantics<core_parallel>, #tpu.dimension_semantics<subcore_parallel>], iteration_bounds = array<i64: 2, 16>, scalar_prefetch = 0 : i64, scratch_operands = 13 : i64, tpu.core_type = #tpu.core_type<sc_vector_subcore>, window_params = [{transform_indices = #map}, {transform_indices = #map1}, {transform_indices = #map1}, {transform_indices = #map1}]} {
    %mul3A = arith.constant 16 : i32
    %mul3A_0 = arith.muli %arg0, %mul3A : i32
    %add3A = arith.addi %mul3A_0, %arg1 : i32
    %broadcast_in_dim3A = arith.constant 0.000000e+00 : f32
    %broadcast_in_dim3A_1 = vector.broadcast %broadcast_in_dim3A : f32 to vector<16xf32>
    %swap3A = arith.constant 0 : i32
    %swap3A_2 = arith.index_cast %swap3A : i32 to index
    %swap3A_3 = arith.constant 0 : index
    %swap3A_4 = tpu.vector_load %arg12[%swap3A_2, %swap3A_3] {strides = array<i32>} : memref<8x64xf32, #tpu.memory_space<vmem>>, vector<1x16xf32>,
    %swap3A_5 = vector.shape_cast %swap3A_4 : vector<1x16xf32> to vector<16xf32>
    %swap3A_6 = vector.shape_cast %broadcast_in_dim3A_1 : vector<16xf32> to vector<1x16xf32>
    tpu.vector_store %arg12[%swap3A_2, %swap3A_3], %swap3A_6 {strides = array<i32>} : memref<8x64xf32, #tpu.memory_space<vmem>>, vector<1x16xf32>,
    %broadcast_in_dim3A_7 = arith.constant 0.000000e+00 : f32
    %broadcast_in_dim3A_8 = vector.broadcast %broadcast_in_dim3A_7 : f32 to vector<16xf32>
    %swap3A_9 = arith.constant 0 : i32
    %swap3A_10 = arith.index_cast %swap3A_9 : i32 to index
    %swap3A_11 = arith.constant 16 : index
    %swap3A_12 = tpu.vector_load %arg12[%swap3A_10, %swap3A_11] {strides = array<i32>} : memref<8x64xf32, #tpu.memory_space<vmem>>, vector<1x16xf32>,
    %swap3A_13 = vector.shape_cast %swap3A_12 : vector<1x16xf32> to vector<16xf32>
    %swap3A_14 = vector.shape_cast %broadcast_in_dim3A_8 : vector<16xf32> to vector<1x16xf32>
    tpu.vector_store %arg12[%swap3A_10, %swap3A_11], %swap3A_14 {strides = array<i32>} : memref<8x64xf32, #tpu.memory_space<vmem>>, vector<1x16xf32>,
    %broadcast_in_dim3A_15 = arith.constant 0.000000e+00 : f32
    %broadcast_in_dim3A_16 = vector.broadcast %broadcast_in_dim3A_15 : f32 to vector<16xf32>
    %swap3A_17 = arith.constant 0 : i32
    %swap3A_18 = arith.index_cast %swap3A_17 : i32 to index
    %swap3A_19 = arith.constant 32 : index
    %swap3A_20 = tpu.vector_load %arg12[%swap3A_18, %swap3A_19] {strides = array<i32>} : memref<8x64xf32, #tpu.memory_space<vmem>>, vector<1x16xf32>,
    %swap3A_21 = vector.shape_cast %swap3A_20 : vector<1x16xf32> to vector<16xf32>
    %swap3A_22 = vector.shape_cast %broadcast_in_dim3A_16 : vector<16xf32> to vector<1x16xf32>
    tpu.vector_store %arg12[%swap3A_18, %swap3A_19], %swap3A_22 {strides = array<i32>} : memref<8x64xf32, #tpu.memory_space<vmem>>, vector<1x16xf32>,
    %broadcast_in_dim3A_23 = arith.constant 0.000000e+00 : f32
    %broadcast_in_dim3A_24 = vector.broadcast %broadcast_in_dim3A_23 : f32 to vector<16xf32>
    %swap3A_25 = arith.constant 0 : i32
    %swap3A_26 = arith.index_cast %swap3A_25 : i32 to index
    %swap3A_27 = arith.constant 48 : index
    %swap3A_28 = tpu.vector_load %arg12[%swap3A_26, %swap3A_27] {strides = array<i32>} : memref<8x64xf32, #tpu.memory_space<vmem>>, vector<1x16xf32>,
    %swap3A_29 = vector.shape_cast %swap3A_28 : vector<1x16xf32> to vector<16xf32>
    %swap3A_30 = vector.shape_cast %broadcast_in_dim3A_24 : vector<16xf32> to vector<1x16xf32>
    tpu.vector_store %arg12[%swap3A_26, %swap3A_27], %swap3A_30 {strides = array<i32>} : memref<8x64xf32, #tpu.memory_space<vmem>>, vector<1x16xf32>,
    %broadcast_in_dim3A_31 = arith.constant 0.000000e+00 : f32
    %broadcast_in_dim3A_32 = vector.broadcast %broadcast_in_dim3A_31 : f32 to vector<16xf32>
    %swap3A_33 = arith.constant 1 : i32
    %swap3A_34 = arith.index_cast %swap3A_33 : i32 to index
    %swap3A_35 = arith.constant 0 : index
    %swap3A_36 = tpu.vector_load %arg12[%swap3A_34, %swap3A_35] {strides = array<i32>} : memref<8x64xf32, #tpu.memory_space<vmem>>, vector<1x16xf32>,
    %swap3A_37 = vector.shape_cast %swap3A_36 : vector<1x16xf32> to vector<16xf32>
    %swap3A_38 = vector.shape_cast %broadcast_in_dim3A_32 : vector<16xf32> to vector<1x16xf32>
    tpu.vector_store %arg12[%swap3A_34, %swap3A_35], %swap3A_38 {strides = array<i32>} : memref<8x64xf32, #tpu.memory_space<vmem>>, vector<1x16xf32>,
    %broadcast_in_dim3A_39 = arith.constant 0.000000e+00 : f32
    %broadcast_in_dim3A_40 = vector.broadcast %broadcast_in_dim3A_39 : f32 to vector<16xf32>
    %swap3A_41 = arith.constant 1 : i32
    %swap3A_42 = arith.index_cast %swap3A_41 : i32 to index
    %swap3A_43 = arith.constant 16 : index
    %swap3A_44 = tpu.vector_load %arg12[%swap3A_42, %swap3A_43] {strides = array<i32>} : memref<8x64xf32, #tpu.memory_space<vmem>>, vector<1x16xf32>,
    %swap3A_45 = vector.shape_cast %swap3A_44 : vector<1x16xf32> to vector<16xf32>
    %swap3A_46 = vector.shape_cast %broadcast_in_dim3A_40 : vector<16xf32> to vector<1x16xf32>
    tpu.vector_store %arg12[%swap3A_42, %swap3A_43], %swap3A_46 {strides = array<i32>} : memref<8x64xf32, #tpu.memory_space<vmem>>, vector<1x16xf32>,
    %broadcast_in_dim3A_47 = arith.constant 0.000000e+00 : f32
    %broadcast_in_dim3A_48 = vector.broadcast %broadcast_in_dim3A_47 : f32 to vector<16xf32>
    %swap3A_49 = arith.constant 1 : i32
    %swap3A_50 = arith.index_cast %swap3A_49 : i32 to index
    %swap3A_51 = arith.constant 32 : index
    %swap3A_52 = tpu.vector_load %arg12[%swap3A_50, %swap3A_51] {strides = array<i32>} : memref<8x64xf32, #tpu.memory_space<vmem>>, vector<1x16xf32>,
    %swap3A_53 = vector.shape_cast %swap3A_52 : vector<1x16xf32> to vector<16xf32>
    %swap3A_54 = vector.shape_cast %broadcast_in_dim3A_48 : vector<16xf32> to vector<1x16xf32>
    tpu.vector_store %arg12[%swap3A_50, %swap3A_51], %swap3A_54 {strides = array<i32>} : memref<8x64xf32, #tpu.memory_space<vmem>>, vector<1x16xf32>,
    %broadcast_in_dim3A_55 = arith.constant 0.000000e+00 : f32
    %broadcast_in_dim3A_56 = vector.broadcast %broadcast_in_dim3A_55 : f32 to vector<16xf32>
    %swap3A_57 = arith.constant 1 : i32
    %swap3A_58 = arith.index_cast %swap3A_57 : i32 to index
    %swap3A_59 = arith.constant 48 : index
    %swap3A_60 = tpu.vector_load %arg12[%swap3A_58, %swap3A_59] {strides = array<i32>} : memref<8x64xf32, #tpu.memory_space<vmem>>, vector<1x16xf32>,
    %swap3A_61 = vector.shape_cast %swap3A_60 : vector<1x16xf32> to vector<16xf32>
    %swap3A_62 = vector.shape_cast %broadcast_in_dim3A_56 : vector<16xf32> to vector<1x16xf32>
    tpu.vector_store %arg12[%swap3A_58, %swap3A_59], %swap3A_62 {strides = array<i32>} : memref<8x64xf32, #tpu.memory_space<vmem>>, vector<1x16xf32>,
    %broadcast_in_dim3A_63 = arith.constant 0.000000e+00 : f32
    %broadcast_in_dim3A_64 = vector.broadcast %broadcast_in_dim3A_63 : f32 to vector<16xf32>
    %swap3A_65 = arith.constant 2 : i32
    %swap3A_66 = arith.index_cast %swap3A_65 : i32 to index
    %swap3A_67 = arith.constant 0 : index
    %swap3A_68 = tpu.vector_load %arg12[%swap3A_66, %swap3A_67] {strides = array<i32>} : memref<8x64xf32, #tpu.memory_space<vmem>>, vector<1x16xf32>,
    %swap3A_69 = vector.shape_cast %swap3A_68 : vector<1x16xf32> to vector<16xf32>
    %swap3A_70 = vector.shape_cast %broadcast_in_dim3A_64 : vector<16xf32> to vector<1x16xf32>
    tpu.vector_store %arg12[%swap3A_66, %swap3A_67], %swap3A_70 {strides = array<i32>} : memref<8x64xf32, #tpu.memory_space<vmem>>, vector<1x16xf32>,
    %broadcast_in_dim3A_71 = arith.constant 0.000000e+00 : f32
    %broadcast_in_dim3A_72 = vector.broadcast %broadcast_in_dim3A_71 : f32 to vector<16xf32>
    %swap3A_73 = arith.constant 2 : i32
    %swap3A_74 = arith.index_cast %swap3A_73 : i32 to index
    %swap3A_75 = arith.constant 16 : index
    %swap3A_76 = tpu.vector_load %arg12[%swap3A_74, %swap3A_75] {strides = array<i32>} : memref<8x64xf32, #tpu.memory_space<vmem>>, vector<1x16xf32>,
    %swap3A_77 = vector.shape_cast %swap3A_76 : vector<1x16xf32> to vector<16xf32>
    %swap3A_78 = vector.shape_cast %broadcast_in_dim3A_72 : vector<16xf32> to vector<1x16xf32>
    tpu.vector_store %arg12[%swap3A_74, %swap3A_75], %swap3A_78 {strides = array<i32>} : memref<8x64xf32, #tpu.memory_space<vmem>>, vector<1x16xf32>,
    %broadcast_in_dim3A_79 = arith.constant 0.000000e+00 : f32
    %broadcast_in_dim3A_80 = vector.broadcast %broadcast_in_dim3A_79 : f32 to vector<16xf32>
    %swap3A_81 = arith.constant 2 : i32
    %swap3A_82 = arith.index_cast %swap3A_81 : i32 to index
    %swap3A_83 = arith.constant 32 : index
    %swap3A_84 = tpu.vector_load %arg12[%swap3A_82, %swap3A_83] {strides = array<i32>} : memref<8x64xf32, #tpu.memory_space<vmem>>, vector<1x16xf32>,
    %swap3A_85 = vector.shape_cast %swap3A_84 : vector<1x16xf32> to vector<16xf32>
    %swap3A_86 = vector.shape_cast %broadcast_in_dim3A_80 : vector<16xf32> to vector<1x16xf32>
    tpu.vector_store %arg12[%swap3A_82, %swap3A_83], %swap3A_86 {strides = array<i32>} : memref<8x64xf32, #tpu.memory_space<vmem>>, vector<1x16xf32>,
    %broadcast_in_dim3A_87 = arith.constant 0.000000e+00 : f32
    %broadcast_in_dim3A_88 = vector.broadcast %broadcast_in_dim3A_87 : f32 to vector<16xf32>
    %swap3A_89 = arith.constant 2 : i32
    %swap3A_90 = arith.index_cast %swap3A_89 : i32 to index
    %swap3A_91 = arith.constant 48 : index
    %swap3A_92 = tpu.vector_load %arg12[%swap3A_90, %swap3A_91] {strides = array<i32>} : memref<8x64xf32, #tpu.memory_space<vmem>>, vector<1x16xf32>,
    %swap3A_93 = vector.shape_cast %swap3A_92 : vector<1x16xf32> to vector<16xf32>
    %swap3A_94 = vector.shape_cast %broadcast_in_dim3A_88 : vector<16xf32> to vector<1x16xf32>
    tpu.vector_store %arg12[%swap3A_90, %swap3A_91], %swap3A_94 {strides = array<i32>} : memref<8x64xf32, #tpu.memory_space<vmem>>, vector<1x16xf32>,
    %broadcast_in_dim3A_95 = arith.constant 0.000000e+00 : f32
    %broadcast_in_dim3A_96 = vector.broadcast %broadcast_in_dim3A_95 : f32 to vector<16xf32>
    %swap3A_97 = arith.constant 3 : i32
    %swap3A_98 = arith.index_cast %swap3A_97 : i32 to index
    %swap3A_99 = arith.constant 0 : index
    %swap3A_100 = tpu.vector_load %arg12[%swap3A_98, %swap3A_99] {strides = array<i32>} : memref<8x64xf32, #tpu.memory_space<vmem>>, vector<1x16xf32>,
    %swap3A_101 = vector.shape_cast %swap3A_100 : vector<1x16xf32> to vector<16xf32>
    %swap3A_102 = vector.shape_cast %broadcast_in_dim3A_96 : vector<16xf32> to vector<1x16xf32>
    tpu.vector_store %arg12[%swap3A_98, %swap3A_99], %swap3A_102 {strides = array<i32>} : memref<8x64xf32, #tpu.memory_space<vmem>>, vector<1x16xf32>,
    %broadcast_in_dim3A_103 = arith.constant 0.000000e+00 : f32
    %broadcast_in_dim3A_104 = vector.broadcast %broadcast_in_dim3A_103 : f32 to vector<16xf32>
    %swap3A_105 = arith.constant 3 : i32
    %swap3A_106 = arith.index_cast %swap3A_105 : i32 to index
    %swap3A_107 = arith.constant 16 : index
    %swap3A_108 = tpu.vector_load %arg12[%swap3A_106, %swap3A_107] {strides = array<i32>} : memref<8x64xf32, #tpu.memory_space<vmem>>, vector<1x16xf32>,
    %swap3A_109 = vector.shape_cast %swap3A_108 : vector<1x16xf32> to vector<16xf32>
    %swap3A_110 = vector.shape_cast %broadcast_in_dim3A_104 : vector<16xf32> to vector<1x16xf32>
    tpu.vector_store %arg12[%swap3A_106, %swap3A_107], %swap3A_110 {strides = array<i32>} : memref<8x64xf32, #tpu.memory_space<vmem>>, vector<1x16xf32>,
    %broadcast_in_dim3A_111 = arith.constant 0.000000e+00 : f32
    %broadcast_in_dim3A_112 = vector.broadcast %broadcast_in_dim3A_111 : f32 to vector<16xf32>
    %swap3A_113 = arith.constant 3 : i32
    %swap3A_114 = arith.index_cast %swap3A_113 : i32 to index
    %swap3A_115 = arith.constant 32 : index
    %swap3A_116 = tpu.vector_load %arg12[%swap3A_114, %swap3A_115] {strides = array<i32>} : memref<8x64xf32, #tpu.memory_space<vmem>>, vector<1x16xf32>,
    %swap3A_117 = vector.shape_cast %swap3A_116 : vector<1x16xf32> to vector<16xf32>
    %swap3A_118 = vector.shape_cast %broadcast_in_dim3A_112 : vector<16xf32> to vector<1x16xf32>
    tpu.vector_store %arg12[%swap3A_114, %swap3A_115], %swap3A_118 {strides = array<i32>} : memref<8x64xf32, #tpu.memory_space<vmem>>, vector<1x16xf32>,
    %broadcast_in_dim3A_119 = arith.constant 0.000000e+00 : f32
    %broadcast_in_dim3A_120 = vector.broadcast %broadcast_in_dim3A_119 : f32 to vector<16xf32>
    %swap3A_121 = arith.constant 3 : i32
    %swap3A_122 = arith.index_cast %swap3A_121 : i32 to index
    %swap3A_123 = arith.constant 48 : index
    %swap3A_124 = tpu.vector_load %arg12[%swap3A_122, %swap3A_123] {strides = array<i32>} : memref<8x64xf32, #tpu.memory_space<vmem>>, vector<1x16xf32>,
    %swap3A_125 = vector.shape_cast %swap3A_124 : vector<1x16xf32> to vector<16xf32>
    %swap3A_126 = vector.shape_cast %broadcast_in_dim3A_120 : vector<16xf32> to vector<1x16xf32>
    tpu.vector_store %arg12[%swap3A_122, %swap3A_123], %swap3A_126 {strides = array<i32>} : memref<8x64xf32, #tpu.memory_space<vmem>>, vector<1x16xf32>,
    %broadcast_in_dim3A_127 = arith.constant 0.000000e+00 : f32
    %broadcast_in_dim3A_128 = vector.broadcast %broadcast_in_dim3A_127 : f32 to vector<16xf32>
    %swap3A_129 = arith.constant 4 : i32
    %swap3A_130 = arith.index_cast %swap3A_129 : i32 to index
    %swap3A_131 = arith.constant 0 : index
    %swap3A_132 = tpu.vector_load %arg12[%swap3A_130, %swap3A_131] {strides = array<i32>} : memref<8x64xf32, #tpu.memory_space<vmem>>, vector<1x16xf32>,
    %swap3A_133 = vector.shape_cast %swap3A_132 : vector<1x16xf32> to vector<16xf32>
    %swap3A_134 = vector.shape_cast %broadcast_in_dim3A_128 : vector<16xf32> to vector<1x16xf32>
    tpu.vector_store %arg12[%swap3A_130, %swap3A_131], %swap3A_134 {strides = array<i32>} : memref<8x64xf32, #tpu.memory_space<vmem>>, vector<1x16xf32>,
    %broadcast_in_dim3A_135 = arith.constant 0.000000e+00 : f32
    %broadcast_in_dim3A_136 = vector.broadcast %broadcast_in_dim3A_135 : f32 to vector<16xf32>
    %swap3A_137 = arith.constant 4 : i32
    %swap3A_138 = arith.index_cast %swap3A_137 : i32 to index
    %swap3A_139 = arith.constant 16 : index
    %swap3A_140 = tpu.vector_load %arg12[%swap3A_138, %swap3A_139] {strides = array<i32>} : memref<8x64xf32, #tpu.memory_space<vmem>>, vector<1x16xf32>,
    %swap3A_141 = vector.shape_cast %swap3A_140 : vector<1x16xf32> to vector<16xf32>
    %swap3A_142 = vector.shape_cast %broadcast_in_dim3A_136 : vector<16xf32> to vector<1x16xf32>
    tpu.vector_store %arg12[%swap3A_138, %swap3A_139], %swap3A_142 {strides = array<i32>} : memref<8x64xf32, #tpu.memory_space<vmem>>, vector<1x16xf32>,
    %broadcast_in_dim3A_143 = arith.constant 0.000000e+00 : f32
    %broadcast_in_dim3A_144 = vector.broadcast %broadcast_in_dim3A_143 : f32 to vector<16xf32>
    %swap3A_145 = arith.constant 4 : i32
    %swap3A_146 = arith.index_cast %swap3A_145 : i32 to index
    %swap3A_147 = arith.constant 32 : index
    %swap3A_148 = tpu.vector_load %arg12[%swap3A_146, %swap3A_147] {strides = array<i32>} : memref<8x64xf32, #tpu.memory_space<vmem>>, vector<1x16xf32>,
    %swap3A_149 = vector.shape_cast %swap3A_148 : vector<1x16xf32> to vector<16xf32>
    %swap3A_150 = vector.shape_cast %broadcast_in_dim3A_144 : vector<16xf32> to vector<1x16xf32>
    tpu.vector_store %arg12[%swap3A_146, %swap3A_147], %swap3A_150 {strides = array<i32>} : memref<8x64xf32, #tpu.memory_space<vmem>>, vector<1x16xf32>,
    %broadcast_in_dim3A_151 = arith.constant 0.000000e+00 : f32
    %broadcast_in_dim3A_152 = vector.broadcast %broadcast_in_dim3A_151 : f32 to vector<16xf32>
    %swap3A_153 = arith.constant 4 : i32
    %swap3A_154 = arith.index_cast %swap3A_153 : i32 to index
    %swap3A_155 = arith.constant 48 : index
    %swap3A_156 = tpu.vector_load %arg12[%swap3A_154, %swap3A_155] {strides = array<i32>} : memref<8x64xf32, #tpu.memory_space<vmem>>, vector<1x16xf32>,
    %swap3A_157 = vector.shape_cast %swap3A_156 : vector<1x16xf32> to vector<16xf32>
    %swap3A_158 = vector.shape_cast %broadcast_in_dim3A_152 : vector<16xf32> to vector<1x16xf32>
    tpu.vector_store %arg12[%swap3A_154, %swap3A_155], %swap3A_158 {strides = array<i32>} : memref<8x64xf32, #tpu.memory_space<vmem>>, vector<1x16xf32>,
    %broadcast_in_dim3A_159 = arith.constant 0.000000e+00 : f32
    %broadcast_in_dim3A_160 = vector.broadcast %broadcast_in_dim3A_159 : f32 to vector<16xf32>
    %swap3A_161 = arith.constant 5 : i32
    %swap3A_162 = arith.index_cast %swap3A_161 : i32 to index
    %swap3A_163 = arith.constant 0 : index
    %swap3A_164 = tpu.vector_load %arg12[%swap3A_162, %swap3A_163] {strides = array<i32>} : memref<8x64xf32, #tpu.memory_space<vmem>>, vector<1x16xf32>,
    %swap3A_165 = vector.shape_cast %swap3A_164 : vector<1x16xf32> to vector<16xf32>
    %swap3A_166 = vector.shape_cast %broadcast_in_dim3A_160 : vector<16xf32> to vector<1x16xf32>
    tpu.vector_store %arg12[%swap3A_162, %swap3A_163], %swap3A_166 {strides = array<i32>} : memref<8x64xf32, #tpu.memory_space<vmem>>, vector<1x16xf32>,
    %broadcast_in_dim3A_167 = arith.constant 0.000000e+00 : f32
    %broadcast_in_dim3A_168 = vector.broadcast %broadcast_in_dim3A_167 : f32 to vector<16xf32>
    %swap3A_169 = arith.constant 5 : i32
    %swap3A_170 = arith.index_cast %swap3A_169 : i32 to index
    %swap3A_171 = arith.constant 16 : index
    %swap3A_172 = tpu.vector_load %arg12[%swap3A_170, %swap3A_171] {strides = array<i32>} : memref<8x64xf32, #tpu.memory_space<vmem>>, vector<1x16xf32>,
    %swap3A_173 = vector.shape_cast %swap3A_172 : vector<1x16xf32> to vector<16xf32>
    %swap3A_174 = vector.shape_cast %broadcast_in_dim3A_168 : vector<16xf32> to vector<1x16xf32>
    tpu.vector_store %arg12[%swap3A_170, %swap3A_171], %swap3A_174 {strides = array<i32>} : memref<8x64xf32, #tpu.memory_space<vmem>>, vector<1x16xf32>,
    %broadcast_in_dim3A_175 = arith.constant 0.000000e+00 : f32
    %broadcast_in_dim3A_176 = vector.broadcast %broadcast_in_dim3A_175 : f32 to vector<16xf32>
    %swap3A_177 = arith.constant 5 : i32
    %swap3A_178 = arith.index_cast %swap3A_177 : i32 to index
    %swap3A_179 = arith.constant 32 : index
    %swap3A_180 = tpu.vector_load %arg12[%swap3A_178, %swap3A_179] {strides = array<i32>} : memref<8x64xf32, #tpu.memory_space<vmem>>, vector<1x16xf32>,
    %swap3A_181 = vector.shape_cast %swap3A_180 : vector<1x16xf32> to vector<16xf32>
    %swap3A_182 = vector.shape_cast %broadcast_in_dim3A_176 : vector<16xf32> to vector<1x16xf32>
    tpu.vector_store %arg12[%swap3A_178, %swap3A_179], %swap3A_182 {strides = array<i32>} : memref<8x64xf32, #tpu.memory_space<vmem>>, vector<1x16xf32>,
    %broadcast_in_dim3A_183 = arith.constant 0.000000e+00 : f32
    %broadcast_in_dim3A_184 = vector.broadcast %broadcast_in_dim3A_183 : f32 to vector<16xf32>
    %swap3A_185 = arith.constant 5 : i32
    %swap3A_186 = arith.index_cast %swap3A_185 : i32 to index
    %swap3A_187 = arith.constant 48 : index
    %swap3A_188 = tpu.vector_load %arg12[%swap3A_186, %swap3A_187] {strides = array<i32>} : memref<8x64xf32, #tpu.memory_space<vmem>>, vector<1x16xf32>,
    %swap3A_189 = vector.shape_cast %swap3A_188 : vector<1x16xf32> to vector<16xf32>
    %swap3A_190 = vector.shape_cast %broadcast_in_dim3A_184 : vector<16xf32> to vector<1x16xf32>
    tpu.vector_store %arg12[%swap3A_186, %swap3A_187], %swap3A_190 {strides = array<i32>} : memref<8x64xf32, #tpu.memory_space<vmem>>, vector<1x16xf32>,
    %broadcast_in_dim3A_191 = arith.constant 0.000000e+00 : f32
    %broadcast_in_dim3A_192 = vector.broadcast %broadcast_in_dim3A_191 : f32 to vector<16xf32>
    %swap3A_193 = arith.constant 6 : i32
    %swap3A_194 = arith.index_cast %swap3A_193 : i32 to index
    %swap3A_195 = arith.constant 0 : index
    %swap3A_196 = tpu.vector_load %arg12[%swap3A_194, %swap3A_195] {strides = array<i32>} : memref<8x64xf32, #tpu.memory_space<vmem>>, vector<1x16xf32>,
    %swap3A_197 = vector.shape_cast %swap3A_196 : vector<1x16xf32> to vector<16xf32>
    %swap3A_198 = vector.shape_cast %broadcast_in_dim3A_192 : vector<16xf32> to vector<1x16xf32>
    tpu.vector_store %arg12[%swap3A_194, %swap3A_195], %swap3A_198 {strides = array<i32>} : memref<8x64xf32, #tpu.memory_space<vmem>>, vector<1x16xf32>,
    %broadcast_in_dim3A_199 = arith.constant 0.000000e+00 : f32
    %broadcast_in_dim3A_200 = vector.broadcast %broadcast_in_dim3A_199 : f32 to vector<16xf32>
    %swap3A_201 = arith.constant 6 : i32
    %swap3A_202 = arith.index_cast %swap3A_201 : i32 to index
    %swap3A_203 = arith.constant 16 : index
    %swap3A_204 = tpu.vector_load %arg12[%swap3A_202, %swap3A_203] {strides = array<i32>} : memref<8x64xf32, #tpu.memory_space<vmem>>, vector<1x16xf32>,
    %swap3A_205 = vector.shape_cast %swap3A_204 : vector<1x16xf32> to vector<16xf32>
    %swap3A_206 = vector.shape_cast %broadcast_in_dim3A_200 : vector<16xf32> to vector<1x16xf32>
    tpu.vector_store %arg12[%swap3A_202, %swap3A_203], %swap3A_206 {strides = array<i32>} : memref<8x64xf32, #tpu.memory_space<vmem>>, vector<1x16xf32>,
    %broadcast_in_dim3A_207 = arith.constant 0.000000e+00 : f32
    %broadcast_in_dim3A_208 = vector.broadcast %broadcast_in_dim3A_207 : f32 to vector<16xf32>
    %swap3A_209 = arith.constant 6 : i32
    %swap3A_210 = arith.index_cast %swap3A_209 : i32 to index
    %swap3A_211 = arith.constant 32 : index
    %swap3A_212 = tpu.vector_load %arg12[%swap3A_210, %swap3A_211] {strides = array<i32>} : memref<8x64xf32, #tpu.memory_space<vmem>>, vector<1x16xf32>,
    %swap3A_213 = vector.shape_cast %swap3A_212 : vector<1x16xf32> to vector<16xf32>
    %swap3A_214 = vector.shape_cast %broadcast_in_dim3A_208 : vector<16xf32> to vector<1x16xf32>
    tpu.vector_store %arg12[%swap3A_210, %swap3A_211], %swap3A_214 {strides = array<i32>} : memref<8x64xf32, #tpu.memory_space<vmem>>, vector<1x16xf32>,
    %broadcast_in_dim3A_215 = arith.constant 0.000000e+00 : f32
    %broadcast_in_dim3A_216 = vector.broadcast %broadcast_in_dim3A_215 : f32 to vector<16xf32>
    %swap3A_217 = arith.constant 6 : i32
    %swap3A_218 = arith.index_cast %swap3A_217 : i32 to index
    %swap3A_219 = arith.constant 48 : index
    %swap3A_220 = tpu.vector_load %arg12[%swap3A_218, %swap3A_219] {strides = array<i32>} : memref<8x64xf32, #tpu.memory_space<vmem>>, vector<1x16xf32>,
    %swap3A_221 = vector.shape_cast %swap3A_220 : vector<1x16xf32> to vector<16xf32>
    %swap3A_222 = vector.shape_cast %broadcast_in_dim3A_216 : vector<16xf32> to vector<1x16xf32>
    tpu.vector_store %arg12[%swap3A_218, %swap3A_219], %swap3A_222 {strides = array<i32>} : memref<8x64xf32, #tpu.memory_space<vmem>>, vector<1x16xf32>,
    %broadcast_in_dim3A_223 = arith.constant 0.000000e+00 : f32
    %broadcast_in_dim3A_224 = vector.broadcast %broadcast_in_dim3A_223 : f32 to vector<16xf32>
    %swap3A_225 = arith.constant 7 : i32
    %swap3A_226 = arith.index_cast %swap3A_225 : i32 to index
    %swap3A_227 = arith.constant 0 : index
    %swap3A_228 = tpu.vector_load %arg12[%swap3A_226, %swap3A_227] {strides = array<i32>} : memref<8x64xf32, #tpu.memory_space<vmem>>, vector<1x16xf32>,
    %swap3A_229 = vector.shape_cast %swap3A_228 : vector<1x16xf32> to vector<16xf32>
    %swap3A_230 = vector.shape_cast %broadcast_in_dim3A_224 : vector<16xf32> to vector<1x16xf32>
    tpu.vector_store %arg12[%swap3A_226, %swap3A_227], %swap3A_230 {strides = array<i32>} : memref<8x64xf32, #tpu.memory_space<vmem>>, vector<1x16xf32>,
    %broadcast_in_dim3A_231 = arith.constant 0.000000e+00 : f32
    %broadcast_in_dim3A_232 = vector.broadcast %broadcast_in_dim3A_231 : f32 to vector<16xf32>
    %swap3A_233 = arith.constant 7 : i32
    %swap3A_234 = arith.index_cast %swap3A_233 : i32 to index
    %swap3A_235 = arith.constant 16 : index
    %swap3A_236 = tpu.vector_load %arg12[%swap3A_234, %swap3A_235] {strides = array<i32>} : memref<8x64xf32, #tpu.memory_space<vmem>>, vector<1x16xf32>,
    %swap3A_237 = vector.shape_cast %swap3A_236 : vector<1x16xf32> to vector<16xf32>
    %swap3A_238 = vector.shape_cast %broadcast_in_dim3A_232 : vector<16xf32> to vector<1x16xf32>
    tpu.vector_store %arg12[%swap3A_234, %swap3A_235], %swap3A_238 {strides = array<i32>} : memref<8x64xf32, #tpu.memory_space<vmem>>, vector<1x16xf32>,
    %broadcast_in_dim3A_239 = arith.constant 0.000000e+00 : f32
    %broadcast_in_dim3A_240 = vector.broadcast %broadcast_in_dim3A_239 : f32 to vector<16xf32>
    %swap3A_241 = arith.constant 7 : i32
    %swap3A_242 = arith.index_cast %swap3A_241 : i32 to index
    %swap3A_243 = arith.constant 32 : index
    %swap3A_244 = tpu.vector_load %arg12[%swap3A_242, %swap3A_243] {strides = array<i32>} : memref<8x64xf32, #tpu.memory_space<vmem>>, vector<1x16xf32>,
    %swap3A_245 = vector.shape_cast %swap3A_244 : vector<1x16xf32> to vector<16xf32>
    %swap3A_246 = vector.shape_cast %broadcast_in_dim3A_240 : vector<16xf32> to vector<1x16xf32>
    tpu.vector_store %arg12[%swap3A_242, %swap3A_243], %swap3A_246 {strides = array<i32>} : memref<8x64xf32, #tpu.memory_space<vmem>>, vector<1x16xf32>,
    %broadcast_in_dim3A_247 = arith.constant 0.000000e+00 : f32
    %broadcast_in_dim3A_248 = vector.broadcast %broadcast_in_dim3A_247 : f32 to vector<16xf32>
    %swap3A_249 = arith.constant 7 : i32
    %swap3A_250 = arith.index_cast %swap3A_249 : i32 to index
    %swap3A_251 = arith.constant 48 : index
    %swap3A_252 = tpu.vector_load %arg12[%swap3A_250, %swap3A_251] {strides = array<i32>} : memref<8x64xf32, #tpu.memory_space<vmem>>, vector<1x16xf32>,
    %swap3A_253 = vector.shape_cast %swap3A_252 : vector<1x16xf32> to vector<16xf32>
    %swap3A_254 = vector.shape_cast %broadcast_in_dim3A_248 : vector<16xf32> to vector<1x16xf32>
    tpu.vector_store %arg12[%swap3A_250, %swap3A_251], %swap3A_254 {strides = array<i32>} : memref<8x64xf32, #tpu.memory_space<vmem>>, vector<1x16xf32>,
    %lt3A = arith.constant 15 : i32
    %lt3A_255 = arith.cmpi slt, %arg1, %lt3A : i32
    %convert_element_type3A = arith.extui %lt3A_255 : i1 to i32
    %cond3A = arith.constant 0 : i32
    %cond3A_256 = arith.cmpi ne, %convert_element_type3A, %cond3A : i32
    scf.if %cond3A_256 {
      %scan3A_314 = arith.constant 0 : i32
      %scan3A_315 = arith.constant 0 : i32
      %scan3A_316 = arith.constant 79 : i32
      %scan3A_317 = arith.addi %scan3A_315, %scan3A_316 : i32
      %scan3A_318 = arith.constant 1 : i32
      scf.for %scan3A_320 = %scan3A_315 to %scan3A_317 step %scan3A_318  : i32 {
        %mul3A_321 = arith.constant 632 : i32
        %mul3A_322 = arith.muli %arg1, %mul3A_321 : i32
        %mul3A_323 = arith.constant 8 : i32
        %mul3A_324 = arith.muli %mul3A_323, %scan3A_320 : i32
        %add3A_325 = arith.addi %mul3A_322, %mul3A_324 : i32
        "tpu.region"() ({
          %run_scoped3A = tpu.sem_alloc : memref<!tpu.dma_semaphore, #tpu.memory_space<semaphore_mem>>
          %dma_start3A_326 = arith.constant 0 : i32
          %dma_start3A_327 = tpu.memref_slice %arg18[%add3A_325, %dma_start3A_326] : memref<10000x64xf32, #tpu.memory_space<vmem_shared>> -> memref<8x64xf32, #tpu.memory_space<vmem_shared>>
          %dma_start3A_328 = arith.constant 0 : i32
          %dma_start3A_329 = tpu.memref_slice %arg18[%add3A_325, %dma_start3A_328] : memref<10000x64xf32, #tpu.memory_space<vmem_shared>> -> memref<8x64xf32, #tpu.memory_space<vmem_shared>>
          tpu.enqueue_dma source(%arg12 : memref<8x64xf32, #tpu.memory_space<vmem>>) target(%dma_start3A_329 : memref<8x64xf32, #tpu.memory_space<vmem_shared>>) target_semaphore(%run_scoped3A : memref<!tpu.dma_semaphore, #tpu.memory_space<semaphore_mem>>)
          %dma_wait3A = arith.constant 0 : i32
          %dma_wait3A_330 = tpu.memref_slice %arg18[%add3A_325, %dma_wait3A] : memref<10000x64xf32, #tpu.memory_space<vmem_shared>> -> memref<8x64xf32, #tpu.memory_space<vmem_shared>>
          %dma_wait3A_331 = arith.constant 0 : i32
          %dma_wait3A_332 = tpu.memref_slice %arg18[%add3A_325, %dma_wait3A_331] : memref<10000x64xf32, #tpu.memory_space<vmem_shared>> -> memref<8x64xf32, #tpu.memory_space<vmem_shared>>
          tpu.wait_dma2 semaphore(%run_scoped3A : memref<!tpu.dma_semaphore, #tpu.memory_space<semaphore_mem>>) src(%arg12 : memref<8x64xf32, #tpu.memory_space<vmem>>) dst(%dma_wait3A_332 : memref<8x64xf32, #tpu.memory_space<vmem_shared>>)
          tpu.yield
        }) : () -> ()
      }
      %scan3A_319 = arith.constant 79 : i32
    } else {
    }
    %eq3A = arith.constant 15 : i32
    %eq3A_257 = arith.cmpi eq, %arg1, %eq3A : i32
    %convert_element_type3A_258 = arith.extui %eq3A_257 : i1 to i32
    %cond3A_259 = arith.constant 0 : i32
    %cond3A_260 = arith.cmpi ne, %convert_element_type3A_258, %cond3A_259 : i32
    scf.if %cond3A_260 {
      %scan3A_314 = arith.constant 0 : i32
      %scan3A_315 = arith.constant 0 : i32
      %scan3A_316 = arith.constant 65 : i32
      %scan3A_317 = arith.addi %scan3A_315, %scan3A_316 : i32
      %scan3A_318 = arith.constant 1 : i32
      scf.for %scan3A_320 = %scan3A_315 to %scan3A_317 step %scan3A_318  : i32 {
        %mul3A_321 = arith.constant 632 : i32
        %mul3A_322 = arith.muli %arg1, %mul3A_321 : i32
        %mul3A_323 = arith.constant 8 : i32
        %mul3A_324 = arith.muli %mul3A_323, %scan3A_320 : i32
        %add3A_325 = arith.addi %mul3A_322, %mul3A_324 : i32
        "tpu.region"() ({
          %run_scoped3A = tpu.sem_alloc : memref<!tpu.dma_semaphore, #tpu.memory_space<semaphore_mem>>
          %dma_start3A_326 = arith.constant 0 : i32
          %dma_start3A_327 = tpu.memref_slice %arg18[%add3A_325, %dma_start3A_326] : memref<10000x64xf32, #tpu.memory_space<vmem_shared>> -> memref<8x64xf32, #tpu.memory_space<vmem_shared>>
          %dma_start3A_328 = arith.constant 0 : i32
          %dma_start3A_329 = tpu.memref_slice %arg18[%add3A_325, %dma_start3A_328] : memref<10000x64xf32, #tpu.memory_space<vmem_shared>> -> memref<8x64xf32, #tpu.memory_space<vmem_shared>>
          tpu.enqueue_dma source(%arg12 : memref<8x64xf32, #tpu.memory_space<vmem>>) target(%dma_start3A_329 : memref<8x64xf32, #tpu.memory_space<vmem_shared>>) target_semaphore(%run_scoped3A : memref<!tpu.dma_semaphore, #tpu.memory_space<semaphore_mem>>)
          %dma_wait3A = arith.constant 0 : i32
          %dma_wait3A_330 = tpu.memref_slice %arg18[%add3A_325, %dma_wait3A] : memref<10000x64xf32, #tpu.memory_space<vmem_shared>> -> memref<8x64xf32, #tpu.memory_space<vmem_shared>>
          %dma_wait3A_331 = arith.constant 0 : i32
          %dma_wait3A_332 = tpu.memref_slice %arg18[%add3A_325, %dma_wait3A_331] : memref<10000x64xf32, #tpu.memory_space<vmem_shared>> -> memref<8x64xf32, #tpu.memory_space<vmem_shared>>
          tpu.wait_dma2 semaphore(%run_scoped3A : memref<!tpu.dma_semaphore, #tpu.memory_space<semaphore_mem>>) src(%arg12 : memref<8x64xf32, #tpu.memory_space<vmem>>) dst(%dma_wait3A_332 : memref<8x64xf32, #tpu.memory_space<vmem_shared>>)
          tpu.yield
        }) : () -> ()
      }
      %scan3A_319 = arith.constant 65 : i32
    } else {
    }
    %lt3A_261 = arith.constant 15 : i32
    %lt3A_262 = arith.cmpi slt, %arg1, %lt3A_261 : i32
    %convert_element_type3A_263 = arith.extui %lt3A_262 : i1 to i32
    %cond3A_264 = arith.constant 0 : i32
    %cond3A_265 = arith.cmpi ne, %convert_element_type3A_263, %cond3A_264 : i32
    scf.if %cond3A_265 {
      %mul3A_314 = arith.constant 632 : i32
      %mul3A_315 = arith.muli %arg1, %mul3A_314 : i32
      %mul3A_316 = arith.constant 632 : i32
      %mul3A_317 = arith.muli %arg1, %mul3A_316 : i32
      "tpu.region"() ({
        %run_scoped3A = tpu.sem_alloc : memref<!tpu.dma_semaphore, #tpu.memory_space<semaphore_mem>>
        %dma_start3A_318 = arith.constant 0 : i32
        %dma_start3A_319 = tpu.memref_slice %arg17[%mul3A_317, %dma_start3A_318] : memref<10112x64xf32, #tpu.memory_space<vmem_shared>> -> memref<632x64xf32, #tpu.memory_space<vmem_shared>>
        %dma_start3A_320 = arith.constant 0 : i32
        %dma_start3A_321 = tpu.memref_slice %arg2[%mul3A_315, %dma_start3A_320] : memref<10000x64xf32, #tpu.memory_space<hbm>> -> memref<632x64xf32, #tpu.memory_space<hbm>>
        tpu.enqueue_dma source(%dma_start3A_321 : memref<632x64xf32, #tpu.memory_space<hbm>>) target(%dma_start3A_319 : memref<632x64xf32, #tpu.memory_space<vmem_shared>>) target_semaphore(%run_scoped3A : memref<!tpu.dma_semaphore, #tpu.memory_space<semaphore_mem>>)
        %dma_wait3A = arith.constant 0 : i32
        %dma_wait3A_322 = tpu.memref_slice %arg17[%mul3A_317, %dma_wait3A] : memref<10112x64xf32, #tpu.memory_space<vmem_shared>> -> memref<632x64xf32, #tpu.memory_space<vmem_shared>>
        %dma_wait3A_323 = arith.constant 0 : i32
        %dma_wait3A_324 = tpu.memref_slice %arg2[%mul3A_315, %dma_wait3A_323] : memref<10000x64xf32, #tpu.memory_space<hbm>> -> memref<632x64xf32, #tpu.memory_space<hbm>>
        tpu.wait_dma2 semaphore(%run_scoped3A : memref<!tpu.dma_semaphore, #tpu.memory_space<semaphore_mem>>) src(%dma_wait3A_324 : memref<632x64xf32, #tpu.memory_space<hbm>>) dst(%dma_wait3A_322 : memref<632x64xf32, #tpu.memory_space<vmem_shared>>)
        tpu.yield
      }) : () -> ()
    } else {
    }
    %eq3A_266 = arith.constant 15 : i32
    %eq3A_267 = arith.cmpi eq, %arg1, %eq3A_266 : i32
    %convert_element_type3A_268 = arith.extui %eq3A_267 : i1 to i32
    %cond3A_269 = arith.constant 0 : i32
    %cond3A_270 = arith.cmpi ne, %convert_element_type3A_268, %cond3A_269 : i32
    scf.if %cond3A_270 {
      "tpu.region"() ({
        %run_scoped3A = tpu.sem_alloc : memref<!tpu.dma_semaphore, #tpu.memory_space<semaphore_mem>>
        %dma_start3A_314 = arith.constant 9480 : i32
        %dma_start3A_315 = arith.constant 0 : i32
        %dma_start3A_316 = tpu.memref_slice %arg17[%dma_start3A_314, %dma_start3A_315] : memref<10112x64xf32, #tpu.memory_space<vmem_shared>> -> memref<520x64xf32, #tpu.memory_space<vmem_shared>>
        %dma_start3A_317 = arith.constant 9480 : i32
        %dma_start3A_318 = arith.constant 0 : i32
        %dma_start3A_319 = tpu.memref_slice %arg2[%dma_start3A_317, %dma_start3A_318] : memref<10000x64xf32, #tpu.memory_space<hbm>> -> memref<520x64xf32, #tpu.memory_space<hbm>>
        tpu.enqueue_dma source(%dma_start3A_319 : memref<520x64xf32, #tpu.memory_space<hbm>>) target(%dma_start3A_316 : memref<520x64xf32, #tpu.memory_space<vmem_shared>>) target_semaphore(%run_scoped3A : memref<!tpu.dma_semaphore, #tpu.memory_space<semaphore_mem>>)
        %dma_wait3A = arith.constant 9480 : i32
        %dma_wait3A_320 = arith.constant 0 : i32
        %dma_wait3A_321 = tpu.memref_slice %arg17[%dma_wait3A, %dma_wait3A_320] : memref<10112x64xf32, #tpu.memory_space<vmem_shared>> -> memref<520x64xf32, #tpu.memory_space<vmem_shared>>
        %dma_wait3A_322 = arith.constant 9480 : i32
        %dma_wait3A_323 = arith.constant 0 : i32
        %dma_wait3A_324 = tpu.memref_slice %arg2[%dma_wait3A_322, %dma_wait3A_323] : memref<10000x64xf32, #tpu.memory_space<hbm>> -> memref<520x64xf32, #tpu.memory_space<hbm>>
        tpu.wait_dma2 semaphore(%run_scoped3A : memref<!tpu.dma_semaphore, #tpu.memory_space<semaphore_mem>>) src(%dma_wait3A_324 : memref<520x64xf32, #tpu.memory_space<hbm>>) dst(%dma_wait3A_321 : memref<520x64xf32, #tpu.memory_space<vmem_shared>>)
        tpu.yield
      }) : () -> ()
    } else {
    }
    "tpu.region"() ({
      %run_scoped3A = tpu.sem_alloc : memref<!tpu.dma_semaphore, #tpu.memory_space<semaphore_mem>>
      %dma_start3A_314 = arith.constant 0 : i32
      %dma_start3A_315 = arith.constant 0 : i32
      %dma_start3A_316 = tpu.memref_slice %arg3[%add3A, %dma_start3A_314, %dma_start3A_315] : memref<32x100x100xi32, #tpu.memory_space<hbm>> -> memref<1x100x100xi32, #tpu.memory_space<hbm>>
      %dma_start3A_317 = tpu.memref_squeeze %dma_start3A_316 : memref<1x100x100xi32, #tpu.memory_space<hbm>> -> memref<100x100xi32, #tpu.memory_space<hbm>>
      %dma_start3A_318 = arith.constant 0 : i32
      %dma_start3A_319 = arith.constant 0 : i32
      %dma_start3A_320 = tpu.memref_slice %arg3[%add3A, %dma_start3A_318, %dma_start3A_319] : memref<32x100x100xi32, #tpu.memory_space<hbm>> -> memref<1x100x100xi32, #tpu.memory_space<hbm>>
      %dma_start3A_321 = tpu.memref_squeeze %dma_start3A_320 : memref<1x100x100xi32, #tpu.memory_space<hbm>> -> memref<100x100xi32, #tpu.memory_space<hbm>>
      tpu.enqueue_dma source(%dma_start3A_321 : memref<100x100xi32, #tpu.memory_space<hbm>>) target(%arg6 : memref<100x100xi32, #tpu.memory_space<vmem>>) target_semaphore(%run_scoped3A : memref<!tpu.dma_semaphore, #tpu.memory_space<semaphore_mem>>)
      %dma_wait3A = arith.constant 0 : i32
      %dma_wait3A_322 = arith.constant 0 : i32
      %dma_wait3A_323 = tpu.memref_slice %arg3[%add3A, %dma_wait3A, %dma_wait3A_322] : memref<32x100x100xi32, #tpu.memory_space<hbm>> -> memref<1x100x100xi32, #tpu.memory_space<hbm>>
      %dma_wait3A_324 = tpu.memref_squeeze %dma_wait3A_323 : memref<1x100x100xi32, #tpu.memory_space<hbm>> -> memref<100x100xi32, #tpu.memory_space<hbm>>
      %dma_wait3A_325 = arith.constant 0 : i32
      %dma_wait3A_326 = arith.constant 0 : i32
      %dma_wait3A_327 = tpu.memref_slice %arg3[%add3A, %dma_wait3A_325, %dma_wait3A_326] : memref<32x100x100xi32, #tpu.memory_space<hbm>> -> memref<1x100x100xi32, #tpu.memory_space<hbm>>
      %dma_wait3A_328 = tpu.memref_squeeze %dma_wait3A_327 : memref<1x100x100xi32, #tpu.memory_space<hbm>> -> memref<100x100xi32, #tpu.memory_space<hbm>>
      tpu.wait_dma2 semaphore(%run_scoped3A : memref<!tpu.dma_semaphore, #tpu.memory_space<semaphore_mem>>) src(%dma_wait3A_328 : memref<100x100xi32, #tpu.memory_space<hbm>>) dst(%arg6 : memref<100x100xi32, #tpu.memory_space<vmem>>)
      tpu.yield
    }) : () -> ()
    "tpu.region"() ({
      %run_scoped3A = tpu.sem_alloc : memref<!tpu.dma_semaphore, #tpu.memory_space<semaphore_mem>>
      %dma_start3A_314 = arith.constant 0 : i32
      %dma_start3A_315 = arith.constant 0 : i32
      %dma_start3A_316 = tpu.memref_slice %arg4[%add3A, %dma_start3A_314, %dma_start3A_315] : memref<32x100x100xi32, #tpu.memory_space<hbm>> -> memref<1x100x100xi32, #tpu.memory_space<hbm>>
      %dma_start3A_317 = tpu.memref_squeeze %dma_start3A_316 : memref<1x100x100xi32, #tpu.memory_space<hbm>> -> memref<100x100xi32, #tpu.memory_space<hbm>>
      %dma_start3A_318 = arith.constant 0 : i32
      %dma_start3A_319 = arith.constant 0 : i32
      %dma_start3A_320 = tpu.memref_slice %arg4[%add3A, %dma_start3A_318, %dma_start3A_319] : memref<32x100x100xi32, #tpu.memory_space<hbm>> -> memref<1x100x100xi32, #tpu.memory_space<hbm>>
      %dma_start3A_321 = tpu.memref_squeeze %dma_start3A_320 : memref<1x100x100xi32, #tpu.memory_space<hbm>> -> memref<100x100xi32, #tpu.memory_space<hbm>>
      tpu.enqueue_dma source(%dma_start3A_321 : memref<100x100xi32, #tpu.memory_space<hbm>>) target(%arg7 : memref<100x100xi32, #tpu.memory_space<vmem>>) target_semaphore(%run_scoped3A : memref<!tpu.dma_semaphore, #tpu.memory_space<semaphore_mem>>)
      %dma_wait3A = arith.constant 0 : i32
      %dma_wait3A_322 = arith.constant 0 : i32
      %dma_wait3A_323 = tpu.memref_slice %arg4[%add3A, %dma_wait3A, %dma_wait3A_322] : memref<32x100x100xi32, #tpu.memory_space<hbm>> -> memref<1x100x100xi32, #tpu.memory_space<hbm>>
      %dma_wait3A_324 = tpu.memref_squeeze %dma_wait3A_323 : memref<1x100x100xi32, #tpu.memory_space<hbm>> -> memref<100x100xi32, #tpu.memory_space<hbm>>
      %dma_wait3A_325 = arith.constant 0 : i32
      %dma_wait3A_326 = arith.constant 0 : i32
      %dma_wait3A_327 = tpu.memref_slice %arg4[%add3A, %dma_wait3A_325, %dma_wait3A_326] : memref<32x100x100xi32, #tpu.memory_space<hbm>> -> memref<1x100x100xi32, #tpu.memory_space<hbm>>
      %dma_wait3A_328 = tpu.memref_squeeze %dma_wait3A_327 : memref<1x100x100xi32, #tpu.memory_space<hbm>> -> memref<100x100xi32, #tpu.memory_space<hbm>>
      tpu.wait_dma2 semaphore(%run_scoped3A : memref<!tpu.dma_semaphore, #tpu.memory_space<semaphore_mem>>) src(%dma_wait3A_328 : memref<100x100xi32, #tpu.memory_space<hbm>>) dst(%arg7 : memref<100x100xi32, #tpu.memory_space<vmem>>)
      tpu.yield
    }) : () -> ()
    %barrier3A = arith.constant 0 : index
    tpu.barrier barrier_id(%barrier3A)
    %dma_start3A = arith.constant 0 : i32
    %dma_start3A_271 = arith.constant 0 : i32
    %dma_start3A_272 = tpu.memref_slice %arg6[%dma_start3A, %dma_start3A_271] : memref<100x100xi32, #tpu.memory_space<vmem>> -> memref<1x100xi32, #tpu.memory_space<vmem>>
    %dma_start3A_273 = tpu.memref_squeeze %dma_start3A_272 : memref<1x100xi32, #tpu.memory_space<vmem>> -> memref<100xi32, #tpu.memory_space<vmem>>
    %dma_start3A_274 = arith.constant 0 : i32
    %dma_start3A_275 = arith.constant 0 : i32
    %dma_start3A_276 = tpu.memref_slice %arg17[%dma_start3A_274, %dma_start3A_275] : memref<10112x64xf32, #tpu.memory_space<vmem_shared>> -> memref<10112x64xf32, #tpu.memory_space<vmem_shared>>
    tpu.enqueue_indirect_dma source(%dma_start3A_276 : memref<10112x64xf32, #tpu.memory_space<vmem_shared>>) target(%arg8 : memref<100x64xf32, #tpu.memory_space<vmem>>) offsets(%dma_start3A_273 : memref<100xi32, #tpu.memory_space<vmem>>) semaphore(%arg13 : memref<!tpu.dma_semaphore, #tpu.memory_space<semaphore_mem>>)
    %dma_start3A_277 = arith.constant 1 : i32
    %dma_start3A_278 = arith.constant 0 : i32
    %dma_start3A_279 = tpu.memref_slice %arg6[%dma_start3A_277, %dma_start3A_278] : memref<100x100xi32, #tpu.memory_space<vmem>> -> memref<1x100xi32, #tpu.memory_space<vmem>>
    %dma_start3A_280 = tpu.memref_squeeze %dma_start3A_279 : memref<1x100xi32, #tpu.memory_space<vmem>> -> memref<100xi32, #tpu.memory_space<vmem>>
    %dma_start3A_281 = arith.constant 0 : i32
    %dma_start3A_282 = arith.constant 0 : i32
    %dma_start3A_283 = tpu.memref_slice %arg17[%dma_start3A_281, %dma_start3A_282] : memref<10112x64xf32, #tpu.memory_space<vmem_shared>> -> memref<10112x64xf32, #tpu.memory_space<vmem_shared>>
    tpu.enqueue_indirect_dma source(%dma_start3A_283 : memref<10112x64xf32, #tpu.memory_space<vmem_shared>>) target(%arg9 : memref<100x64xf32, #tpu.memory_space<vmem>>) offsets(%dma_start3A_280 : memref<100xi32, #tpu.memory_space<vmem>>) semaphore(%arg14 : memref<!tpu.dma_semaphore, #tpu.memory_space<semaphore_mem>>)
    %dma_start3A_284 = arith.constant 2 : i32
    %dma_start3A_285 = arith.constant 0 : i32
    %dma_start3A_286 = tpu.memref_slice %arg6[%dma_start3A_284, %dma_start3A_285] : memref<100x100xi32, #tpu.memory_space<vmem>> -> memref<1x100xi32, #tpu.memory_space<vmem>>
    %dma_start3A_287 = tpu.memref_squeeze %dma_start3A_286 : memref<1x100xi32, #tpu.memory_space<vmem>> -> memref<100xi32, #tpu.memory_space<vmem>>
    %dma_start3A_288 = arith.constant 0 : i32
    %dma_start3A_289 = arith.constant 0 : i32
    %dma_start3A_290 = tpu.memref_slice %arg17[%dma_start3A_288, %dma_start3A_289] : memref<10112x64xf32, #tpu.memory_space<vmem_shared>> -> memref<10112x64xf32, #tpu.memory_space<vmem_shared>>
    tpu.enqueue_indirect_dma source(%dma_start3A_290 : memref<10112x64xf32, #tpu.memory_space<vmem_shared>>) target(%arg10 : memref<100x64xf32, #tpu.memory_space<vmem>>) offsets(%dma_start3A_287 : memref<100xi32, #tpu.memory_space<vmem>>) semaphore(%arg15 : memref<!tpu.dma_semaphore, #tpu.memory_space<semaphore_mem>>)
    %dma_start3A_291 = arith.constant 3 : i32
    %dma_start3A_292 = arith.constant 0 : i32
    %dma_start3A_293 = tpu.memref_slice %arg6[%dma_start3A_291, %dma_start3A_292] : memref<100x100xi32, #tpu.memory_space<vmem>> -> memref<1x100xi32, #tpu.memory_space<vmem>>
    %dma_start3A_294 = tpu.memref_squeeze %dma_start3A_293 : memref<1x100xi32, #tpu.memory_space<vmem>> -> memref<100xi32, #tpu.memory_space<vmem>>
    %dma_start3A_295 = arith.constant 0 : i32
    %dma_start3A_296 = arith.constant 0 : i32
    %dma_start3A_297 = tpu.memref_slice %arg17[%dma_start3A_295, %dma_start3A_296] : memref<10112x64xf32, #tpu.memory_space<vmem_shared>> -> memref<10112x64xf32, #tpu.memory_space<vmem_shared>>
    tpu.enqueue_indirect_dma source(%dma_start3A_297 : memref<10112x64xf32, #tpu.memory_space<vmem_shared>>) target(%arg11 : memref<100x64xf32, #tpu.memory_space<vmem>>) offsets(%dma_start3A_294 : memref<100xi32, #tpu.memory_space<vmem>>) semaphore(%arg16 : memref<!tpu.dma_semaphore, #tpu.memory_space<semaphore_mem>>)
    %scan3A = arith.constant 0 : i32
    %scan3A_298 = arith.constant 0 : i32
    %scan3A_299 = arith.constant 25 : i32
    %scan3A_300 = arith.addi %scan3A_298, %scan3A_299 : i32
    %scan3A_301 = arith.constant 1 : i32
    scf.for %scan3A_314 = %scan3A_298 to %scan3A_300 step %scan3A_301  : i32 {
      %mul3A_315 = arith.constant 4 : i32
      %mul3A_316 = arith.muli %mul3A_315, %scan3A_314 : i32
      %add3A_317 = arith.constant 0 : i32
      %add3A_318 = arith.addi %mul3A_316, %add3A_317 : i32
      %dma_wait3A = arith.constant 0 : i32
      %dma_wait3A_319 = tpu.memref_slice %arg6[%add3A_318, %dma_wait3A] : memref<100x100xi32, #tpu.memory_space<vmem>> -> memref<1x100xi32, #tpu.memory_space<vmem>>
      %dma_wait3A_320 = tpu.memref_squeeze %dma_wait3A_319 : memref<1x100xi32, #tpu.memory_space<vmem>> -> memref<100xi32, #tpu.memory_space<vmem>>
      %dma_wait3A_321 = arith.constant 0 : i32
      %dma_wait3A_322 = arith.constant 0 : i32
      %dma_wait3A_323 = tpu.memref_slice %arg17[%dma_wait3A_321, %dma_wait3A_322] : memref<10112x64xf32, #tpu.memory_space<vmem_shared>> -> memref<10112x64xf32, #tpu.memory_space<vmem_shared>>
      tpu.wait_indirect_dma semaphore(%arg13 : memref<!tpu.dma_semaphore, #tpu.memory_space<semaphore_mem>>) src(%dma_wait3A_323 : memref<10112x64xf32, #tpu.memory_space<vmem_shared>>) dst(%arg8 : memref<100x64xf32, #tpu.memory_space<vmem>>)
      "tpu.region"() ({
        %run_scoped3A = tpu.sem_alloc : memref<!tpu.dma_semaphore, #tpu.memory_space<semaphore_mem>>
        %dma_start3A_374 = arith.constant 0 : i32
        %dma_start3A_375 = tpu.memref_slice %arg7[%add3A_318, %dma_start3A_374] : memref<100x100xi32, #tpu.memory_space<vmem>> -> memref<1x100xi32, #tpu.memory_space<vmem>>
        %dma_start3A_376 = tpu.memref_squeeze %dma_start3A_375 : memref<1x100xi32, #tpu.memory_space<vmem>> -> memref<100xi32, #tpu.memory_space<vmem>>
        %dma_start3A_377 = arith.constant 0 : i32
        %dma_start3A_378 = arith.constant 0 : i32
        %dma_start3A_379 = tpu.memref_slice %arg18[%dma_start3A_377, %dma_start3A_378] : memref<10000x64xf32, #tpu.memory_space<vmem_shared>> -> memref<10000x64xf32, #tpu.memory_space<vmem_shared>>
        tpu.enqueue_indirect_dma source(%arg8 : memref<100x64xf32, #tpu.memory_space<vmem>>) target(%dma_start3A_379 : memref<10000x64xf32, #tpu.memory_space<vmem_shared>>) offsets(%dma_start3A_376 : memref<100xi32, #tpu.memory_space<vmem>>) semaphore(%run_scoped3A : memref<!tpu.dma_semaphore, #tpu.memory_space<semaphore_mem>>) {add = true}
        %dma_wait3A_380 = arith.constant 0 : i32
        %dma_wait3A_381 = tpu.memref_slice %arg7[%add3A_318, %dma_wait3A_380] : memref<100x100xi32, #tpu.memory_space<vmem>> -> memref<1x100xi32, #tpu.memory_space<vmem>>
        %dma_wait3A_382 = tpu.memref_squeeze %dma_wait3A_381 : memref<1x100xi32, #tpu.memory_space<vmem>> -> memref<100xi32, #tpu.memory_space<vmem>>
        %dma_wait3A_383 = arith.constant 0 : i32
        %dma_wait3A_384 = arith.constant 0 : i32
        %dma_wait3A_385 = tpu.memref_slice %arg18[%dma_wait3A_383, %dma_wait3A_384] : memref<10000x64xf32, #tpu.memory_space<vmem_shared>> -> memref<10000x64xf32, #tpu.memory_space<vmem_shared>>
        tpu.wait_indirect_dma semaphore(%run_scoped3A : memref<!tpu.dma_semaphore, #tpu.memory_space<semaphore_mem>>) src(%arg8 : memref<100x64xf32, #tpu.memory_space<vmem>>) dst(%dma_wait3A_385 : memref<10000x64xf32, #tpu.memory_space<vmem_shared>>)
        tpu.yield
      }) : () -> ()
      %lt3A_324 = arith.constant 24 : i32
      %lt3A_325 = arith.cmpi slt, %scan3A_314, %lt3A_324 : i32
      %convert_element_type3A_326 = arith.extui %lt3A_325 : i1 to i32
      %cond3A_327 = arith.constant 0 : i32
      %cond3A_328 = arith.cmpi ne, %convert_element_type3A_326, %cond3A_327 : i32
      scf.if %cond3A_328 {
        %add3A_374 = arith.constant 4 : i32
        %add3A_375 = arith.addi %add3A_318, %add3A_374 : i32
        %dma_start3A_376 = arith.constant 0 : i32
        %dma_start3A_377 = tpu.memref_slice %arg6[%add3A_375, %dma_start3A_376] : memref<100x100xi32, #tpu.memory_space<vmem>> -> memref<1x100xi32, #tpu.memory_space<vmem>>
        %dma_start3A_378 = tpu.memref_squeeze %dma_start3A_377 : memref<1x100xi32, #tpu.memory_space<vmem>> -> memref<100xi32, #tpu.memory_space<vmem>>
        %dma_start3A_379 = arith.constant 0 : i32
        %dma_start3A_380 = arith.constant 0 : i32
        %dma_start3A_381 = tpu.memref_slice %arg17[%dma_start3A_379, %dma_start3A_380] : memref<10112x64xf32, #tpu.memory_space<vmem_shared>> -> memref<10112x64xf32, #tpu.memory_space<vmem_shared>>
        tpu.enqueue_indirect_dma source(%dma_start3A_381 : memref<10112x64xf32, #tpu.memory_space<vmem_shared>>) target(%arg8 : memref<100x64xf32, #tpu.memory_space<vmem>>) offsets(%dma_start3A_378 : memref<100xi32, #tpu.memory_space<vmem>>) semaphore(%arg13 : memref<!tpu.dma_semaphore, #tpu.memory_space<semaphore_mem>>)
      } else {
      }
      %mul3A_329 = arith.constant 4 : i32
      %mul3A_330 = arith.muli %mul3A_329, %scan3A_314 : i32
      %add3A_331 = arith.constant 1 : i32
      %add3A_332 = arith.addi %mul3A_330, %add3A_331 : i32
      %dma_wait3A_333 = arith.constant 0 : i32
      %dma_wait3A_334 = tpu.memref_slice %arg6[%add3A_332, %dma_wait3A_333] : memref<100x100xi32, #tpu.memory_space<vmem>> -> memref<1x100xi32, #tpu.memory_space<vmem>>
      %dma_wait3A_335 = tpu.memref_squeeze %dma_wait3A_334 : memref<1x100xi32, #tpu.memory_space<vmem>> -> memref<100xi32, #tpu.memory_space<vmem>>
      %dma_wait3A_336 = arith.constant 0 : i32
      %dma_wait3A_337 = arith.constant 0 : i32
      %dma_wait3A_338 = tpu.memref_slice %arg17[%dma_wait3A_336, %dma_wait3A_337] : memref<10112x64xf32, #tpu.memory_space<vmem_shared>> -> memref<10112x64xf32, #tpu.memory_space<vmem_shared>>
      tpu.wait_indirect_dma semaphore(%arg14 : memref<!tpu.dma_semaphore, #tpu.memory_space<semaphore_mem>>) src(%dma_wait3A_338 : memref<10112x64xf32, #tpu.memory_space<vmem_shared>>) dst(%arg9 : memref<100x64xf32, #tpu.memory_space<vmem>>)
      "tpu.region"() ({
        %run_scoped3A = tpu.sem_alloc : memref<!tpu.dma_semaphore, #tpu.memory_space<semaphore_mem>>
        %dma_start3A_374 = arith.constant 0 : i32
        %dma_start3A_375 = tpu.memref_slice %arg7[%add3A_332, %dma_start3A_374] : memref<100x100xi32, #tpu.memory_space<vmem>> -> memref<1x100xi32, #tpu.memory_space<vmem>>
        %dma_start3A_376 = tpu.memref_squeeze %dma_start3A_375 : memref<1x100xi32, #tpu.memory_space<vmem>> -> memref<100xi32, #tpu.memory_space<vmem>>
        %dma_start3A_377 = arith.constant 0 : i32
        %dma_start3A_378 = arith.constant 0 : i32
        %dma_start3A_379 = tpu.memref_slice %arg18[%dma_start3A_377, %dma_start3A_378] : memref<10000x64xf32, #tpu.memory_space<vmem_shared>> -> memref<10000x64xf32, #tpu.memory_space<vmem_shared>>
        tpu.enqueue_indirect_dma source(%arg9 : memref<100x64xf32, #tpu.memory_space<vmem>>) target(%dma_start3A_379 : memref<10000x64xf32, #tpu.memory_space<vmem_shared>>) offsets(%dma_start3A_376 : memref<100xi32, #tpu.memory_space<vmem>>) semaphore(%run_scoped3A : memref<!tpu.dma_semaphore, #tpu.memory_space<semaphore_mem>>) {add = true}
        %dma_wait3A_380 = arith.constant 0 : i32
        %dma_wait3A_381 = tpu.memref_slice %arg7[%add3A_332, %dma_wait3A_380] : memref<100x100xi32, #tpu.memory_space<vmem>> -> memref<1x100xi32, #tpu.memory_space<vmem>>
        %dma_wait3A_382 = tpu.memref_squeeze %dma_wait3A_381 : memref<1x100xi32, #tpu.memory_space<vmem>> -> memref<100xi32, #tpu.memory_space<vmem>>
        %dma_wait3A_383 = arith.constant 0 : i32
        %dma_wait3A_384 = arith.constant 0 : i32
        %dma_wait3A_385 = tpu.memref_slice %arg18[%dma_wait3A_383, %dma_wait3A_384] : memref<10000x64xf32, #tpu.memory_space<vmem_shared>> -> memref<10000x64xf32, #tpu.memory_space<vmem_shared>>
        tpu.wait_indirect_dma semaphore(%run_scoped3A : memref<!tpu.dma_semaphore, #tpu.memory_space<semaphore_mem>>) src(%arg9 : memref<100x64xf32, #tpu.memory_space<vmem>>) dst(%dma_wait3A_385 : memref<10000x64xf32, #tpu.memory_space<vmem_shared>>)
        tpu.yield
      }) : () -> ()
      %lt3A_339 = arith.constant 24 : i32
      %lt3A_340 = arith.cmpi slt, %scan3A_314, %lt3A_339 : i32
      %convert_element_type3A_341 = arith.extui %lt3A_340 : i1 to i32
      %cond3A_342 = arith.constant 0 : i32
      %cond3A_343 = arith.cmpi ne, %convert_element_type3A_341, %cond3A_342 : i32
      scf.if %cond3A_343 {
        %add3A_374 = arith.constant 4 : i32
        %add3A_375 = arith.addi %add3A_332, %add3A_374 : i32
        %dma_start3A_376 = arith.constant 0 : i32
        %dma_start3A_377 = tpu.memref_slice %arg6[%add3A_375, %dma_start3A_376] : memref<100x100xi32, #tpu.memory_space<vmem>> -> memref<1x100xi32, #tpu.memory_space<vmem>>
        %dma_start3A_378 = tpu.memref_squeeze %dma_start3A_377 : memref<1x100xi32, #tpu.memory_space<vmem>> -> memref<100xi32, #tpu.memory_space<vmem>>
        %dma_start3A_379 = arith.constant 0 : i32
        %dma_start3A_380 = arith.constant 0 : i32
        %dma_start3A_381 = tpu.memref_slice %arg17[%dma_start3A_379, %dma_start3A_380] : memref<10112x64xf32, #tpu.memory_space<vmem_shared>> -> memref<10112x64xf32, #tpu.memory_space<vmem_shared>>
        tpu.enqueue_indirect_dma source(%dma_start3A_381 : memref<10112x64xf32, #tpu.memory_space<vmem_shared>>) target(%arg9 : memref<100x64xf32, #tpu.memory_space<vmem>>) offsets(%dma_start3A_378 : memref<100xi32, #tpu.memory_space<vmem>>) semaphore(%arg14 : memref<!tpu.dma_semaphore, #tpu.memory_space<semaphore_mem>>)
      } else {
      }
      %mul3A_344 = arith.constant 4 : i32
      %mul3A_345 = arith.muli %mul3A_344, %scan3A_314 : i32
      %add3A_346 = arith.constant 2 : i32
      %add3A_347 = arith.addi %mul3A_345, %add3A_346 : i32
      %dma_wait3A_348 = arith.constant 0 : i32
      %dma_wait3A_349 = tpu.memref_slice %arg6[%add3A_347, %dma_wait3A_348] : memref<100x100xi32, #tpu.memory_space<vmem>> -> memref<1x100xi32, #tpu.memory_space<vmem>>
      %dma_wait3A_350 = tpu.memref_squeeze %dma_wait3A_349 : memref<1x100xi32, #tpu.memory_space<vmem>> -> memref<100xi32, #tpu.memory_space<vmem>>
      %dma_wait3A_351 = arith.constant 0 : i32
      %dma_wait3A_352 = arith.constant 0 : i32
      %dma_wait3A_353 = tpu.memref_slice %arg17[%dma_wait3A_351, %dma_wait3A_352] : memref<10112x64xf32, #tpu.memory_space<vmem_shared>> -> memref<10112x64xf32, #tpu.memory_space<vmem_shared>>
      tpu.wait_indirect_dma semaphore(%arg15 : memref<!tpu.dma_semaphore, #tpu.memory_space<semaphore_mem>>) src(%dma_wait3A_353 : memref<10112x64xf32, #tpu.memory_space<vmem_shared>>) dst(%arg10 : memref<100x64xf32, #tpu.memory_space<vmem>>)
      "tpu.region"() ({
        %run_scoped3A = tpu.sem_alloc : memref<!tpu.dma_semaphore, #tpu.memory_space<semaphore_mem>>
        %dma_start3A_374 = arith.constant 0 : i32
        %dma_start3A_375 = tpu.memref_slice %arg7[%add3A_347, %dma_start3A_374] : memref<100x100xi32, #tpu.memory_space<vmem>> -> memref<1x100xi32, #tpu.memory_space<vmem>>
        %dma_start3A_376 = tpu.memref_squeeze %dma_start3A_375 : memref<1x100xi32, #tpu.memory_space<vmem>> -> memref<100xi32, #tpu.memory_space<vmem>>
        %dma_start3A_377 = arith.constant 0 : i32
        %dma_start3A_378 = arith.constant 0 : i32
        %dma_start3A_379 = tpu.memref_slice %arg18[%dma_start3A_377, %dma_start3A_378] : memref<10000x64xf32, #tpu.memory_space<vmem_shared>> -> memref<10000x64xf32, #tpu.memory_space<vmem_shared>>
        tpu.enqueue_indirect_dma source(%arg10 : memref<100x64xf32, #tpu.memory_space<vmem>>) target(%dma_start3A_379 : memref<10000x64xf32, #tpu.memory_space<vmem_shared>>) offsets(%dma_start3A_376 : memref<100xi32, #tpu.memory_space<vmem>>) semaphore(%run_scoped3A : memref<!tpu.dma_semaphore, #tpu.memory_space<semaphore_mem>>) {add = true}
        %dma_wait3A_380 = arith.constant 0 : i32
        %dma_wait3A_381 = tpu.memref_slice %arg7[%add3A_347, %dma_wait3A_380] : memref<100x100xi32, #tpu.memory_space<vmem>> -> memref<1x100xi32, #tpu.memory_space<vmem>>
        %dma_wait3A_382 = tpu.memref_squeeze %dma_wait3A_381 : memref<1x100xi32, #tpu.memory_space<vmem>> -> memref<100xi32, #tpu.memory_space<vmem>>
        %dma_wait3A_383 = arith.constant 0 : i32
        %dma_wait3A_384 = arith.constant 0 : i32
        %dma_wait3A_385 = tpu.memref_slice %arg18[%dma_wait3A_383, %dma_wait3A_384] : memref<10000x64xf32, #tpu.memory_space<vmem_shared>> -> memref<10000x64xf32, #tpu.memory_space<vmem_shared>>
        tpu.wait_indirect_dma semaphore(%run_scoped3A : memref<!tpu.dma_semaphore, #tpu.memory_space<semaphore_mem>>) src(%arg10 : memref<100x64xf32, #tpu.memory_space<vmem>>) dst(%dma_wait3A_385 : memref<10000x64xf32, #tpu.memory_space<vmem_shared>>)
        tpu.yield
      }) : () -> ()
      %lt3A_354 = arith.constant 24 : i32
      %lt3A_355 = arith.cmpi slt, %scan3A_314, %lt3A_354 : i32
      %convert_element_type3A_356 = arith.extui %lt3A_355 : i1 to i32
      %cond3A_357 = arith.constant 0 : i32
      %cond3A_358 = arith.cmpi ne, %convert_element_type3A_356, %cond3A_357 : i32
      scf.if %cond3A_358 {
        %add3A_374 = arith.constant 4 : i32
        %add3A_375 = arith.addi %add3A_347, %add3A_374 : i32
        %dma_start3A_376 = arith.constant 0 : i32
        %dma_start3A_377 = tpu.memref_slice %arg6[%add3A_375, %dma_start3A_376] : memref<100x100xi32, #tpu.memory_space<vmem>> -> memref<1x100xi32, #tpu.memory_space<vmem>>
        %dma_start3A_378 = tpu.memref_squeeze %dma_start3A_377 : memref<1x100xi32, #tpu.memory_space<vmem>> -> memref<100xi32, #tpu.memory_space<vmem>>
        %dma_start3A_379 = arith.constant 0 : i32
        %dma_start3A_380 = arith.constant 0 : i32
        %dma_start3A_381 = tpu.memref_slice %arg17[%dma_start3A_379, %dma_start3A_380] : memref<10112x64xf32, #tpu.memory_space<vmem_shared>> -> memref<10112x64xf32, #tpu.memory_space<vmem_shared>>
        tpu.enqueue_indirect_dma source(%dma_start3A_381 : memref<10112x64xf32, #tpu.memory_space<vmem_shared>>) target(%arg10 : memref<100x64xf32, #tpu.memory_space<vmem>>) offsets(%dma_start3A_378 : memref<100xi32, #tpu.memory_space<vmem>>) semaphore(%arg15 : memref<!tpu.dma_semaphore, #tpu.memory_space<semaphore_mem>>)
      } else {
      }
      %mul3A_359 = arith.constant 4 : i32
      %mul3A_360 = arith.muli %mul3A_359, %scan3A_314 : i32
      %add3A_361 = arith.constant 3 : i32
      %add3A_362 = arith.addi %mul3A_360, %add3A_361 : i32
      %dma_wait3A_363 = arith.constant 0 : i32
      %dma_wait3A_364 = tpu.memref_slice %arg6[%add3A_362, %dma_wait3A_363] : memref<100x100xi32, #tpu.memory_space<vmem>> -> memref<1x100xi32, #tpu.memory_space<vmem>>
      %dma_wait3A_365 = tpu.memref_squeeze %dma_wait3A_364 : memref<1x100xi32, #tpu.memory_space<vmem>> -> memref<100xi32, #tpu.memory_space<vmem>>
      %dma_wait3A_366 = arith.constant 0 : i32
      %dma_wait3A_367 = arith.constant 0 : i32
      %dma_wait3A_368 = tpu.memref_slice %arg17[%dma_wait3A_366, %dma_wait3A_367] : memref<10112x64xf32, #tpu.memory_space<vmem_shared>> -> memref<10112x64xf32, #tpu.memory_space<vmem_shared>>
      tpu.wait_indirect_dma semaphore(%arg16 : memref<!tpu.dma_semaphore, #tpu.memory_space<semaphore_mem>>) src(%dma_wait3A_368 : memref<10112x64xf32, #tpu.memory_space<vmem_shared>>) dst(%arg11 : memref<100x64xf32, #tpu.memory_space<vmem>>)
      "tpu.region"() ({
        %run_scoped3A = tpu.sem_alloc : memref<!tpu.dma_semaphore, #tpu.memory_space<semaphore_mem>>
        %dma_start3A_374 = arith.constant 0 : i32
        %dma_start3A_375 = tpu.memref_slice %arg7[%add3A_362, %dma_start3A_374] : memref<100x100xi32, #tpu.memory_space<vmem>> -> memref<1x100xi32, #tpu.memory_space<vmem>>
        %dma_start3A_376 = tpu.memref_squeeze %dma_start3A_375 : memref<1x100xi32, #tpu.memory_space<vmem>> -> memref<100xi32, #tpu.memory_space<vmem>>
        %dma_start3A_377 = arith.constant 0 : i32
        %dma_start3A_378 = arith.constant 0 : i32
        %dma_start3A_379 = tpu.memref_slice %arg18[%dma_start3A_377, %dma_start3A_378] : memref<10000x64xf32, #tpu.memory_space<vmem_shared>> -> memref<10000x64xf32, #tpu.memory_space<vmem_shared>>
        tpu.enqueue_indirect_dma source(%arg11 : memref<100x64xf32, #tpu.memory_space<vmem>>) target(%dma_start3A_379 : memref<10000x64xf32, #tpu.memory_space<vmem_shared>>) offsets(%dma_start3A_376 : memref<100xi32, #tpu.memory_space<vmem>>) semaphore(%run_scoped3A : memref<!tpu.dma_semaphore, #tpu.memory_space<semaphore_mem>>) {add = true}
        %dma_wait3A_380 = arith.constant 0 : i32
        %dma_wait3A_381 = tpu.memref_slice %arg7[%add3A_362, %dma_wait3A_380] : memref<100x100xi32, #tpu.memory_space<vmem>> -> memref<1x100xi32, #tpu.memory_space<vmem>>
        %dma_wait3A_382 = tpu.memref_squeeze %dma_wait3A_381 : memref<1x100xi32, #tpu.memory_space<vmem>> -> memref<100xi32, #tpu.memory_space<vmem>>
        %dma_wait3A_383 = arith.constant 0 : i32
        %dma_wait3A_384 = arith.constant 0 : i32
        %dma_wait3A_385 = tpu.memref_slice %arg18[%dma_wait3A_383, %dma_wait3A_384] : memref<10000x64xf32, #tpu.memory_space<vmem_shared>> -> memref<10000x64xf32, #tpu.memory_space<vmem_shared>>
        tpu.wait_indirect_dma semaphore(%run_scoped3A : memref<!tpu.dma_semaphore, #tpu.memory_space<semaphore_mem>>) src(%arg11 : memref<100x64xf32, #tpu.memory_space<vmem>>) dst(%dma_wait3A_385 : memref<10000x64xf32, #tpu.memory_space<vmem_shared>>)
        tpu.yield
      }) : () -> ()
      %lt3A_369 = arith.constant 24 : i32
      %lt3A_370 = arith.cmpi slt, %scan3A_314, %lt3A_369 : i32
      %convert_element_type3A_371 = arith.extui %lt3A_370 : i1 to i32
      %cond3A_372 = arith.constant 0 : i32
      %cond3A_373 = arith.cmpi ne, %convert_element_type3A_371, %cond3A_372 : i32
      scf.if %cond3A_373 {
        %add3A_374 = arith.constant 4 : i32
        %add3A_375 = arith.addi %add3A_362, %add3A_374 : i32
        %dma_start3A_376 = arith.constant 0 : i32
        %dma_start3A_377 = tpu.memref_slice %arg6[%add3A_375, %dma_start3A_376] : memref<100x100xi32, #tpu.memory_space<vmem>> -> memref<1x100xi32, #tpu.memory_space<vmem>>
        %dma_start3A_378 = tpu.memref_squeeze %dma_start3A_377 : memref<1x100xi32, #tpu.memory_space<vmem>> -> memref<100xi32, #tpu.memory_space<vmem>>
        %dma_start3A_379 = arith.constant 0 : i32
        %dma_start3A_380 = arith.constant 0 : i32
        %dma_start3A_381 = tpu.memref_slice %arg17[%dma_start3A_379, %dma_start3A_380] : memref<10112x64xf32, #tpu.memory_space<vmem_shared>> -> memref<10112x64xf32, #tpu.memory_space<vmem_shared>>
        tpu.enqueue_indirect_dma source(%dma_start3A_381 : memref<10112x64xf32, #tpu.memory_space<vmem_shared>>) target(%arg11 : memref<100x64xf32, #tpu.memory_space<vmem>>) offsets(%dma_start3A_378 : memref<100xi32, #tpu.memory_space<vmem>>) semaphore(%arg16 : memref<!tpu.dma_semaphore, #tpu.memory_space<semaphore_mem>>)
      } else {
      }
    }
    %scan3A_302 = arith.constant 25 : i32
    %barrier3A_303 = arith.constant 0 : index
    tpu.barrier barrier_id(%barrier3A_303)
    %lt3A_304 = arith.constant 15 : i32
    %lt3A_305 = arith.cmpi slt, %arg1, %lt3A_304 : i32
    %convert_element_type3A_306 = arith.extui %lt3A_305 : i1 to i32
    %cond3A_307 = arith.constant 0 : i32
    %cond3A_308 = arith.cmpi ne, %convert_element_type3A_306, %cond3A_307 : i32
    scf.if %cond3A_308 {
      %mul3A_314 = arith.constant 632 : i32
      %mul3A_315 = arith.muli %arg1, %mul3A_314 : i32
      %mul3A_316 = arith.constant 632 : i32
      %mul3A_317 = arith.muli %arg1, %mul3A_316 : i32
      "tpu.region"() ({
        %run_scoped3A = tpu.sem_alloc : memref<!tpu.dma_semaphore, #tpu.memory_space<semaphore_mem>>
        %dma_start3A_318 = arith.constant 0 : i32
        %dma_start3A_319 = tpu.memref_slice %arg5[%arg0, %mul3A_317, %dma_start3A_318] : memref<2x10000x64xf32, #tpu.memory_space<hbm>> -> memref<1x632x64xf32, #tpu.memory_space<hbm>>
        %dma_start3A_320 = tpu.memref_squeeze %dma_start3A_319 : memref<1x632x64xf32, #tpu.memory_space<hbm>> -> memref<632x64xf32, #tpu.memory_space<hbm>>
        %dma_start3A_321 = arith.constant 0 : i32
        %dma_start3A_322 = tpu.memref_slice %arg18[%mul3A_315, %dma_start3A_321] : memref<10000x64xf32, #tpu.memory_space<vmem_shared>> -> memref<632x64xf32, #tpu.memory_space<vmem_shared>>
        tpu.enqueue_dma source(%dma_start3A_322 : memref<632x64xf32, #tpu.memory_space<vmem_shared>>) target(%dma_start3A_320 : memref<632x64xf32, #tpu.memory_space<hbm>>) target_semaphore(%run_scoped3A : memref<!tpu.dma_semaphore, #tpu.memory_space<semaphore_mem>>)
        %dma_wait3A = arith.constant 0 : i32
        %dma_wait3A_323 = tpu.memref_slice %arg5[%arg0, %mul3A_317, %dma_wait3A] : memref<2x10000x64xf32, #tpu.memory_space<hbm>> -> memref<1x632x64xf32, #tpu.memory_space<hbm>>
        %dma_wait3A_324 = tpu.memref_squeeze %dma_wait3A_323 : memref<1x632x64xf32, #tpu.memory_space<hbm>> -> memref<632x64xf32, #tpu.memory_space<hbm>>
        %dma_wait3A_325 = arith.constant 0 : i32
        %dma_wait3A_326 = tpu.memref_slice %arg18[%mul3A_315, %dma_wait3A_325] : memref<10000x64xf32, #tpu.memory_space<vmem_shared>> -> memref<632x64xf32, #tpu.memory_space<vmem_shared>>
        tpu.wait_dma2 semaphore(%run_scoped3A : memref<!tpu.dma_semaphore, #tpu.memory_space<semaphore_mem>>) src(%dma_wait3A_326 : memref<632x64xf32, #tpu.memory_space<vmem_shared>>) dst(%dma_wait3A_324 : memref<632x64xf32, #tpu.memory_space<hbm>>)
        tpu.yield
      }) : () -> ()
    } else {
    }
    %eq3A_309 = arith.constant 15 : i32
    %eq3A_310 = arith.cmpi eq, %arg1, %eq3A_309 : i32
    %convert_element_type3A_311 = arith.extui %eq3A_310 : i1 to i32
    %cond3A_312 = arith.constant 0 : i32
    %cond3A_313 = arith.cmpi ne, %convert_element_type3A_311, %cond3A_312 : i32
    scf.if %cond3A_313 {
      "tpu.region"() ({
        %run_scoped3A = tpu.sem_alloc : memref<!tpu.dma_semaphore, #tpu.memory_space<semaphore_mem>>
        %dma_start3A_314 = arith.constant 9480 : i32
        %dma_start3A_315 = arith.constant 0 : i32
        %dma_start3A_316 = tpu.memref_slice %arg5[%arg0, %dma_start3A_314, %dma_start3A_315] : memref<2x10000x64xf32, #tpu.memory_space<hbm>> -> memref<1x520x64xf32, #tpu.memory_space<hbm>>
        %dma_start3A_317 = tpu.memref_squeeze %dma_start3A_316 : memref<1x520x64xf32, #tpu.memory_space<hbm>> -> memref<520x64xf32, #tpu.memory_space<hbm>>
        %dma_start3A_318 = arith.constant 9480 : i32
        %dma_start3A_319 = arith.constant 0 : i32
        %dma_start3A_320 = tpu.memref_slice %arg18[%dma_start3A_318, %dma_start3A_319] : memref<10000x64xf32, #tpu.memory_space<vmem_shared>> -> memref<520x64xf32, #tpu.memory_space<vmem_shared>>
        tpu.enqueue_dma source(%dma_start3A_320 : memref<520x64xf32, #tpu.memory_space<vmem_shared>>) target(%dma_start3A_317 : memref<520x64xf32, #tpu.memory_space<hbm>>) target_semaphore(%run_scoped3A : memref<!tpu.dma_semaphore, #tpu.memory_space<semaphore_mem>>)
        %dma_wait3A = arith.constant 9480 : i32
        %dma_wait3A_321 = arith.constant 0 : i32
        %dma_wait3A_322 = tpu.memref_slice %arg5[%arg0, %dma_wait3A, %dma_wait3A_321] : memref<2x10000x64xf32, #tpu.memory_space<hbm>> -> memref<1x520x64xf32, #tpu.memory_space<hbm>>
        %dma_wait3A_323 = tpu.memref_squeeze %dma_wait3A_322 : memref<1x520x64xf32, #tpu.memory_space<hbm>> -> memref<520x64xf32, #tpu.memory_space<hbm>>
        %dma_wait3A_324 = arith.constant 9480 : i32
        %dma_wait3A_325 = arith.constant 0 : i32
        %dma_wait3A_326 = tpu.memref_slice %arg18[%dma_wait3A_324, %dma_wait3A_325] : memref<10000x64xf32, #tpu.memory_space<vmem_shared>> -> memref<520x64xf32, #tpu.memory_space<vmem_shared>>
        tpu.wait_dma2 semaphore(%run_scoped3A : memref<!tpu.dma_semaphore, #tpu.memory_space<semaphore_mem>>) src(%dma_wait3A_326 : memref<520x64xf32, #tpu.memory_space<vmem_shared>>) dst(%dma_wait3A_323 : memref<520x64xf32, #tpu.memory_space<hbm>>)
        tpu.yield
      }) : () -> ()
    } else {
    }
    return
  }
}

#map = affine_map<(d0, d1) -> (0, 0)>
#map1 = affine_map<(d0, d1) -> (0, 0, 0)>
module attributes {stable_mosaic.version = 14 : i64} {
  func.func @_agg_body(%arg0: i32, %arg1: i32, %arg2: memref<10000x64xf32, #tpu.memory_space<hbm>>, %arg3: memref<32x100x100xi32, #tpu.memory_space<hbm>>, %arg4: memref<32x100x100xi32, #tpu.memory_space<hbm>>, %arg5: memref<2x10000x64xf32, #tpu.memory_space<hbm>>, %arg6: memref<100x100xi32, #tpu.memory_space<vmem>>, %arg7: memref<100x100xi32, #tpu.memory_space<vmem>>, %arg8: memref<100x64xf32, #tpu.memory_space<vmem>>, %arg9: memref<100x64xf32, #tpu.memory_space<vmem>>, %arg10: memref<100x64xf32, #tpu.memory_space<vmem>>, %arg11: memref<100x64xf32, #tpu.memory_space<vmem>>, %arg12: memref<8x64xf32, #tpu.memory_space<vmem>>, %arg13: memref<!tpu.dma_semaphore, #tpu.memory_space<semaphore_mem>>, %arg14: memref<!tpu.dma_semaphore, #tpu.memory_space<semaphore_mem>>, %arg15: memref<!tpu.dma_semaphore, #tpu.memory_space<semaphore_mem>>, %arg16: memref<!tpu.dma_semaphore, #tpu.memory_space<semaphore_mem>>, %arg17: memref<10112x64xf32, #tpu.memory_space<vmem_shared>>, %arg18: memref<10000x64xf32, #tpu.memory_space<vmem_shared>>) attributes {dimension_semantics = [#tpu.dimension_semantics<core_parallel>, #tpu.dimension_semantics<subcore_parallel>], iteration_bounds = array<i64: 2, 16>, scalar_prefetch = 0 : i64, scratch_operands = 13 : i64, tpu.core_type = #tpu.core_type<sc_vector_subcore>, window_params = [{transform_indices = #map}, {transform_indices = #map1}, {transform_indices = #map1}, {transform_indices = #map1}]} {
    %mul3A = arith.constant 16 : i32
    %mul3A_0 = arith.muli %arg0, %mul3A : i32
    %add3A = arith.addi %mul3A_0, %arg1 : i32
    %broadcast_in_dim3A = arith.constant 0.000000e+00 : f32
    %broadcast_in_dim3A_1 = vector.broadcast %broadcast_in_dim3A : f32 to vector<16xf32>
    %swap3A = arith.constant 0 : i32
    %swap3A_2 = arith.index_cast %swap3A : i32 to index
    %swap3A_3 = arith.constant 0 : index
    %swap3A_4 = tpu.vector_load %arg12[%swap3A_2, %swap3A_3] {strides = array<i32>} : memref<8x64xf32, #tpu.memory_space<vmem>>, vector<1x16xf32>,
    %swap3A_5 = vector.shape_cast %swap3A_4 : vector<1x16xf32> to vector<16xf32>
    %swap3A_6 = vector.shape_cast %broadcast_in_dim3A_1 : vector<16xf32> to vector<1x16xf32>
    tpu.vector_store %arg12[%swap3A_2, %swap3A_3], %swap3A_6 {strides = array<i32>} : memref<8x64xf32, #tpu.memory_space<vmem>>, vector<1x16xf32>,
    %broadcast_in_dim3A_7 = arith.constant 0.000000e+00 : f32
    %broadcast_in_dim3A_8 = vector.broadcast %broadcast_in_dim3A_7 : f32 to vector<16xf32>
    %swap3A_9 = arith.constant 0 : i32
    %swap3A_10 = arith.index_cast %swap3A_9 : i32 to index
    %swap3A_11 = arith.constant 16 : index
    %swap3A_12 = tpu.vector_load %arg12[%swap3A_10, %swap3A_11] {strides = array<i32>} : memref<8x64xf32, #tpu.memory_space<vmem>>, vector<1x16xf32>,
    %swap3A_13 = vector.shape_cast %swap3A_12 : vector<1x16xf32> to vector<16xf32>
    %swap3A_14 = vector.shape_cast %broadcast_in_dim3A_8 : vector<16xf32> to vector<1x16xf32>
    tpu.vector_store %arg12[%swap3A_10, %swap3A_11], %swap3A_14 {strides = array<i32>} : memref<8x64xf32, #tpu.memory_space<vmem>>, vector<1x16xf32>,
    %broadcast_in_dim3A_15 = arith.constant 0.000000e+00 : f32
    %broadcast_in_dim3A_16 = vector.broadcast %broadcast_in_dim3A_15 : f32 to vector<16xf32>
    %swap3A_17 = arith.constant 0 : i32
    %swap3A_18 = arith.index_cast %swap3A_17 : i32 to index
    %swap3A_19 = arith.constant 32 : index
    %swap3A_20 = tpu.vector_load %arg12[%swap3A_18, %swap3A_19] {strides = array<i32>} : memref<8x64xf32, #tpu.memory_space<vmem>>, vector<1x16xf32>,
    %swap3A_21 = vector.shape_cast %swap3A_20 : vector<1x16xf32> to vector<16xf32>
    %swap3A_22 = vector.shape_cast %broadcast_in_dim3A_16 : vector<16xf32> to vector<1x16xf32>
    tpu.vector_store %arg12[%swap3A_18, %swap3A_19], %swap3A_22 {strides = array<i32>} : memref<8x64xf32, #tpu.memory_space<vmem>>, vector<1x16xf32>,
    %broadcast_in_dim3A_23 = arith.constant 0.000000e+00 : f32
    %broadcast_in_dim3A_24 = vector.broadcast %broadcast_in_dim3A_23 : f32 to vector<16xf32>
    %swap3A_25 = arith.constant 0 : i32
    %swap3A_26 = arith.index_cast %swap3A_25 : i32 to index
    %swap3A_27 = arith.constant 48 : index
    %swap3A_28 = tpu.vector_load %arg12[%swap3A_26, %swap3A_27] {strides = array<i32>} : memref<8x64xf32, #tpu.memory_space<vmem>>, vector<1x16xf32>,
    %swap3A_29 = vector.shape_cast %swap3A_28 : vector<1x16xf32> to vector<16xf32>
    %swap3A_30 = vector.shape_cast %broadcast_in_dim3A_24 : vector<16xf32> to vector<1x16xf32>
    tpu.vector_store %arg12[%swap3A_26, %swap3A_27], %swap3A_30 {strides = array<i32>} : memref<8x64xf32, #tpu.memory_space<vmem>>, vector<1x16xf32>,
    %broadcast_in_dim3A_31 = arith.constant 0.000000e+00 : f32
    %broadcast_in_dim3A_32 = vector.broadcast %broadcast_in_dim3A_31 : f32 to vector<16xf32>
    %swap3A_33 = arith.constant 1 : i32
    %swap3A_34 = arith.index_cast %swap3A_33 : i32 to index
    %swap3A_35 = arith.constant 0 : index
    %swap3A_36 = tpu.vector_load %arg12[%swap3A_34, %swap3A_35] {strides = array<i32>} : memref<8x64xf32, #tpu.memory_space<vmem>>, vector<1x16xf32>,
    %swap3A_37 = vector.shape_cast %swap3A_36 : vector<1x16xf32> to vector<16xf32>
    %swap3A_38 = vector.shape_cast %broadcast_in_dim3A_32 : vector<16xf32> to vector<1x16xf32>
    tpu.vector_store %arg12[%swap3A_34, %swap3A_35], %swap3A_38 {strides = array<i32>} : memref<8x64xf32, #tpu.memory_space<vmem>>, vector<1x16xf32>,
    %broadcast_in_dim3A_39 = arith.constant 0.000000e+00 : f32
    %broadcast_in_dim3A_40 = vector.broadcast %broadcast_in_dim3A_39 : f32 to vector<16xf32>
    %swap3A_41 = arith.constant 1 : i32
    %swap3A_42 = arith.index_cast %swap3A_41 : i32 to index
    %swap3A_43 = arith.constant 16 : index
    %swap3A_44 = tpu.vector_load %arg12[%swap3A_42, %swap3A_43] {strides = array<i32>} : memref<8x64xf32, #tpu.memory_space<vmem>>, vector<1x16xf32>,
    %swap3A_45 = vector.shape_cast %swap3A_44 : vector<1x16xf32> to vector<16xf32>
    %swap3A_46 = vector.shape_cast %broadcast_in_dim3A_40 : vector<16xf32> to vector<1x16xf32>
    tpu.vector_store %arg12[%swap3A_42, %swap3A_43], %swap3A_46 {strides = array<i32>} : memref<8x64xf32, #tpu.memory_space<vmem>>, vector<1x16xf32>,
    %broadcast_in_dim3A_47 = arith.constant 0.000000e+00 : f32
    %broadcast_in_dim3A_48 = vector.broadcast %broadcast_in_dim3A_47 : f32 to vector<16xf32>
    %swap3A_49 = arith.constant 1 : i32
    %swap3A_50 = arith.index_cast %swap3A_49 : i32 to index
    %swap3A_51 = arith.constant 32 : index
    %swap3A_52 = tpu.vector_load %arg12[%swap3A_50, %swap3A_51] {strides = array<i32>} : memref<8x64xf32, #tpu.memory_space<vmem>>, vector<1x16xf32>,
    %swap3A_53 = vector.shape_cast %swap3A_52 : vector<1x16xf32> to vector<16xf32>
    %swap3A_54 = vector.shape_cast %broadcast_in_dim3A_48 : vector<16xf32> to vector<1x16xf32>
    tpu.vector_store %arg12[%swap3A_50, %swap3A_51], %swap3A_54 {strides = array<i32>} : memref<8x64xf32, #tpu.memory_space<vmem>>, vector<1x16xf32>,
    %broadcast_in_dim3A_55 = arith.constant 0.000000e+00 : f32
    %broadcast_in_dim3A_56 = vector.broadcast %broadcast_in_dim3A_55 : f32 to vector<16xf32>
    %swap3A_57 = arith.constant 1 : i32
    %swap3A_58 = arith.index_cast %swap3A_57 : i32 to index
    %swap3A_59 = arith.constant 48 : index
    %swap3A_60 = tpu.vector_load %arg12[%swap3A_58, %swap3A_59] {strides = array<i32>} : memref<8x64xf32, #tpu.memory_space<vmem>>, vector<1x16xf32>,
    %swap3A_61 = vector.shape_cast %swap3A_60 : vector<1x16xf32> to vector<16xf32>
    %swap3A_62 = vector.shape_cast %broadcast_in_dim3A_56 : vector<16xf32> to vector<1x16xf32>
    tpu.vector_store %arg12[%swap3A_58, %swap3A_59], %swap3A_62 {strides = array<i32>} : memref<8x64xf32, #tpu.memory_space<vmem>>, vector<1x16xf32>,
    %broadcast_in_dim3A_63 = arith.constant 0.000000e+00 : f32
    %broadcast_in_dim3A_64 = vector.broadcast %broadcast_in_dim3A_63 : f32 to vector<16xf32>
    %swap3A_65 = arith.constant 2 : i32
    %swap3A_66 = arith.index_cast %swap3A_65 : i32 to index
    %swap3A_67 = arith.constant 0 : index
    %swap3A_68 = tpu.vector_load %arg12[%swap3A_66, %swap3A_67] {strides = array<i32>} : memref<8x64xf32, #tpu.memory_space<vmem>>, vector<1x16xf32>,
    %swap3A_69 = vector.shape_cast %swap3A_68 : vector<1x16xf32> to vector<16xf32>
    %swap3A_70 = vector.shape_cast %broadcast_in_dim3A_64 : vector<16xf32> to vector<1x16xf32>
    tpu.vector_store %arg12[%swap3A_66, %swap3A_67], %swap3A_70 {strides = array<i32>} : memref<8x64xf32, #tpu.memory_space<vmem>>, vector<1x16xf32>,
    %broadcast_in_dim3A_71 = arith.constant 0.000000e+00 : f32
    %broadcast_in_dim3A_72 = vector.broadcast %broadcast_in_dim3A_71 : f32 to vector<16xf32>
    %swap3A_73 = arith.constant 2 : i32
    %swap3A_74 = arith.index_cast %swap3A_73 : i32 to index
    %swap3A_75 = arith.constant 16 : index
    %swap3A_76 = tpu.vector_load %arg12[%swap3A_74, %swap3A_75] {strides = array<i32>} : memref<8x64xf32, #tpu.memory_space<vmem>>, vector<1x16xf32>,
    %swap3A_77 = vector.shape_cast %swap3A_76 : vector<1x16xf32> to vector<16xf32>
    %swap3A_78 = vector.shape_cast %broadcast_in_dim3A_72 : vector<16xf32> to vector<1x16xf32>
    tpu.vector_store %arg12[%swap3A_74, %swap3A_75], %swap3A_78 {strides = array<i32>} : memref<8x64xf32, #tpu.memory_space<vmem>>, vector<1x16xf32>,
    %broadcast_in_dim3A_79 = arith.constant 0.000000e+00 : f32
    %broadcast_in_dim3A_80 = vector.broadcast %broadcast_in_dim3A_79 : f32 to vector<16xf32>
    %swap3A_81 = arith.constant 2 : i32
    %swap3A_82 = arith.index_cast %swap3A_81 : i32 to index
    %swap3A_83 = arith.constant 32 : index
    %swap3A_84 = tpu.vector_load %arg12[%swap3A_82, %swap3A_83] {strides = array<i32>} : memref<8x64xf32, #tpu.memory_space<vmem>>, vector<1x16xf32>,
    %swap3A_85 = vector.shape_cast %swap3A_84 : vector<1x16xf32> to vector<16xf32>
    %swap3A_86 = vector.shape_cast %broadcast_in_dim3A_80 : vector<16xf32> to vector<1x16xf32>
    tpu.vector_store %arg12[%swap3A_82, %swap3A_83], %swap3A_86 {strides = array<i32>} : memref<8x64xf32, #tpu.memory_space<vmem>>, vector<1x16xf32>,
    %broadcast_in_dim3A_87 = arith.constant 0.000000e+00 : f32
    %broadcast_in_dim3A_88 = vector.broadcast %broadcast_in_dim3A_87 : f32 to vector<16xf32>
    %swap3A_89 = arith.constant 2 : i32
    %swap3A_90 = arith.index_cast %swap3A_89 : i32 to index
    %swap3A_91 = arith.constant 48 : index
    %swap3A_92 = tpu.vector_load %arg12[%swap3A_90, %swap3A_91] {strides = array<i32>} : memref<8x64xf32, #tpu.memory_space<vmem>>, vector<1x16xf32>,
    %swap3A_93 = vector.shape_cast %swap3A_92 : vector<1x16xf32> to vector<16xf32>
    %swap3A_94 = vector.shape_cast %broadcast_in_dim3A_88 : vector<16xf32> to vector<1x16xf32>
    tpu.vector_store %arg12[%swap3A_90, %swap3A_91], %swap3A_94 {strides = array<i32>} : memref<8x64xf32, #tpu.memory_space<vmem>>, vector<1x16xf32>,
    %broadcast_in_dim3A_95 = arith.constant 0.000000e+00 : f32
    %broadcast_in_dim3A_96 = vector.broadcast %broadcast_in_dim3A_95 : f32 to vector<16xf32>
    %swap3A_97 = arith.constant 3 : i32
    %swap3A_98 = arith.index_cast %swap3A_97 : i32 to index
    %swap3A_99 = arith.constant 0 : index
    %swap3A_100 = tpu.vector_load %arg12[%swap3A_98, %swap3A_99] {strides = array<i32>} : memref<8x64xf32, #tpu.memory_space<vmem>>, vector<1x16xf32>,
    %swap3A_101 = vector.shape_cast %swap3A_100 : vector<1x16xf32> to vector<16xf32>
    %swap3A_102 = vector.shape_cast %broadcast_in_dim3A_96 : vector<16xf32> to vector<1x16xf32>
    tpu.vector_store %arg12[%swap3A_98, %swap3A_99], %swap3A_102 {strides = array<i32>} : memref<8x64xf32, #tpu.memory_space<vmem>>, vector<1x16xf32>,
    %broadcast_in_dim3A_103 = arith.constant 0.000000e+00 : f32
    %broadcast_in_dim3A_104 = vector.broadcast %broadcast_in_dim3A_103 : f32 to vector<16xf32>
    %swap3A_105 = arith.constant 3 : i32
    %swap3A_106 = arith.index_cast %swap3A_105 : i32 to index
    %swap3A_107 = arith.constant 16 : index
    %swap3A_108 = tpu.vector_load %arg12[%swap3A_106, %swap3A_107] {strides = array<i32>} : memref<8x64xf32, #tpu.memory_space<vmem>>, vector<1x16xf32>,
    %swap3A_109 = vector.shape_cast %swap3A_108 : vector<1x16xf32> to vector<16xf32>
    %swap3A_110 = vector.shape_cast %broadcast_in_dim3A_104 : vector<16xf32> to vector<1x16xf32>
    tpu.vector_store %arg12[%swap3A_106, %swap3A_107], %swap3A_110 {strides = array<i32>} : memref<8x64xf32, #tpu.memory_space<vmem>>, vector<1x16xf32>,
    %broadcast_in_dim3A_111 = arith.constant 0.000000e+00 : f32
    %broadcast_in_dim3A_112 = vector.broadcast %broadcast_in_dim3A_111 : f32 to vector<16xf32>
    %swap3A_113 = arith.constant 3 : i32
    %swap3A_114 = arith.index_cast %swap3A_113 : i32 to index
    %swap3A_115 = arith.constant 32 : index
    %swap3A_116 = tpu.vector_load %arg12[%swap3A_114, %swap3A_115] {strides = array<i32>} : memref<8x64xf32, #tpu.memory_space<vmem>>, vector<1x16xf32>,
    %swap3A_117 = vector.shape_cast %swap3A_116 : vector<1x16xf32> to vector<16xf32>
    %swap3A_118 = vector.shape_cast %broadcast_in_dim3A_112 : vector<16xf32> to vector<1x16xf32>
    tpu.vector_store %arg12[%swap3A_114, %swap3A_115], %swap3A_118 {strides = array<i32>} : memref<8x64xf32, #tpu.memory_space<vmem>>, vector<1x16xf32>,
    %broadcast_in_dim3A_119 = arith.constant 0.000000e+00 : f32
    %broadcast_in_dim3A_120 = vector.broadcast %broadcast_in_dim3A_119 : f32 to vector<16xf32>
    %swap3A_121 = arith.constant 3 : i32
    %swap3A_122 = arith.index_cast %swap3A_121 : i32 to index
    %swap3A_123 = arith.constant 48 : index
    %swap3A_124 = tpu.vector_load %arg12[%swap3A_122, %swap3A_123] {strides = array<i32>} : memref<8x64xf32, #tpu.memory_space<vmem>>, vector<1x16xf32>,
    %swap3A_125 = vector.shape_cast %swap3A_124 : vector<1x16xf32> to vector<16xf32>
    %swap3A_126 = vector.shape_cast %broadcast_in_dim3A_120 : vector<16xf32> to vector<1x16xf32>
    tpu.vector_store %arg12[%swap3A_122, %swap3A_123], %swap3A_126 {strides = array<i32>} : memref<8x64xf32, #tpu.memory_space<vmem>>, vector<1x16xf32>,
    %broadcast_in_dim3A_127 = arith.constant 0.000000e+00 : f32
    %broadcast_in_dim3A_128 = vector.broadcast %broadcast_in_dim3A_127 : f32 to vector<16xf32>
    %swap3A_129 = arith.constant 4 : i32
    %swap3A_130 = arith.index_cast %swap3A_129 : i32 to index
    %swap3A_131 = arith.constant 0 : index
    %swap3A_132 = tpu.vector_load %arg12[%swap3A_130, %swap3A_131] {strides = array<i32>} : memref<8x64xf32, #tpu.memory_space<vmem>>, vector<1x16xf32>,
    %swap3A_133 = vector.shape_cast %swap3A_132 : vector<1x16xf32> to vector<16xf32>
    %swap3A_134 = vector.shape_cast %broadcast_in_dim3A_128 : vector<16xf32> to vector<1x16xf32>
    tpu.vector_store %arg12[%swap3A_130, %swap3A_131], %swap3A_134 {strides = array<i32>} : memref<8x64xf32, #tpu.memory_space<vmem>>, vector<1x16xf32>,
    %broadcast_in_dim3A_135 = arith.constant 0.000000e+00 : f32
    %broadcast_in_dim3A_136 = vector.broadcast %broadcast_in_dim3A_135 : f32 to vector<16xf32>
    %swap3A_137 = arith.constant 4 : i32
    %swap3A_138 = arith.index_cast %swap3A_137 : i32 to index
    %swap3A_139 = arith.constant 16 : index
    %swap3A_140 = tpu.vector_load %arg12[%swap3A_138, %swap3A_139] {strides = array<i32>} : memref<8x64xf32, #tpu.memory_space<vmem>>, vector<1x16xf32>,
    %swap3A_141 = vector.shape_cast %swap3A_140 : vector<1x16xf32> to vector<16xf32>
    %swap3A_142 = vector.shape_cast %broadcast_in_dim3A_136 : vector<16xf32> to vector<1x16xf32>
    tpu.vector_store %arg12[%swap3A_138, %swap3A_139], %swap3A_142 {strides = array<i32>} : memref<8x64xf32, #tpu.memory_space<vmem>>, vector<1x16xf32>,
    %broadcast_in_dim3A_143 = arith.constant 0.000000e+00 : f32
    %broadcast_in_dim3A_144 = vector.broadcast %broadcast_in_dim3A_143 : f32 to vector<16xf32>
    %swap3A_145 = arith.constant 4 : i32
    %swap3A_146 = arith.index_cast %swap3A_145 : i32 to index
    %swap3A_147 = arith.constant 32 : index
    %swap3A_148 = tpu.vector_load %arg12[%swap3A_146, %swap3A_147] {strides = array<i32>} : memref<8x64xf32, #tpu.memory_space<vmem>>, vector<1x16xf32>,
    %swap3A_149 = vector.shape_cast %swap3A_148 : vector<1x16xf32> to vector<16xf32>
    %swap3A_150 = vector.shape_cast %broadcast_in_dim3A_144 : vector<16xf32> to vector<1x16xf32>
    tpu.vector_store %arg12[%swap3A_146, %swap3A_147], %swap3A_150 {strides = array<i32>} : memref<8x64xf32, #tpu.memory_space<vmem>>, vector<1x16xf32>,
    %broadcast_in_dim3A_151 = arith.constant 0.000000e+00 : f32
    %broadcast_in_dim3A_152 = vector.broadcast %broadcast_in_dim3A_151 : f32 to vector<16xf32>
    %swap3A_153 = arith.constant 4 : i32
    %swap3A_154 = arith.index_cast %swap3A_153 : i32 to index
    %swap3A_155 = arith.constant 48 : index
    %swap3A_156 = tpu.vector_load %arg12[%swap3A_154, %swap3A_155] {strides = array<i32>} : memref<8x64xf32, #tpu.memory_space<vmem>>, vector<1x16xf32>,
    %swap3A_157 = vector.shape_cast %swap3A_156 : vector<1x16xf32> to vector<16xf32>
    %swap3A_158 = vector.shape_cast %broadcast_in_dim3A_152 : vector<16xf32> to vector<1x16xf32>
    tpu.vector_store %arg12[%swap3A_154, %swap3A_155], %swap3A_158 {strides = array<i32>} : memref<8x64xf32, #tpu.memory_space<vmem>>, vector<1x16xf32>,
    %broadcast_in_dim3A_159 = arith.constant 0.000000e+00 : f32
    %broadcast_in_dim3A_160 = vector.broadcast %broadcast_in_dim3A_159 : f32 to vector<16xf32>
    %swap3A_161 = arith.constant 5 : i32
    %swap3A_162 = arith.index_cast %swap3A_161 : i32 to index
    %swap3A_163 = arith.constant 0 : index
    %swap3A_164 = tpu.vector_load %arg12[%swap3A_162, %swap3A_163] {strides = array<i32>} : memref<8x64xf32, #tpu.memory_space<vmem>>, vector<1x16xf32>,
    %swap3A_165 = vector.shape_cast %swap3A_164 : vector<1x16xf32> to vector<16xf32>
    %swap3A_166 = vector.shape_cast %broadcast_in_dim3A_160 : vector<16xf32> to vector<1x16xf32>
    tpu.vector_store %arg12[%swap3A_162, %swap3A_163], %swap3A_166 {strides = array<i32>} : memref<8x64xf32, #tpu.memory_space<vmem>>, vector<1x16xf32>,
    %broadcast_in_dim3A_167 = arith.constant 0.000000e+00 : f32
    %broadcast_in_dim3A_168 = vector.broadcast %broadcast_in_dim3A_167 : f32 to vector<16xf32>
    %swap3A_169 = arith.constant 5 : i32
    %swap3A_170 = arith.index_cast %swap3A_169 : i32 to index
    %swap3A_171 = arith.constant 16 : index
    %swap3A_172 = tpu.vector_load %arg12[%swap3A_170, %swap3A_171] {strides = array<i32>} : memref<8x64xf32, #tpu.memory_space<vmem>>, vector<1x16xf32>,
    %swap3A_173 = vector.shape_cast %swap3A_172 : vector<1x16xf32> to vector<16xf32>
    %swap3A_174 = vector.shape_cast %broadcast_in_dim3A_168 : vector<16xf32> to vector<1x16xf32>
    tpu.vector_store %arg12[%swap3A_170, %swap3A_171], %swap3A_174 {strides = array<i32>} : memref<8x64xf32, #tpu.memory_space<vmem>>, vector<1x16xf32>,
    %broadcast_in_dim3A_175 = arith.constant 0.000000e+00 : f32
    %broadcast_in_dim3A_176 = vector.broadcast %broadcast_in_dim3A_175 : f32 to vector<16xf32>
    %swap3A_177 = arith.constant 5 : i32
    %swap3A_178 = arith.index_cast %swap3A_177 : i32 to index
    %swap3A_179 = arith.constant 32 : index
    %swap3A_180 = tpu.vector_load %arg12[%swap3A_178, %swap3A_179] {strides = array<i32>} : memref<8x64xf32, #tpu.memory_space<vmem>>, vector<1x16xf32>,
    %swap3A_181 = vector.shape_cast %swap3A_180 : vector<1x16xf32> to vector<16xf32>
    %swap3A_182 = vector.shape_cast %broadcast_in_dim3A_176 : vector<16xf32> to vector<1x16xf32>
    tpu.vector_store %arg12[%swap3A_178, %swap3A_179], %swap3A_182 {strides = array<i32>} : memref<8x64xf32, #tpu.memory_space<vmem>>, vector<1x16xf32>,
    %broadcast_in_dim3A_183 = arith.constant 0.000000e+00 : f32
    %broadcast_in_dim3A_184 = vector.broadcast %broadcast_in_dim3A_183 : f32 to vector<16xf32>
    %swap3A_185 = arith.constant 5 : i32
    %swap3A_186 = arith.index_cast %swap3A_185 : i32 to index
    %swap3A_187 = arith.constant 48 : index
    %swap3A_188 = tpu.vector_load %arg12[%swap3A_186, %swap3A_187] {strides = array<i32>} : memref<8x64xf32, #tpu.memory_space<vmem>>, vector<1x16xf32>,
    %swap3A_189 = vector.shape_cast %swap3A_188 : vector<1x16xf32> to vector<16xf32>
    %swap3A_190 = vector.shape_cast %broadcast_in_dim3A_184 : vector<16xf32> to vector<1x16xf32>
    tpu.vector_store %arg12[%swap3A_186, %swap3A_187], %swap3A_190 {strides = array<i32>} : memref<8x64xf32, #tpu.memory_space<vmem>>, vector<1x16xf32>,
    %broadcast_in_dim3A_191 = arith.constant 0.000000e+00 : f32
    %broadcast_in_dim3A_192 = vector.broadcast %broadcast_in_dim3A_191 : f32 to vector<16xf32>
    %swap3A_193 = arith.constant 6 : i32
    %swap3A_194 = arith.index_cast %swap3A_193 : i32 to index
    %swap3A_195 = arith.constant 0 : index
    %swap3A_196 = tpu.vector_load %arg12[%swap3A_194, %swap3A_195] {strides = array<i32>} : memref<8x64xf32, #tpu.memory_space<vmem>>, vector<1x16xf32>,
    %swap3A_197 = vector.shape_cast %swap3A_196 : vector<1x16xf32> to vector<16xf32>
    %swap3A_198 = vector.shape_cast %broadcast_in_dim3A_192 : vector<16xf32> to vector<1x16xf32>
    tpu.vector_store %arg12[%swap3A_194, %swap3A_195], %swap3A_198 {strides = array<i32>} : memref<8x64xf32, #tpu.memory_space<vmem>>, vector<1x16xf32>,
    %broadcast_in_dim3A_199 = arith.constant 0.000000e+00 : f32
    %broadcast_in_dim3A_200 = vector.broadcast %broadcast_in_dim3A_199 : f32 to vector<16xf32>
    %swap3A_201 = arith.constant 6 : i32
    %swap3A_202 = arith.index_cast %swap3A_201 : i32 to index
    %swap3A_203 = arith.constant 16 : index
    %swap3A_204 = tpu.vector_load %arg12[%swap3A_202, %swap3A_203] {strides = array<i32>} : memref<8x64xf32, #tpu.memory_space<vmem>>, vector<1x16xf32>,
    %swap3A_205 = vector.shape_cast %swap3A_204 : vector<1x16xf32> to vector<16xf32>
    %swap3A_206 = vector.shape_cast %broadcast_in_dim3A_200 : vector<16xf32> to vector<1x16xf32>
    tpu.vector_store %arg12[%swap3A_202, %swap3A_203], %swap3A_206 {strides = array<i32>} : memref<8x64xf32, #tpu.memory_space<vmem>>, vector<1x16xf32>,
    %broadcast_in_dim3A_207 = arith.constant 0.000000e+00 : f32
    %broadcast_in_dim3A_208 = vector.broadcast %broadcast_in_dim3A_207 : f32 to vector<16xf32>
    %swap3A_209 = arith.constant 6 : i32
    %swap3A_210 = arith.index_cast %swap3A_209 : i32 to index
    %swap3A_211 = arith.constant 32 : index
    %swap3A_212 = tpu.vector_load %arg12[%swap3A_210, %swap3A_211] {strides = array<i32>} : memref<8x64xf32, #tpu.memory_space<vmem>>, vector<1x16xf32>,
    %swap3A_213 = vector.shape_cast %swap3A_212 : vector<1x16xf32> to vector<16xf32>
    %swap3A_214 = vector.shape_cast %broadcast_in_dim3A_208 : vector<16xf32> to vector<1x16xf32>
    tpu.vector_store %arg12[%swap3A_210, %swap3A_211], %swap3A_214 {strides = array<i32>} : memref<8x64xf32, #tpu.memory_space<vmem>>, vector<1x16xf32>,
    %broadcast_in_dim3A_215 = arith.constant 0.000000e+00 : f32
    %broadcast_in_dim3A_216 = vector.broadcast %broadcast_in_dim3A_215 : f32 to vector<16xf32>
    %swap3A_217 = arith.constant 6 : i32
    %swap3A_218 = arith.index_cast %swap3A_217 : i32 to index
    %swap3A_219 = arith.constant 48 : index
    %swap3A_220 = tpu.vector_load %arg12[%swap3A_218, %swap3A_219] {strides = array<i32>} : memref<8x64xf32, #tpu.memory_space<vmem>>, vector<1x16xf32>,
    %swap3A_221 = vector.shape_cast %swap3A_220 : vector<1x16xf32> to vector<16xf32>
    %swap3A_222 = vector.shape_cast %broadcast_in_dim3A_216 : vector<16xf32> to vector<1x16xf32>
    tpu.vector_store %arg12[%swap3A_218, %swap3A_219], %swap3A_222 {strides = array<i32>} : memref<8x64xf32, #tpu.memory_space<vmem>>, vector<1x16xf32>,
    %broadcast_in_dim3A_223 = arith.constant 0.000000e+00 : f32
    %broadcast_in_dim3A_224 = vector.broadcast %broadcast_in_dim3A_223 : f32 to vector<16xf32>
    %swap3A_225 = arith.constant 7 : i32
    %swap3A_226 = arith.index_cast %swap3A_225 : i32 to index
    %swap3A_227 = arith.constant 0 : index
    %swap3A_228 = tpu.vector_load %arg12[%swap3A_226, %swap3A_227] {strides = array<i32>} : memref<8x64xf32, #tpu.memory_space<vmem>>, vector<1x16xf32>,
    %swap3A_229 = vector.shape_cast %swap3A_228 : vector<1x16xf32> to vector<16xf32>
    %swap3A_230 = vector.shape_cast %broadcast_in_dim3A_224 : vector<16xf32> to vector<1x16xf32>
    tpu.vector_store %arg12[%swap3A_226, %swap3A_227], %swap3A_230 {strides = array<i32>} : memref<8x64xf32, #tpu.memory_space<vmem>>, vector<1x16xf32>,
    %broadcast_in_dim3A_231 = arith.constant 0.000000e+00 : f32
    %broadcast_in_dim3A_232 = vector.broadcast %broadcast_in_dim3A_231 : f32 to vector<16xf32>
    %swap3A_233 = arith.constant 7 : i32
    %swap3A_234 = arith.index_cast %swap3A_233 : i32 to index
    %swap3A_235 = arith.constant 16 : index
    %swap3A_236 = tpu.vector_load %arg12[%swap3A_234, %swap3A_235] {strides = array<i32>} : memref<8x64xf32, #tpu.memory_space<vmem>>, vector<1x16xf32>,
    %swap3A_237 = vector.shape_cast %swap3A_236 : vector<1x16xf32> to vector<16xf32>
    %swap3A_238 = vector.shape_cast %broadcast_in_dim3A_232 : vector<16xf32> to vector<1x16xf32>
    tpu.vector_store %arg12[%swap3A_234, %swap3A_235], %swap3A_238 {strides = array<i32>} : memref<8x64xf32, #tpu.memory_space<vmem>>, vector<1x16xf32>,
    %broadcast_in_dim3A_239 = arith.constant 0.000000e+00 : f32
    %broadcast_in_dim3A_240 = vector.broadcast %broadcast_in_dim3A_239 : f32 to vector<16xf32>
    %swap3A_241 = arith.constant 7 : i32
    %swap3A_242 = arith.index_cast %swap3A_241 : i32 to index
    %swap3A_243 = arith.constant 32 : index
    %swap3A_244 = tpu.vector_load %arg12[%swap3A_242, %swap3A_243] {strides = array<i32>} : memref<8x64xf32, #tpu.memory_space<vmem>>, vector<1x16xf32>,
    %swap3A_245 = vector.shape_cast %swap3A_244 : vector<1x16xf32> to vector<16xf32>
    %swap3A_246 = vector.shape_cast %broadcast_in_dim3A_240 : vector<16xf32> to vector<1x16xf32>
    tpu.vector_store %arg12[%swap3A_242, %swap3A_243], %swap3A_246 {strides = array<i32>} : memref<8x64xf32, #tpu.memory_space<vmem>>, vector<1x16xf32>,
    %broadcast_in_dim3A_247 = arith.constant 0.000000e+00 : f32
    %broadcast_in_dim3A_248 = vector.broadcast %broadcast_in_dim3A_247 : f32 to vector<16xf32>
    %swap3A_249 = arith.constant 7 : i32
    %swap3A_250 = arith.index_cast %swap3A_249 : i32 to index
    %swap3A_251 = arith.constant 48 : index
    %swap3A_252 = tpu.vector_load %arg12[%swap3A_250, %swap3A_251] {strides = array<i32>} : memref<8x64xf32, #tpu.memory_space<vmem>>, vector<1x16xf32>,
    %swap3A_253 = vector.shape_cast %swap3A_252 : vector<1x16xf32> to vector<16xf32>
    %swap3A_254 = vector.shape_cast %broadcast_in_dim3A_248 : vector<16xf32> to vector<1x16xf32>
    tpu.vector_store %arg12[%swap3A_250, %swap3A_251], %swap3A_254 {strides = array<i32>} : memref<8x64xf32, #tpu.memory_space<vmem>>, vector<1x16xf32>,
    %lt3A = arith.constant 15 : i32
    %lt3A_255 = arith.cmpi slt, %arg1, %lt3A : i32
    %convert_element_type3A = arith.extui %lt3A_255 : i1 to i32
    %cond3A = arith.constant 0 : i32
    %cond3A_256 = arith.cmpi ne, %convert_element_type3A, %cond3A : i32
    scf.if %cond3A_256 {
      %scan3A_314 = arith.constant 0 : i32
      %scan3A_315 = arith.constant 0 : i32
      %scan3A_316 = arith.constant 79 : i32
      %scan3A_317 = arith.addi %scan3A_315, %scan3A_316 : i32
      %scan3A_318 = arith.constant 1 : i32
      scf.for %scan3A_320 = %scan3A_315 to %scan3A_317 step %scan3A_318  : i32 {
        %mul3A_321 = arith.constant 632 : i32
        %mul3A_322 = arith.muli %arg1, %mul3A_321 : i32
        %mul3A_323 = arith.constant 8 : i32
        %mul3A_324 = arith.muli %mul3A_323, %scan3A_320 : i32
        %add3A_325 = arith.addi %mul3A_322, %mul3A_324 : i32
        "tpu.region"() ({
          %run_scoped3A = tpu.sem_alloc : memref<!tpu.dma_semaphore, #tpu.memory_space<semaphore_mem>>
          %dma_start3A_326 = arith.constant 0 : i32
          %dma_start3A_327 = tpu.memref_slice %arg18[%add3A_325, %dma_start3A_326] : memref<10000x64xf32, #tpu.memory_space<vmem_shared>> -> memref<8x64xf32, #tpu.memory_space<vmem_shared>>
          %dma_start3A_328 = arith.constant 0 : i32
          %dma_start3A_329 = tpu.memref_slice %arg18[%add3A_325, %dma_start3A_328] : memref<10000x64xf32, #tpu.memory_space<vmem_shared>> -> memref<8x64xf32, #tpu.memory_space<vmem_shared>>
          tpu.enqueue_dma source(%arg12 : memref<8x64xf32, #tpu.memory_space<vmem>>) target(%dma_start3A_329 : memref<8x64xf32, #tpu.memory_space<vmem_shared>>) target_semaphore(%run_scoped3A : memref<!tpu.dma_semaphore, #tpu.memory_space<semaphore_mem>>)
          %dma_wait3A = arith.constant 0 : i32
          %dma_wait3A_330 = tpu.memref_slice %arg18[%add3A_325, %dma_wait3A] : memref<10000x64xf32, #tpu.memory_space<vmem_shared>> -> memref<8x64xf32, #tpu.memory_space<vmem_shared>>
          %dma_wait3A_331 = arith.constant 0 : i32
          %dma_wait3A_332 = tpu.memref_slice %arg18[%add3A_325, %dma_wait3A_331] : memref<10000x64xf32, #tpu.memory_space<vmem_shared>> -> memref<8x64xf32, #tpu.memory_space<vmem_shared>>
          tpu.wait_dma2 semaphore(%run_scoped3A : memref<!tpu.dma_semaphore, #tpu.memory_space<semaphore_mem>>) src(%arg12 : memref<8x64xf32, #tpu.memory_space<vmem>>) dst(%dma_wait3A_332 : memref<8x64xf32, #tpu.memory_space<vmem_shared>>)
          tpu.yield
        }) : () -> ()
      }
      %scan3A_319 = arith.constant 79 : i32
    } else {
    }
    %eq3A = arith.constant 15 : i32
    %eq3A_257 = arith.cmpi eq, %arg1, %eq3A : i32
    %convert_element_type3A_258 = arith.extui %eq3A_257 : i1 to i32
    %cond3A_259 = arith.constant 0 : i32
    %cond3A_260 = arith.cmpi ne, %convert_element_type3A_258, %cond3A_259 : i32
    scf.if %cond3A_260 {
      %scan3A_314 = arith.constant 0 : i32
      %scan3A_315 = arith.constant 0 : i32
      %scan3A_316 = arith.constant 65 : i32
      %scan3A_317 = arith.addi %scan3A_315, %scan3A_316 : i32
      %scan3A_318 = arith.constant 1 : i32
      scf.for %scan3A_320 = %scan3A_315 to %scan3A_317 step %scan3A_318  : i32 {
        %mul3A_321 = arith.constant 632 : i32
        %mul3A_322 = arith.muli %arg1, %mul3A_321 : i32
        %mul3A_323 = arith.constant 8 : i32
        %mul3A_324 = arith.muli %mul3A_323, %scan3A_320 : i32
        %add3A_325 = arith.addi %mul3A_322, %mul3A_324 : i32
        "tpu.region"() ({
          %run_scoped3A = tpu.sem_alloc : memref<!tpu.dma_semaphore, #tpu.memory_space<semaphore_mem>>
          %dma_start3A_326 = arith.constant 0 : i32
          %dma_start3A_327 = tpu.memref_slice %arg18[%add3A_325, %dma_start3A_326] : memref<10000x64xf32, #tpu.memory_space<vmem_shared>> -> memref<8x64xf32, #tpu.memory_space<vmem_shared>>
          %dma_start3A_328 = arith.constant 0 : i32
          %dma_start3A_329 = tpu.memref_slice %arg18[%add3A_325, %dma_start3A_328] : memref<10000x64xf32, #tpu.memory_space<vmem_shared>> -> memref<8x64xf32, #tpu.memory_space<vmem_shared>>
          tpu.enqueue_dma source(%arg12 : memref<8x64xf32, #tpu.memory_space<vmem>>) target(%dma_start3A_329 : memref<8x64xf32, #tpu.memory_space<vmem_shared>>) target_semaphore(%run_scoped3A : memref<!tpu.dma_semaphore, #tpu.memory_space<semaphore_mem>>)
          %dma_wait3A = arith.constant 0 : i32
          %dma_wait3A_330 = tpu.memref_slice %arg18[%add3A_325, %dma_wait3A] : memref<10000x64xf32, #tpu.memory_space<vmem_shared>> -> memref<8x64xf32, #tpu.memory_space<vmem_shared>>
          %dma_wait3A_331 = arith.constant 0 : i32
          %dma_wait3A_332 = tpu.memref_slice %arg18[%add3A_325, %dma_wait3A_331] : memref<10000x64xf32, #tpu.memory_space<vmem_shared>> -> memref<8x64xf32, #tpu.memory_space<vmem_shared>>
          tpu.wait_dma2 semaphore(%run_scoped3A : memref<!tpu.dma_semaphore, #tpu.memory_space<semaphore_mem>>) src(%arg12 : memref<8x64xf32, #tpu.memory_space<vmem>>) dst(%dma_wait3A_332 : memref<8x64xf32, #tpu.memory_space<vmem_shared>>)
          tpu.yield
        }) : () -> ()
      }
      %scan3A_319 = arith.constant 65 : i32
    } else {
    }
    %lt3A_261 = arith.constant 15 : i32
    %lt3A_262 = arith.cmpi slt, %arg1, %lt3A_261 : i32
    %convert_element_type3A_263 = arith.extui %lt3A_262 : i1 to i32
    %cond3A_264 = arith.constant 0 : i32
    %cond3A_265 = arith.cmpi ne, %convert_element_type3A_263, %cond3A_264 : i32
    scf.if %cond3A_265 {
      %mul3A_314 = arith.constant 632 : i32
      %mul3A_315 = arith.muli %arg1, %mul3A_314 : i32
      %mul3A_316 = arith.constant 632 : i32
      %mul3A_317 = arith.muli %arg1, %mul3A_316 : i32
      "tpu.region"() ({
        %run_scoped3A = tpu.sem_alloc : memref<!tpu.dma_semaphore, #tpu.memory_space<semaphore_mem>>
        %dma_start3A_318 = arith.constant 0 : i32
        %dma_start3A_319 = tpu.memref_slice %arg17[%mul3A_317, %dma_start3A_318] : memref<10112x64xf32, #tpu.memory_space<vmem_shared>> -> memref<632x64xf32, #tpu.memory_space<vmem_shared>>
        %dma_start3A_320 = arith.constant 0 : i32
        %dma_start3A_321 = tpu.memref_slice %arg2[%mul3A_315, %dma_start3A_320] : memref<10000x64xf32, #tpu.memory_space<hbm>> -> memref<632x64xf32, #tpu.memory_space<hbm>>
        tpu.enqueue_dma source(%dma_start3A_321 : memref<632x64xf32, #tpu.memory_space<hbm>>) target(%dma_start3A_319 : memref<632x64xf32, #tpu.memory_space<vmem_shared>>) target_semaphore(%run_scoped3A : memref<!tpu.dma_semaphore, #tpu.memory_space<semaphore_mem>>)
        %dma_wait3A = arith.constant 0 : i32
        %dma_wait3A_322 = tpu.memref_slice %arg17[%mul3A_317, %dma_wait3A] : memref<10112x64xf32, #tpu.memory_space<vmem_shared>> -> memref<632x64xf32, #tpu.memory_space<vmem_shared>>
        %dma_wait3A_323 = arith.constant 0 : i32
        %dma_wait3A_324 = tpu.memref_slice %arg2[%mul3A_315, %dma_wait3A_323] : memref<10000x64xf32, #tpu.memory_space<hbm>> -> memref<632x64xf32, #tpu.memory_space<hbm>>
        tpu.wait_dma2 semaphore(%run_scoped3A : memref<!tpu.dma_semaphore, #tpu.memory_space<semaphore_mem>>) src(%dma_wait3A_324 : memref<632x64xf32, #tpu.memory_space<hbm>>) dst(%dma_wait3A_322 : memref<632x64xf32, #tpu.memory_space<vmem_shared>>)
        tpu.yield
      }) : () -> ()
    } else {
    }
    %eq3A_266 = arith.constant 15 : i32
    %eq3A_267 = arith.cmpi eq, %arg1, %eq3A_266 : i32
    %convert_element_type3A_268 = arith.extui %eq3A_267 : i1 to i32
    %cond3A_269 = arith.constant 0 : i32
    %cond3A_270 = arith.cmpi ne, %convert_element_type3A_268, %cond3A_269 : i32
    scf.if %cond3A_270 {
      "tpu.region"() ({
        %run_scoped3A = tpu.sem_alloc : memref<!tpu.dma_semaphore, #tpu.memory_space<semaphore_mem>>
        %dma_start3A_314 = arith.constant 9480 : i32
        %dma_start3A_315 = arith.constant 0 : i32
        %dma_start3A_316 = tpu.memref_slice %arg17[%dma_start3A_314, %dma_start3A_315] : memref<10112x64xf32, #tpu.memory_space<vmem_shared>> -> memref<520x64xf32, #tpu.memory_space<vmem_shared>>
        %dma_start3A_317 = arith.constant 9480 : i32
        %dma_start3A_318 = arith.constant 0 : i32
        %dma_start3A_319 = tpu.memref_slice %arg2[%dma_start3A_317, %dma_start3A_318] : memref<10000x64xf32, #tpu.memory_space<hbm>> -> memref<520x64xf32, #tpu.memory_space<hbm>>
        tpu.enqueue_dma source(%dma_start3A_319 : memref<520x64xf32, #tpu.memory_space<hbm>>) target(%dma_start3A_316 : memref<520x64xf32, #tpu.memory_space<vmem_shared>>) target_semaphore(%run_scoped3A : memref<!tpu.dma_semaphore, #tpu.memory_space<semaphore_mem>>)
        %dma_wait3A = arith.constant 9480 : i32
        %dma_wait3A_320 = arith.constant 0 : i32
        %dma_wait3A_321 = tpu.memref_slice %arg17[%dma_wait3A, %dma_wait3A_320] : memref<10112x64xf32, #tpu.memory_space<vmem_shared>> -> memref<520x64xf32, #tpu.memory_space<vmem_shared>>
        %dma_wait3A_322 = arith.constant 9480 : i32
        %dma_wait3A_323 = arith.constant 0 : i32
        %dma_wait3A_324 = tpu.memref_slice %arg2[%dma_wait3A_322, %dma_wait3A_323] : memref<10000x64xf32, #tpu.memory_space<hbm>> -> memref<520x64xf32, #tpu.memory_space<hbm>>
        tpu.wait_dma2 semaphore(%run_scoped3A : memref<!tpu.dma_semaphore, #tpu.memory_space<semaphore_mem>>) src(%dma_wait3A_324 : memref<520x64xf32, #tpu.memory_space<hbm>>) dst(%dma_wait3A_321 : memref<520x64xf32, #tpu.memory_space<vmem_shared>>)
        tpu.yield
      }) : () -> ()
    } else {
    }
    "tpu.region"() ({
      %run_scoped3A = tpu.sem_alloc : memref<!tpu.dma_semaphore, #tpu.memory_space<semaphore_mem>>
      %dma_start3A_314 = arith.constant 0 : i32
      %dma_start3A_315 = arith.constant 0 : i32
      %dma_start3A_316 = tpu.memref_slice %arg3[%add3A, %dma_start3A_314, %dma_start3A_315] : memref<32x100x100xi32, #tpu.memory_space<hbm>> -> memref<1x100x100xi32, #tpu.memory_space<hbm>>
      %dma_start3A_317 = tpu.memref_squeeze %dma_start3A_316 : memref<1x100x100xi32, #tpu.memory_space<hbm>> -> memref<100x100xi32, #tpu.memory_space<hbm>>
      %dma_start3A_318 = arith.constant 0 : i32
      %dma_start3A_319 = arith.constant 0 : i32
      %dma_start3A_320 = tpu.memref_slice %arg3[%add3A, %dma_start3A_318, %dma_start3A_319] : memref<32x100x100xi32, #tpu.memory_space<hbm>> -> memref<1x100x100xi32, #tpu.memory_space<hbm>>
      %dma_start3A_321 = tpu.memref_squeeze %dma_start3A_320 : memref<1x100x100xi32, #tpu.memory_space<hbm>> -> memref<100x100xi32, #tpu.memory_space<hbm>>
      tpu.enqueue_dma source(%dma_start3A_321 : memref<100x100xi32, #tpu.memory_space<hbm>>) target(%arg6 : memref<100x100xi32, #tpu.memory_space<vmem>>) target_semaphore(%run_scoped3A : memref<!tpu.dma_semaphore, #tpu.memory_space<semaphore_mem>>)
      %dma_wait3A = arith.constant 0 : i32
      %dma_wait3A_322 = arith.constant 0 : i32
      %dma_wait3A_323 = tpu.memref_slice %arg3[%add3A, %dma_wait3A, %dma_wait3A_322] : memref<32x100x100xi32, #tpu.memory_space<hbm>> -> memref<1x100x100xi32, #tpu.memory_space<hbm>>
      %dma_wait3A_324 = tpu.memref_squeeze %dma_wait3A_323 : memref<1x100x100xi32, #tpu.memory_space<hbm>> -> memref<100x100xi32, #tpu.memory_space<hbm>>
      %dma_wait3A_325 = arith.constant 0 : i32
      %dma_wait3A_326 = arith.constant 0 : i32
      %dma_wait3A_327 = tpu.memref_slice %arg3[%add3A, %dma_wait3A_325, %dma_wait3A_326] : memref<32x100x100xi32, #tpu.memory_space<hbm>> -> memref<1x100x100xi32, #tpu.memory_space<hbm>>
      %dma_wait3A_328 = tpu.memref_squeeze %dma_wait3A_327 : memref<1x100x100xi32, #tpu.memory_space<hbm>> -> memref<100x100xi32, #tpu.memory_space<hbm>>
      tpu.wait_dma2 semaphore(%run_scoped3A : memref<!tpu.dma_semaphore, #tpu.memory_space<semaphore_mem>>) src(%dma_wait3A_328 : memref<100x100xi32, #tpu.memory_space<hbm>>) dst(%arg6 : memref<100x100xi32, #tpu.memory_space<vmem>>)
      tpu.yield
    }) : () -> ()
    "tpu.region"() ({
      %run_scoped3A = tpu.sem_alloc : memref<!tpu.dma_semaphore, #tpu.memory_space<semaphore_mem>>
      %dma_start3A_314 = arith.constant 0 : i32
      %dma_start3A_315 = arith.constant 0 : i32
      %dma_start3A_316 = tpu.memref_slice %arg4[%add3A, %dma_start3A_314, %dma_start3A_315] : memref<32x100x100xi32, #tpu.memory_space<hbm>> -> memref<1x100x100xi32, #tpu.memory_space<hbm>>
      %dma_start3A_317 = tpu.memref_squeeze %dma_start3A_316 : memref<1x100x100xi32, #tpu.memory_space<hbm>> -> memref<100x100xi32, #tpu.memory_space<hbm>>
      %dma_start3A_318 = arith.constant 0 : i32
      %dma_start3A_319 = arith.constant 0 : i32
      %dma_start3A_320 = tpu.memref_slice %arg4[%add3A, %dma_start3A_318, %dma_start3A_319] : memref<32x100x100xi32, #tpu.memory_space<hbm>> -> memref<1x100x100xi32, #tpu.memory_space<hbm>>
      %dma_start3A_321 = tpu.memref_squeeze %dma_start3A_320 : memref<1x100x100xi32, #tpu.memory_space<hbm>> -> memref<100x100xi32, #tpu.memory_space<hbm>>
      tpu.enqueue_dma source(%dma_start3A_321 : memref<100x100xi32, #tpu.memory_space<hbm>>) target(%arg7 : memref<100x100xi32, #tpu.memory_space<vmem>>) target_semaphore(%run_scoped3A : memref<!tpu.dma_semaphore, #tpu.memory_space<semaphore_mem>>)
      %dma_wait3A = arith.constant 0 : i32
      %dma_wait3A_322 = arith.constant 0 : i32
      %dma_wait3A_323 = tpu.memref_slice %arg4[%add3A, %dma_wait3A, %dma_wait3A_322] : memref<32x100x100xi32, #tpu.memory_space<hbm>> -> memref<1x100x100xi32, #tpu.memory_space<hbm>>
      %dma_wait3A_324 = tpu.memref_squeeze %dma_wait3A_323 : memref<1x100x100xi32, #tpu.memory_space<hbm>> -> memref<100x100xi32, #tpu.memory_space<hbm>>
      %dma_wait3A_325 = arith.constant 0 : i32
      %dma_wait3A_326 = arith.constant 0 : i32
      %dma_wait3A_327 = tpu.memref_slice %arg4[%add3A, %dma_wait3A_325, %dma_wait3A_326] : memref<32x100x100xi32, #tpu.memory_space<hbm>> -> memref<1x100x100xi32, #tpu.memory_space<hbm>>
      %dma_wait3A_328 = tpu.memref_squeeze %dma_wait3A_327 : memref<1x100x100xi32, #tpu.memory_space<hbm>> -> memref<100x100xi32, #tpu.memory_space<hbm>>
      tpu.wait_dma2 semaphore(%run_scoped3A : memref<!tpu.dma_semaphore, #tpu.memory_space<semaphore_mem>>) src(%dma_wait3A_328 : memref<100x100xi32, #tpu.memory_space<hbm>>) dst(%arg7 : memref<100x100xi32, #tpu.memory_space<vmem>>)
      tpu.yield
    }) : () -> ()
    %barrier3A = arith.constant 0 : index
    tpu.barrier barrier_id(%barrier3A)
    %dma_start3A = arith.constant 0 : i32
    %dma_start3A_271 = arith.constant 0 : i32
    %dma_start3A_272 = tpu.memref_slice %arg6[%dma_start3A, %dma_start3A_271] : memref<100x100xi32, #tpu.memory_space<vmem>> -> memref<1x100xi32, #tpu.memory_space<vmem>>
    %dma_start3A_273 = tpu.memref_squeeze %dma_start3A_272 : memref<1x100xi32, #tpu.memory_space<vmem>> -> memref<100xi32, #tpu.memory_space<vmem>>
    %dma_start3A_274 = arith.constant 0 : i32
    %dma_start3A_275 = arith.constant 0 : i32
    %dma_start3A_276 = tpu.memref_slice %arg17[%dma_start3A_274, %dma_start3A_275] : memref<10112x64xf32, #tpu.memory_space<vmem_shared>> -> memref<10112x64xf32, #tpu.memory_space<vmem_shared>>
    tpu.enqueue_indirect_dma source(%dma_start3A_276 : memref<10112x64xf32, #tpu.memory_space<vmem_shared>>) target(%arg8 : memref<100x64xf32, #tpu.memory_space<vmem>>) offsets(%dma_start3A_273 : memref<100xi32, #tpu.memory_space<vmem>>) semaphore(%arg13 : memref<!tpu.dma_semaphore, #tpu.memory_space<semaphore_mem>>)
    %dma_start3A_277 = arith.constant 1 : i32
    %dma_start3A_278 = arith.constant 0 : i32
    %dma_start3A_279 = tpu.memref_slice %arg6[%dma_start3A_277, %dma_start3A_278] : memref<100x100xi32, #tpu.memory_space<vmem>> -> memref<1x100xi32, #tpu.memory_space<vmem>>
    %dma_start3A_280 = tpu.memref_squeeze %dma_start3A_279 : memref<1x100xi32, #tpu.memory_space<vmem>> -> memref<100xi32, #tpu.memory_space<vmem>>
    %dma_start3A_281 = arith.constant 0 : i32
    %dma_start3A_282 = arith.constant 0 : i32
    %dma_start3A_283 = tpu.memref_slice %arg17[%dma_start3A_281, %dma_start3A_282] : memref<10112x64xf32, #tpu.memory_space<vmem_shared>> -> memref<10112x64xf32, #tpu.memory_space<vmem_shared>>
    tpu.enqueue_indirect_dma source(%dma_start3A_283 : memref<10112x64xf32, #tpu.memory_space<vmem_shared>>) target(%arg9 : memref<100x64xf32, #tpu.memory_space<vmem>>) offsets(%dma_start3A_280 : memref<100xi32, #tpu.memory_space<vmem>>) semaphore(%arg14 : memref<!tpu.dma_semaphore, #tpu.memory_space<semaphore_mem>>)
    %dma_start3A_284 = arith.constant 2 : i32
    %dma_start3A_285 = arith.constant 0 : i32
    %dma_start3A_286 = tpu.memref_slice %arg6[%dma_start3A_284, %dma_start3A_285] : memref<100x100xi32, #tpu.memory_space<vmem>> -> memref<1x100xi32, #tpu.memory_space<vmem>>
    %dma_start3A_287 = tpu.memref_squeeze %dma_start3A_286 : memref<1x100xi32, #tpu.memory_space<vmem>> -> memref<100xi32, #tpu.memory_space<vmem>>
    %dma_start3A_288 = arith.constant 0 : i32
    %dma_start3A_289 = arith.constant 0 : i32
    %dma_start3A_290 = tpu.memref_slice %arg17[%dma_start3A_288, %dma_start3A_289] : memref<10112x64xf32, #tpu.memory_space<vmem_shared>> -> memref<10112x64xf32, #tpu.memory_space<vmem_shared>>
    tpu.enqueue_indirect_dma source(%dma_start3A_290 : memref<10112x64xf32, #tpu.memory_space<vmem_shared>>) target(%arg10 : memref<100x64xf32, #tpu.memory_space<vmem>>) offsets(%dma_start3A_287 : memref<100xi32, #tpu.memory_space<vmem>>) semaphore(%arg15 : memref<!tpu.dma_semaphore, #tpu.memory_space<semaphore_mem>>)
    %dma_start3A_291 = arith.constant 3 : i32
    %dma_start3A_292 = arith.constant 0 : i32
    %dma_start3A_293 = tpu.memref_slice %arg6[%dma_start3A_291, %dma_start3A_292] : memref<100x100xi32, #tpu.memory_space<vmem>> -> memref<1x100xi32, #tpu.memory_space<vmem>>
    %dma_start3A_294 = tpu.memref_squeeze %dma_start3A_293 : memref<1x100xi32, #tpu.memory_space<vmem>> -> memref<100xi32, #tpu.memory_space<vmem>>
    %dma_start3A_295 = arith.constant 0 : i32
    %dma_start3A_296 = arith.constant 0 : i32
    %dma_start3A_297 = tpu.memref_slice %arg17[%dma_start3A_295, %dma_start3A_296] : memref<10112x64xf32, #tpu.memory_space<vmem_shared>> -> memref<10112x64xf32, #tpu.memory_space<vmem_shared>>
    tpu.enqueue_indirect_dma source(%dma_start3A_297 : memref<10112x64xf32, #tpu.memory_space<vmem_shared>>) target(%arg11 : memref<100x64xf32, #tpu.memory_space<vmem>>) offsets(%dma_start3A_294 : memref<100xi32, #tpu.memory_space<vmem>>) semaphore(%arg16 : memref<!tpu.dma_semaphore, #tpu.memory_space<semaphore_mem>>)
    %scan3A = arith.constant 0 : i32
    %scan3A_298 = arith.constant 0 : i32
    %scan3A_299 = arith.constant 25 : i32
    %scan3A_300 = arith.addi %scan3A_298, %scan3A_299 : i32
    %scan3A_301 = arith.constant 1 : i32
    scf.for %scan3A_314 = %scan3A_298 to %scan3A_300 step %scan3A_301  : i32 {
      %mul3A_315 = arith.constant 4 : i32
      %mul3A_316 = arith.muli %mul3A_315, %scan3A_314 : i32
      %add3A_317 = arith.constant 0 : i32
      %add3A_318 = arith.addi %mul3A_316, %add3A_317 : i32
      %dma_wait3A = arith.constant 0 : i32
      %dma_wait3A_319 = tpu.memref_slice %arg6[%add3A_318, %dma_wait3A] : memref<100x100xi32, #tpu.memory_space<vmem>> -> memref<1x100xi32, #tpu.memory_space<vmem>>
      %dma_wait3A_320 = tpu.memref_squeeze %dma_wait3A_319 : memref<1x100xi32, #tpu.memory_space<vmem>> -> memref<100xi32, #tpu.memory_space<vmem>>
      %dma_wait3A_321 = arith.constant 0 : i32
      %dma_wait3A_322 = arith.constant 0 : i32
      %dma_wait3A_323 = tpu.memref_slice %arg17[%dma_wait3A_321, %dma_wait3A_322] : memref<10112x64xf32, #tpu.memory_space<vmem_shared>> -> memref<10112x64xf32, #tpu.memory_space<vmem_shared>>
      tpu.wait_indirect_dma semaphore(%arg13 : memref<!tpu.dma_semaphore, #tpu.memory_space<semaphore_mem>>) src(%dma_wait3A_323 : memref<10112x64xf32, #tpu.memory_space<vmem_shared>>) dst(%arg8 : memref<100x64xf32, #tpu.memory_space<vmem>>)
      "tpu.region"() ({
        %run_scoped3A = tpu.sem_alloc : memref<!tpu.dma_semaphore, #tpu.memory_space<semaphore_mem>>
        %dma_start3A_374 = arith.constant 0 : i32
        %dma_start3A_375 = tpu.memref_slice %arg7[%add3A_318, %dma_start3A_374] : memref<100x100xi32, #tpu.memory_space<vmem>> -> memref<1x100xi32, #tpu.memory_space<vmem>>
        %dma_start3A_376 = tpu.memref_squeeze %dma_start3A_375 : memref<1x100xi32, #tpu.memory_space<vmem>> -> memref<100xi32, #tpu.memory_space<vmem>>
        %dma_start3A_377 = arith.constant 0 : i32
        %dma_start3A_378 = arith.constant 0 : i32
        %dma_start3A_379 = tpu.memref_slice %arg18[%dma_start3A_377, %dma_start3A_378] : memref<10000x64xf32, #tpu.memory_space<vmem_shared>> -> memref<10000x64xf32, #tpu.memory_space<vmem_shared>>
        tpu.enqueue_indirect_dma source(%arg8 : memref<100x64xf32, #tpu.memory_space<vmem>>) target(%dma_start3A_379 : memref<10000x64xf32, #tpu.memory_space<vmem_shared>>) offsets(%dma_start3A_376 : memref<100xi32, #tpu.memory_space<vmem>>) semaphore(%run_scoped3A : memref<!tpu.dma_semaphore, #tpu.memory_space<semaphore_mem>>) {add = true}
        %dma_wait3A_380 = arith.constant 0 : i32
        %dma_wait3A_381 = tpu.memref_slice %arg7[%add3A_318, %dma_wait3A_380] : memref<100x100xi32, #tpu.memory_space<vmem>> -> memref<1x100xi32, #tpu.memory_space<vmem>>
        %dma_wait3A_382 = tpu.memref_squeeze %dma_wait3A_381 : memref<1x100xi32, #tpu.memory_space<vmem>> -> memref<100xi32, #tpu.memory_space<vmem>>
        %dma_wait3A_383 = arith.constant 0 : i32
        %dma_wait3A_384 = arith.constant 0 : i32
        %dma_wait3A_385 = tpu.memref_slice %arg18[%dma_wait3A_383, %dma_wait3A_384] : memref<10000x64xf32, #tpu.memory_space<vmem_shared>> -> memref<10000x64xf32, #tpu.memory_space<vmem_shared>>
        tpu.wait_indirect_dma semaphore(%run_scoped3A : memref<!tpu.dma_semaphore, #tpu.memory_space<semaphore_mem>>) src(%arg8 : memref<100x64xf32, #tpu.memory_space<vmem>>) dst(%dma_wait3A_385 : memref<10000x64xf32, #tpu.memory_space<vmem_shared>>)
        tpu.yield
      }) : () -> ()
      %lt3A_324 = arith.constant 24 : i32
      %lt3A_325 = arith.cmpi slt, %scan3A_314, %lt3A_324 : i32
      %convert_element_type3A_326 = arith.extui %lt3A_325 : i1 to i32
      %cond3A_327 = arith.constant 0 : i32
      %cond3A_328 = arith.cmpi ne, %convert_element_type3A_326, %cond3A_327 : i32
      scf.if %cond3A_328 {
        %add3A_374 = arith.constant 4 : i32
        %add3A_375 = arith.addi %add3A_318, %add3A_374 : i32
        %dma_start3A_376 = arith.constant 0 : i32
        %dma_start3A_377 = tpu.memref_slice %arg6[%add3A_375, %dma_start3A_376] : memref<100x100xi32, #tpu.memory_space<vmem>> -> memref<1x100xi32, #tpu.memory_space<vmem>>
        %dma_start3A_378 = tpu.memref_squeeze %dma_start3A_377 : memref<1x100xi32, #tpu.memory_space<vmem>> -> memref<100xi32, #tpu.memory_space<vmem>>
        %dma_start3A_379 = arith.constant 0 : i32
        %dma_start3A_380 = arith.constant 0 : i32
        %dma_start3A_381 = tpu.memref_slice %arg17[%dma_start3A_379, %dma_start3A_380] : memref<10112x64xf32, #tpu.memory_space<vmem_shared>> -> memref<10112x64xf32, #tpu.memory_space<vmem_shared>>
        tpu.enqueue_indirect_dma source(%dma_start3A_381 : memref<10112x64xf32, #tpu.memory_space<vmem_shared>>) target(%arg8 : memref<100x64xf32, #tpu.memory_space<vmem>>) offsets(%dma_start3A_378 : memref<100xi32, #tpu.memory_space<vmem>>) semaphore(%arg13 : memref<!tpu.dma_semaphore, #tpu.memory_space<semaphore_mem>>)
      } else {
      }
      %mul3A_329 = arith.constant 4 : i32
      %mul3A_330 = arith.muli %mul3A_329, %scan3A_314 : i32
      %add3A_331 = arith.constant 1 : i32
      %add3A_332 = arith.addi %mul3A_330, %add3A_331 : i32
      %dma_wait3A_333 = arith.constant 0 : i32
      %dma_wait3A_334 = tpu.memref_slice %arg6[%add3A_332, %dma_wait3A_333] : memref<100x100xi32, #tpu.memory_space<vmem>> -> memref<1x100xi32, #tpu.memory_space<vmem>>
      %dma_wait3A_335 = tpu.memref_squeeze %dma_wait3A_334 : memref<1x100xi32, #tpu.memory_space<vmem>> -> memref<100xi32, #tpu.memory_space<vmem>>
      %dma_wait3A_336 = arith.constant 0 : i32
      %dma_wait3A_337 = arith.constant 0 : i32
      %dma_wait3A_338 = tpu.memref_slice %arg17[%dma_wait3A_336, %dma_wait3A_337] : memref<10112x64xf32, #tpu.memory_space<vmem_shared>> -> memref<10112x64xf32, #tpu.memory_space<vmem_shared>>
      tpu.wait_indirect_dma semaphore(%arg14 : memref<!tpu.dma_semaphore, #tpu.memory_space<semaphore_mem>>) src(%dma_wait3A_338 : memref<10112x64xf32, #tpu.memory_space<vmem_shared>>) dst(%arg9 : memref<100x64xf32, #tpu.memory_space<vmem>>)
      "tpu.region"() ({
        %run_scoped3A = tpu.sem_alloc : memref<!tpu.dma_semaphore, #tpu.memory_space<semaphore_mem>>
        %dma_start3A_374 = arith.constant 0 : i32
        %dma_start3A_375 = tpu.memref_slice %arg7[%add3A_332, %dma_start3A_374] : memref<100x100xi32, #tpu.memory_space<vmem>> -> memref<1x100xi32, #tpu.memory_space<vmem>>
        %dma_start3A_376 = tpu.memref_squeeze %dma_start3A_375 : memref<1x100xi32, #tpu.memory_space<vmem>> -> memref<100xi32, #tpu.memory_space<vmem>>
        %dma_start3A_377 = arith.constant 0 : i32
        %dma_start3A_378 = arith.constant 0 : i32
        %dma_start3A_379 = tpu.memref_slice %arg18[%dma_start3A_377, %dma_start3A_378] : memref<10000x64xf32, #tpu.memory_space<vmem_shared>> -> memref<10000x64xf32, #tpu.memory_space<vmem_shared>>
        tpu.enqueue_indirect_dma source(%arg9 : memref<100x64xf32, #tpu.memory_space<vmem>>) target(%dma_start3A_379 : memref<10000x64xf32, #tpu.memory_space<vmem_shared>>) offsets(%dma_start3A_376 : memref<100xi32, #tpu.memory_space<vmem>>) semaphore(%run_scoped3A : memref<!tpu.dma_semaphore, #tpu.memory_space<semaphore_mem>>) {add = true}
        %dma_wait3A_380 = arith.constant 0 : i32
        %dma_wait3A_381 = tpu.memref_slice %arg7[%add3A_332, %dma_wait3A_380] : memref<100x100xi32, #tpu.memory_space<vmem>> -> memref<1x100xi32, #tpu.memory_space<vmem>>
        %dma_wait3A_382 = tpu.memref_squeeze %dma_wait3A_381 : memref<1x100xi32, #tpu.memory_space<vmem>> -> memref<100xi32, #tpu.memory_space<vmem>>
        %dma_wait3A_383 = arith.constant 0 : i32
        %dma_wait3A_384 = arith.constant 0 : i32
        %dma_wait3A_385 = tpu.memref_slice %arg18[%dma_wait3A_383, %dma_wait3A_384] : memref<10000x64xf32, #tpu.memory_space<vmem_shared>> -> memref<10000x64xf32, #tpu.memory_space<vmem_shared>>
        tpu.wait_indirect_dma semaphore(%run_scoped3A : memref<!tpu.dma_semaphore, #tpu.memory_space<semaphore_mem>>) src(%arg9 : memref<100x64xf32, #tpu.memory_space<vmem>>) dst(%dma_wait3A_385 : memref<10000x64xf32, #tpu.memory_space<vmem_shared>>)
        tpu.yield
      }) : () -> ()
      %lt3A_339 = arith.constant 24 : i32
      %lt3A_340 = arith.cmpi slt, %scan3A_314, %lt3A_339 : i32
      %convert_element_type3A_341 = arith.extui %lt3A_340 : i1 to i32
      %cond3A_342 = arith.constant 0 : i32
      %cond3A_343 = arith.cmpi ne, %convert_element_type3A_341, %cond3A_342 : i32
      scf.if %cond3A_343 {
        %add3A_374 = arith.constant 4 : i32
        %add3A_375 = arith.addi %add3A_332, %add3A_374 : i32
        %dma_start3A_376 = arith.constant 0 : i32
        %dma_start3A_377 = tpu.memref_slice %arg6[%add3A_375, %dma_start3A_376] : memref<100x100xi32, #tpu.memory_space<vmem>> -> memref<1x100xi32, #tpu.memory_space<vmem>>
        %dma_start3A_378 = tpu.memref_squeeze %dma_start3A_377 : memref<1x100xi32, #tpu.memory_space<vmem>> -> memref<100xi32, #tpu.memory_space<vmem>>
        %dma_start3A_379 = arith.constant 0 : i32
        %dma_start3A_380 = arith.constant 0 : i32
        %dma_start3A_381 = tpu.memref_slice %arg17[%dma_start3A_379, %dma_start3A_380] : memref<10112x64xf32, #tpu.memory_space<vmem_shared>> -> memref<10112x64xf32, #tpu.memory_space<vmem_shared>>
        tpu.enqueue_indirect_dma source(%dma_start3A_381 : memref<10112x64xf32, #tpu.memory_space<vmem_shared>>) target(%arg9 : memref<100x64xf32, #tpu.memory_space<vmem>>) offsets(%dma_start3A_378 : memref<100xi32, #tpu.memory_space<vmem>>) semaphore(%arg14 : memref<!tpu.dma_semaphore, #tpu.memory_space<semaphore_mem>>)
      } else {
      }
      %mul3A_344 = arith.constant 4 : i32
      %mul3A_345 = arith.muli %mul3A_344, %scan3A_314 : i32
      %add3A_346 = arith.constant 2 : i32
      %add3A_347 = arith.addi %mul3A_345, %add3A_346 : i32
      %dma_wait3A_348 = arith.constant 0 : i32
      %dma_wait3A_349 = tpu.memref_slice %arg6[%add3A_347, %dma_wait3A_348] : memref<100x100xi32, #tpu.memory_space<vmem>> -> memref<1x100xi32, #tpu.memory_space<vmem>>
      %dma_wait3A_350 = tpu.memref_squeeze %dma_wait3A_349 : memref<1x100xi32, #tpu.memory_space<vmem>> -> memref<100xi32, #tpu.memory_space<vmem>>
      %dma_wait3A_351 = arith.constant 0 : i32
      %dma_wait3A_352 = arith.constant 0 : i32
      %dma_wait3A_353 = tpu.memref_slice %arg17[%dma_wait3A_351, %dma_wait3A_352] : memref<10112x64xf32, #tpu.memory_space<vmem_shared>> -> memref<10112x64xf32, #tpu.memory_space<vmem_shared>>
      tpu.wait_indirect_dma semaphore(%arg15 : memref<!tpu.dma_semaphore, #tpu.memory_space<semaphore_mem>>) src(%dma_wait3A_353 : memref<10112x64xf32, #tpu.memory_space<vmem_shared>>) dst(%arg10 : memref<100x64xf32, #tpu.memory_space<vmem>>)
      "tpu.region"() ({
        %run_scoped3A = tpu.sem_alloc : memref<!tpu.dma_semaphore, #tpu.memory_space<semaphore_mem>>
        %dma_start3A_374 = arith.constant 0 : i32
        %dma_start3A_375 = tpu.memref_slice %arg7[%add3A_347, %dma_start3A_374] : memref<100x100xi32, #tpu.memory_space<vmem>> -> memref<1x100xi32, #tpu.memory_space<vmem>>
        %dma_start3A_376 = tpu.memref_squeeze %dma_start3A_375 : memref<1x100xi32, #tpu.memory_space<vmem>> -> memref<100xi32, #tpu.memory_space<vmem>>
        %dma_start3A_377 = arith.constant 0 : i32
        %dma_start3A_378 = arith.constant 0 : i32
        %dma_start3A_379 = tpu.memref_slice %arg18[%dma_start3A_377, %dma_start3A_378] : memref<10000x64xf32, #tpu.memory_space<vmem_shared>> -> memref<10000x64xf32, #tpu.memory_space<vmem_shared>>
        tpu.enqueue_indirect_dma source(%arg10 : memref<100x64xf32, #tpu.memory_space<vmem>>) target(%dma_start3A_379 : memref<10000x64xf32, #tpu.memory_space<vmem_shared>>) offsets(%dma_start3A_376 : memref<100xi32, #tpu.memory_space<vmem>>) semaphore(%run_scoped3A : memref<!tpu.dma_semaphore, #tpu.memory_space<semaphore_mem>>) {add = true}
        %dma_wait3A_380 = arith.constant 0 : i32
        %dma_wait3A_381 = tpu.memref_slice %arg7[%add3A_347, %dma_wait3A_380] : memref<100x100xi32, #tpu.memory_space<vmem>> -> memref<1x100xi32, #tpu.memory_space<vmem>>
        %dma_wait3A_382 = tpu.memref_squeeze %dma_wait3A_381 : memref<1x100xi32, #tpu.memory_space<vmem>> -> memref<100xi32, #tpu.memory_space<vmem>>
        %dma_wait3A_383 = arith.constant 0 : i32
        %dma_wait3A_384 = arith.constant 0 : i32
        %dma_wait3A_385 = tpu.memref_slice %arg18[%dma_wait3A_383, %dma_wait3A_384] : memref<10000x64xf32, #tpu.memory_space<vmem_shared>> -> memref<10000x64xf32, #tpu.memory_space<vmem_shared>>
        tpu.wait_indirect_dma semaphore(%run_scoped3A : memref<!tpu.dma_semaphore, #tpu.memory_space<semaphore_mem>>) src(%arg10 : memref<100x64xf32, #tpu.memory_space<vmem>>) dst(%dma_wait3A_385 : memref<10000x64xf32, #tpu.memory_space<vmem_shared>>)
        tpu.yield
      }) : () -> ()
      %lt3A_354 = arith.constant 24 : i32
      %lt3A_355 = arith.cmpi slt, %scan3A_314, %lt3A_354 : i32
      %convert_element_type3A_356 = arith.extui %lt3A_355 : i1 to i32
      %cond3A_357 = arith.constant 0 : i32
      %cond3A_358 = arith.cmpi ne, %convert_element_type3A_356, %cond3A_357 : i32
      scf.if %cond3A_358 {
        %add3A_374 = arith.constant 4 : i32
        %add3A_375 = arith.addi %add3A_347, %add3A_374 : i32
        %dma_start3A_376 = arith.constant 0 : i32
        %dma_start3A_377 = tpu.memref_slice %arg6[%add3A_375, %dma_start3A_376] : memref<100x100xi32, #tpu.memory_space<vmem>> -> memref<1x100xi32, #tpu.memory_space<vmem>>
        %dma_start3A_378 = tpu.memref_squeeze %dma_start3A_377 : memref<1x100xi32, #tpu.memory_space<vmem>> -> memref<100xi32, #tpu.memory_space<vmem>>
        %dma_start3A_379 = arith.constant 0 : i32
        %dma_start3A_380 = arith.constant 0 : i32
        %dma_start3A_381 = tpu.memref_slice %arg17[%dma_start3A_379, %dma_start3A_380] : memref<10112x64xf32, #tpu.memory_space<vmem_shared>> -> memref<10112x64xf32, #tpu.memory_space<vmem_shared>>
        tpu.enqueue_indirect_dma source(%dma_start3A_381 : memref<10112x64xf32, #tpu.memory_space<vmem_shared>>) target(%arg10 : memref<100x64xf32, #tpu.memory_space<vmem>>) offsets(%dma_start3A_378 : memref<100xi32, #tpu.memory_space<vmem>>) semaphore(%arg15 : memref<!tpu.dma_semaphore, #tpu.memory_space<semaphore_mem>>)
      } else {
      }
      %mul3A_359 = arith.constant 4 : i32
      %mul3A_360 = arith.muli %mul3A_359, %scan3A_314 : i32
      %add3A_361 = arith.constant 3 : i32
      %add3A_362 = arith.addi %mul3A_360, %add3A_361 : i32
      %dma_wait3A_363 = arith.constant 0 : i32
      %dma_wait3A_364 = tpu.memref_slice %arg6[%add3A_362, %dma_wait3A_363] : memref<100x100xi32, #tpu.memory_space<vmem>> -> memref<1x100xi32, #tpu.memory_space<vmem>>
      %dma_wait3A_365 = tpu.memref_squeeze %dma_wait3A_364 : memref<1x100xi32, #tpu.memory_space<vmem>> -> memref<100xi32, #tpu.memory_space<vmem>>
      %dma_wait3A_366 = arith.constant 0 : i32
      %dma_wait3A_367 = arith.constant 0 : i32
      %dma_wait3A_368 = tpu.memref_slice %arg17[%dma_wait3A_366, %dma_wait3A_367] : memref<10112x64xf32, #tpu.memory_space<vmem_shared>> -> memref<10112x64xf32, #tpu.memory_space<vmem_shared>>
      tpu.wait_indirect_dma semaphore(%arg16 : memref<!tpu.dma_semaphore, #tpu.memory_space<semaphore_mem>>) src(%dma_wait3A_368 : memref<10112x64xf32, #tpu.memory_space<vmem_shared>>) dst(%arg11 : memref<100x64xf32, #tpu.memory_space<vmem>>)
      "tpu.region"() ({
        %run_scoped3A = tpu.sem_alloc : memref<!tpu.dma_semaphore, #tpu.memory_space<semaphore_mem>>
        %dma_start3A_374 = arith.constant 0 : i32
        %dma_start3A_375 = tpu.memref_slice %arg7[%add3A_362, %dma_start3A_374] : memref<100x100xi32, #tpu.memory_space<vmem>> -> memref<1x100xi32, #tpu.memory_space<vmem>>
        %dma_start3A_376 = tpu.memref_squeeze %dma_start3A_375 : memref<1x100xi32, #tpu.memory_space<vmem>> -> memref<100xi32, #tpu.memory_space<vmem>>
        %dma_start3A_377 = arith.constant 0 : i32
        %dma_start3A_378 = arith.constant 0 : i32
        %dma_start3A_379 = tpu.memref_slice %arg18[%dma_start3A_377, %dma_start3A_378] : memref<10000x64xf32, #tpu.memory_space<vmem_shared>> -> memref<10000x64xf32, #tpu.memory_space<vmem_shared>>
        tpu.enqueue_indirect_dma source(%arg11 : memref<100x64xf32, #tpu.memory_space<vmem>>) target(%dma_start3A_379 : memref<10000x64xf32, #tpu.memory_space<vmem_shared>>) offsets(%dma_start3A_376 : memref<100xi32, #tpu.memory_space<vmem>>) semaphore(%run_scoped3A : memref<!tpu.dma_semaphore, #tpu.memory_space<semaphore_mem>>) {add = true}
        %dma_wait3A_380 = arith.constant 0 : i32
        %dma_wait3A_381 = tpu.memref_slice %arg7[%add3A_362, %dma_wait3A_380] : memref<100x100xi32, #tpu.memory_space<vmem>> -> memref<1x100xi32, #tpu.memory_space<vmem>>
        %dma_wait3A_382 = tpu.memref_squeeze %dma_wait3A_381 : memref<1x100xi32, #tpu.memory_space<vmem>> -> memref<100xi32, #tpu.memory_space<vmem>>
        %dma_wait3A_383 = arith.constant 0 : i32
        %dma_wait3A_384 = arith.constant 0 : i32
        %dma_wait3A_385 = tpu.memref_slice %arg18[%dma_wait3A_383, %dma_wait3A_384] : memref<10000x64xf32, #tpu.memory_space<vmem_shared>> -> memref<10000x64xf32, #tpu.memory_space<vmem_shared>>
        tpu.wait_indirect_dma semaphore(%run_scoped3A : memref<!tpu.dma_semaphore, #tpu.memory_space<semaphore_mem>>) src(%arg11 : memref<100x64xf32, #tpu.memory_space<vmem>>) dst(%dma_wait3A_385 : memref<10000x64xf32, #tpu.memory_space<vmem_shared>>)
        tpu.yield
      }) : () -> ()
      %lt3A_369 = arith.constant 24 : i32
      %lt3A_370 = arith.cmpi slt, %scan3A_314, %lt3A_369 : i32
      %convert_element_type3A_371 = arith.extui %lt3A_370 : i1 to i32
      %cond3A_372 = arith.constant 0 : i32
      %cond3A_373 = arith.cmpi ne, %convert_element_type3A_371, %cond3A_372 : i32
      scf.if %cond3A_373 {
        %add3A_374 = arith.constant 4 : i32
        %add3A_375 = arith.addi %add3A_362, %add3A_374 : i32
        %dma_start3A_376 = arith.constant 0 : i32
        %dma_start3A_377 = tpu.memref_slice %arg6[%add3A_375, %dma_start3A_376] : memref<100x100xi32, #tpu.memory_space<vmem>> -> memref<1x100xi32, #tpu.memory_space<vmem>>
        %dma_start3A_378 = tpu.memref_squeeze %dma_start3A_377 : memref<1x100xi32, #tpu.memory_space<vmem>> -> memref<100xi32, #tpu.memory_space<vmem>>
        %dma_start3A_379 = arith.constant 0 : i32
        %dma_start3A_380 = arith.constant 0 : i32
        %dma_start3A_381 = tpu.memref_slice %arg17[%dma_start3A_379, %dma_start3A_380] : memref<10112x64xf32, #tpu.memory_space<vmem_shared>> -> memref<10112x64xf32, #tpu.memory_space<vmem_shared>>
        tpu.enqueue_indirect_dma source(%dma_start3A_381 : memref<10112x64xf32, #tpu.memory_space<vmem_shared>>) target(%arg11 : memref<100x64xf32, #tpu.memory_space<vmem>>) offsets(%dma_start3A_378 : memref<100xi32, #tpu.memory_space<vmem>>) semaphore(%arg16 : memref<!tpu.dma_semaphore, #tpu.memory_space<semaphore_mem>>)
      } else {
      }
    }
    %scan3A_302 = arith.constant 25 : i32
    %barrier3A_303 = arith.constant 0 : index
    tpu.barrier barrier_id(%barrier3A_303)
    %lt3A_304 = arith.constant 15 : i32
    %lt3A_305 = arith.cmpi slt, %arg1, %lt3A_304 : i32
    %convert_element_type3A_306 = arith.extui %lt3A_305 : i1 to i32
    %cond3A_307 = arith.constant 0 : i32
    %cond3A_308 = arith.cmpi ne, %convert_element_type3A_306, %cond3A_307 : i32
    scf.if %cond3A_308 {
      %mul3A_314 = arith.constant 632 : i32
      %mul3A_315 = arith.muli %arg1, %mul3A_314 : i32
      %mul3A_316 = arith.constant 632 : i32
      %mul3A_317 = arith.muli %arg1, %mul3A_316 : i32
      "tpu.region"() ({
        %run_scoped3A = tpu.sem_alloc : memref<!tpu.dma_semaphore, #tpu.memory_space<semaphore_mem>>
        %dma_start3A_318 = arith.constant 0 : i32
        %dma_start3A_319 = tpu.memref_slice %arg5[%arg0, %mul3A_317, %dma_start3A_318] : memref<2x10000x64xf32, #tpu.memory_space<hbm>> -> memref<1x632x64xf32, #tpu.memory_space<hbm>>
        %dma_start3A_320 = tpu.memref_squeeze %dma_start3A_319 : memref<1x632x64xf32, #tpu.memory_space<hbm>> -> memref<632x64xf32, #tpu.memory_space<hbm>>
        %dma_start3A_321 = arith.constant 0 : i32
        %dma_start3A_322 = tpu.memref_slice %arg18[%mul3A_315, %dma_start3A_321] : memref<10000x64xf32, #tpu.memory_space<vmem_shared>> -> memref<632x64xf32, #tpu.memory_space<vmem_shared>>
        tpu.enqueue_dma source(%dma_start3A_322 : memref<632x64xf32, #tpu.memory_space<vmem_shared>>) target(%dma_start3A_320 : memref<632x64xf32, #tpu.memory_space<hbm>>) target_semaphore(%run_scoped3A : memref<!tpu.dma_semaphore, #tpu.memory_space<semaphore_mem>>)
        %dma_wait3A = arith.constant 0 : i32
        %dma_wait3A_323 = tpu.memref_slice %arg5[%arg0, %mul3A_317, %dma_wait3A] : memref<2x10000x64xf32, #tpu.memory_space<hbm>> -> memref<1x632x64xf32, #tpu.memory_space<hbm>>
        %dma_wait3A_324 = tpu.memref_squeeze %dma_wait3A_323 : memref<1x632x64xf32, #tpu.memory_space<hbm>> -> memref<632x64xf32, #tpu.memory_space<hbm>>
        %dma_wait3A_325 = arith.constant 0 : i32
        %dma_wait3A_326 = tpu.memref_slice %arg18[%mul3A_315, %dma_wait3A_325] : memref<10000x64xf32, #tpu.memory_space<vmem_shared>> -> memref<632x64xf32, #tpu.memory_space<vmem_shared>>
        tpu.wait_dma2 semaphore(%run_scoped3A : memref<!tpu.dma_semaphore, #tpu.memory_space<semaphore_mem>>) src(%dma_wait3A_326 : memref<632x64xf32, #tpu.memory_space<vmem_shared>>) dst(%dma_wait3A_324 : memref<632x64xf32, #tpu.memory_space<hbm>>)
        tpu.yield
      }) : () -> ()
    } else {
    }
    %eq3A_309 = arith.constant 15 : i32
    %eq3A_310 = arith.cmpi eq, %arg1, %eq3A_309 : i32
    %convert_element_type3A_311 = arith.extui %eq3A_310 : i1 to i32
    %cond3A_312 = arith.constant 0 : i32
    %cond3A_313 = arith.cmpi ne, %convert_element_type3A_311, %cond3A_312 : i32
    scf.if %cond3A_313 {
      "tpu.region"() ({
        %run_scoped3A = tpu.sem_alloc : memref<!tpu.dma_semaphore, #tpu.memory_space<semaphore_mem>>
        %dma_start3A_314 = arith.constant 9480 : i32
        %dma_start3A_315 = arith.constant 0 : i32
        %dma_start3A_316 = tpu.memref_slice %arg5[%arg0, %dma_start3A_314, %dma_start3A_315] : memref<2x10000x64xf32, #tpu.memory_space<hbm>> -> memref<1x520x64xf32, #tpu.memory_space<hbm>>
        %dma_start3A_317 = tpu.memref_squeeze %dma_start3A_316 : memref<1x520x64xf32, #tpu.memory_space<hbm>> -> memref<520x64xf32, #tpu.memory_space<hbm>>
        %dma_start3A_318 = arith.constant 9480 : i32
        %dma_start3A_319 = arith.constant 0 : i32
        %dma_start3A_320 = tpu.memref_slice %arg18[%dma_start3A_318, %dma_start3A_319] : memref<10000x64xf32, #tpu.memory_space<vmem_shared>> -> memref<520x64xf32, #tpu.memory_space<vmem_shared>>
        tpu.enqueue_dma source(%dma_start3A_320 : memref<520x64xf32, #tpu.memory_space<vmem_shared>>) target(%dma_start3A_317 : memref<520x64xf32, #tpu.memory_space<hbm>>) target_semaphore(%run_scoped3A : memref<!tpu.dma_semaphore, #tpu.memory_space<semaphore_mem>>)
        %dma_wait3A = arith.constant 9480 : i32
        %dma_wait3A_321 = arith.constant 0 : i32
        %dma_wait3A_322 = tpu.memref_slice %arg5[%arg0, %dma_wait3A, %dma_wait3A_321] : memref<2x10000x64xf32, #tpu.memory_space<hbm>> -> memref<1x520x64xf32, #tpu.memory_space<hbm>>
        %dma_wait3A_323 = tpu.memref_squeeze %dma_wait3A_322 : memref<1x520x64xf32, #tpu.memory_space<hbm>> -> memref<520x64xf32, #tpu.memory_space<hbm>>
        %dma_wait3A_324 = arith.constant 9480 : i32
        %dma_wait3A_325 = arith.constant 0 : i32
        %dma_wait3A_326 = tpu.memref_slice %arg18[%dma_wait3A_324, %dma_wait3A_325] : memref<10000x64xf32, #tpu.memory_space<vmem_shared>> -> memref<520x64xf32, #tpu.memory_space<vmem_shared>>
        tpu.wait_dma2 semaphore(%run_scoped3A : memref<!tpu.dma_semaphore, #tpu.memory_space<semaphore_mem>>) src(%dma_wait3A_326 : memref<520x64xf32, #tpu.memory_space<vmem_shared>>) dst(%dma_wait3A_323 : memref<520x64xf32, #tpu.memory_space<hbm>>)
        tpu.yield
      }) : () -> ()
    } else {
    }
    return
  }
}

module attributes {stable_mosaic.version = 14 : i64} {
  func.func @_tc1a_body(%arg0: memref<10000x200xf32, #tpu.memory_space<vmem>>, %arg1: memref<200x64xf32, #tpu.memory_space<vmem>>, %arg2: memref<10000x64xf32, #tpu.memory_space<vmem>>) attributes {dimension_semantics = [], scalar_prefetch = 0 : i64, scratch_operands = 0 : i64, tpu.core_type = #tpu.core_type<tc>} {
    %get3A = arith.constant 0 : index
    %get3A_0 = arith.constant 0 : index
    %get3A_1 = vector.load %arg0[%get3A, %get3A_0] : memref<10000x200xf32, #tpu.memory_space<vmem>>, vector<10000x200xf32>
    %get3A_2 = arith.constant 0 : index
    %get3A_3 = arith.constant 0 : index
    %get3A_4 = vector.load %arg1[%get3A_2, %get3A_3] : memref<200x64xf32, #tpu.memory_space<vmem>>, vector<200x64xf32>
    %dot_general3A = arith.constant dense<0.000000e+00> : vector<10000x64xf32>
    %dot_general3A_5 = tpu.matmul %get3A_1, %get3A_4, %dot_general3A {dimension_numbers = #tpu.dot_dimension_numbers<[1], [0], [0], [1], [0, 0, 1, 1], [], []>, transpose_lhs_hint = false} : vector<10000x200xf32>, vector<200x64xf32>, vector<10000x64xf32> -> vector<10000x64xf32>
    %swap3A = arith.constant 0 : index
    %swap3A_6 = arith.constant 0 : index
    %swap3A_7 = vector.load %arg2[%swap3A, %swap3A_6] : memref<10000x64xf32, #tpu.memory_space<vmem>>, vector<10000x64xf32>
    tpu.vector_store %arg2[%swap3A, %swap3A_6], %dot_general3A_5 {strides = array<i32>} : memref<10000x64xf32, #tpu.memory_space<vmem>>, vector<10000x64xf32>,
    return
  }
}

module attributes {stable_mosaic.version = 14 : i64} {
  func.func @_tc1b_body(%arg0: memref<10000x64xf32, #tpu.memory_space<vmem>>, %arg1: memref<10000x1xf32, #tpu.memory_space<vmem>>, %arg2: memref<10000x64xf32, #tpu.memory_space<vmem>>) attributes {dimension_semantics = [], scalar_prefetch = 0 : i64, scratch_operands = 0 : i64, tpu.core_type = #tpu.core_type<tc>} {
    %get3A = arith.constant 0 : index
    %get3A_0 = arith.constant 0 : index
    %get3A_1 = vector.load %arg0[%get3A, %get3A_0] : memref<10000x64xf32, #tpu.memory_space<vmem>>, vector<10000x64xf32>
    %get3A_2 = arith.constant 0 : index
    %get3A_3 = arith.constant 0 : index
    %get3A_4 = vector.load %arg1[%get3A_2, %get3A_3] : memref<10000x1xf32, #tpu.memory_space<vmem>>, vector<10000x1xf32>
    %mul3A = vector.broadcast %get3A_4 : vector<10000x1xf32> to vector<10000x64xf32>
    %mul3A_5 = arith.mulf %get3A_1, %mul3A : vector<10000x64xf32>
    %swap3A = arith.constant 0 : index
    %swap3A_6 = arith.constant 0 : index
    %swap3A_7 = vector.load %arg2[%swap3A, %swap3A_6] : memref<10000x64xf32, #tpu.memory_space<vmem>>, vector<10000x64xf32>
    tpu.vector_store %arg2[%swap3A, %swap3A_6], %mul3A_5 {strides = array<i32>} : memref<10000x64xf32, #tpu.memory_space<vmem>>, vector<10000x64xf32>,
    return
  }
}

module attributes {stable_mosaic.version = 14 : i64} {
  func.func @_tc2_body(%arg0: memref<2x10000x64xf32, #tpu.memory_space<vmem>>, %arg1: memref<10000x64xf32, #tpu.memory_space<vmem>>, %arg2: memref<10000x1xf32, #tpu.memory_space<vmem>>, %arg3: memref<1x64xf32, #tpu.memory_space<vmem>>, %arg4: memref<64x64xf32, #tpu.memory_space<vmem>>, %arg5: memref<10000x64xf32, #tpu.memory_space<vmem>>) attributes {dimension_semantics = [], scalar_prefetch = 0 : i64, scratch_operands = 0 : i64, tpu.core_type = #tpu.core_type<tc>} {
    %get3A = arith.constant 0 : index
    %get3A_0 = arith.constant 0 : index
    %get3A_1 = arith.constant 0 : index
    %get3A_2 = vector.load %arg0[%get3A, %get3A_0, %get3A_1] : memref<2x10000x64xf32, #tpu.memory_space<vmem>>, vector<1x10000x64xf32>
    %get3A_3 = vector.shape_cast %get3A_2 : vector<1x10000x64xf32> to vector<10000x64xf32>
    %get3A_4 = arith.constant 1 : index
    %get3A_5 = arith.constant 0 : index
    %get3A_6 = arith.constant 0 : index
    %get3A_7 = vector.load %arg0[%get3A_4, %get3A_5, %get3A_6] : memref<2x10000x64xf32, #tpu.memory_space<vmem>>, vector<1x10000x64xf32>
    %get3A_8 = vector.shape_cast %get3A_7 : vector<1x10000x64xf32> to vector<10000x64xf32>
    %add3A = arith.addf %get3A_3, %get3A_8 : vector<10000x64xf32>
    %get3A_9 = arith.constant 0 : index
    %get3A_10 = arith.constant 0 : index
    %get3A_11 = vector.load %arg1[%get3A_9, %get3A_10] : memref<10000x64xf32, #tpu.memory_space<vmem>>, vector<10000x64xf32>
    %add3A_12 = arith.addf %add3A, %get3A_11 : vector<10000x64xf32>
    %get3A_13 = arith.constant 0 : index
    %get3A_14 = arith.constant 0 : index
    %get3A_15 = vector.load %arg2[%get3A_13, %get3A_14] : memref<10000x1xf32, #tpu.memory_space<vmem>>, vector<10000x1xf32>
    %mul3A = vector.broadcast %get3A_15 : vector<10000x1xf32> to vector<10000x64xf32>
    %mul3A_16 = arith.mulf %mul3A, %add3A_12 : vector<10000x64xf32>
    %get3A_17 = arith.constant 0 : index
    %get3A_18 = arith.constant 0 : index
    %get3A_19 = vector.load %arg3[%get3A_17, %get3A_18] : memref<1x64xf32, #tpu.memory_space<vmem>>, vector<1x64xf32>
    %add3A_20 = vector.broadcast %get3A_19 : vector<1x64xf32> to vector<10000x64xf32>
    %add3A_21 = arith.addf %mul3A_16, %add3A_20 : vector<10000x64xf32>
    %max3A = arith.constant 0.000000e+00 : f32
    %max3A_22 = vector.broadcast %max3A : f32 to vector<10000x64xf32>
    %max3A_23 = arith.maximumf %add3A_21, %max3A_22 : vector<10000x64xf32>
    %get3A_24 = arith.constant 0 : index
    %get3A_25 = arith.constant 0 : index
    %get3A_26 = vector.load %arg4[%get3A_24, %get3A_25] : memref<64x64xf32, #tpu.memory_space<vmem>>, vector<64x64xf32>
    %dot_general3A = arith.constant dense<0.000000e+00> : vector<10000x64xf32>
    %dot_general3A_27 = tpu.matmul %max3A_23, %get3A_26, %dot_general3A {dimension_numbers = #tpu.dot_dimension_numbers<[1], [0], [0], [1], [0, 0, 1, 1], [], []>, transpose_lhs_hint = false} : vector<10000x64xf32>, vector<64x64xf32>, vector<10000x64xf32> -> vector<10000x64xf32>
    %get3A_28 = arith.constant 0 : index
    %get3A_29 = arith.constant 0 : index
    %get3A_30 = vector.load %arg2[%get3A_28, %get3A_29] : memref<10000x1xf32, #tpu.memory_space<vmem>>, vector<10000x1xf32>
    %mul3A_31 = vector.broadcast %get3A_30 : vector<10000x1xf32> to vector<10000x64xf32>
    %mul3A_32 = arith.mulf %dot_general3A_27, %mul3A_31 : vector<10000x64xf32>
    %swap3A = arith.constant 0 : index
    %swap3A_33 = arith.constant 0 : index
    %swap3A_34 = vector.load %arg5[%swap3A, %swap3A_33] : memref<10000x64xf32, #tpu.memory_space<vmem>>, vector<10000x64xf32>
    tpu.vector_store %arg5[%swap3A, %swap3A_33], %mul3A_32 {strides = array<i32>} : memref<10000x64xf32, #tpu.memory_space<vmem>>, vector<10000x64xf32>,
    return
  }
}

module attributes {stable_mosaic.version = 14 : i64} {
  func.func @_tc3_body(%arg0: memref<2x10000x64xf32, #tpu.memory_space<vmem>>, %arg1: memref<10000x64xf32, #tpu.memory_space<vmem>>, %arg2: memref<10000x1xf32, #tpu.memory_space<vmem>>, %arg3: memref<1x64xf32, #tpu.memory_space<vmem>>, %arg4: memref<1x10000xi32, #tpu.memory_space<vmem>>, %arg5: memref<64x16xf32, #tpu.memory_space<vmem>>, %arg6: memref<1x16xf32, #tpu.memory_space<vmem>>, %arg7: memref<64x16xf32, #tpu.memory_space<vmem>>) attributes {dimension_semantics = [], scalar_prefetch = 0 : i64, scratch_operands = 0 : i64, tpu.core_type = #tpu.core_type<tc>} {
    %get3A = arith.constant 0 : index
    %get3A_0 = arith.constant 0 : index
    %get3A_1 = arith.constant 0 : index
    %get3A_2 = vector.load %arg0[%get3A, %get3A_0, %get3A_1] : memref<2x10000x64xf32, #tpu.memory_space<vmem>>, vector<1x10000x64xf32>
    %get3A_3 = vector.shape_cast %get3A_2 : vector<1x10000x64xf32> to vector<10000x64xf32>
    %get3A_4 = arith.constant 1 : index
    %get3A_5 = arith.constant 0 : index
    %get3A_6 = arith.constant 0 : index
    %get3A_7 = vector.load %arg0[%get3A_4, %get3A_5, %get3A_6] : memref<2x10000x64xf32, #tpu.memory_space<vmem>>, vector<1x10000x64xf32>
    %get3A_8 = vector.shape_cast %get3A_7 : vector<1x10000x64xf32> to vector<10000x64xf32>
    %add3A = arith.addf %get3A_3, %get3A_8 : vector<10000x64xf32>
    %get3A_9 = arith.constant 0 : index
    %get3A_10 = arith.constant 0 : index
    %get3A_11 = vector.load %arg1[%get3A_9, %get3A_10] : memref<10000x64xf32, #tpu.memory_space<vmem>>, vector<10000x64xf32>
    %add3A_12 = arith.addf %add3A, %get3A_11 : vector<10000x64xf32>
    %get3A_13 = arith.constant 0 : index
    %get3A_14 = arith.constant 0 : index
    %get3A_15 = vector.load %arg2[%get3A_13, %get3A_14] : memref<10000x1xf32, #tpu.memory_space<vmem>>, vector<10000x1xf32>
    %mul3A = vector.broadcast %get3A_15 : vector<10000x1xf32> to vector<10000x64xf32>
    %mul3A_16 = arith.mulf %mul3A, %add3A_12 : vector<10000x64xf32>
    %get3A_17 = arith.constant 0 : index
    %get3A_18 = arith.constant 0 : index
    %get3A_19 = vector.load %arg3[%get3A_17, %get3A_18] : memref<1x64xf32, #tpu.memory_space<vmem>>, vector<1x64xf32>
    %add3A_20 = vector.broadcast %get3A_19 : vector<1x64xf32> to vector<10000x64xf32>
    %add3A_21 = arith.addf %mul3A_16, %add3A_20 : vector<10000x64xf32>
    %max3A = arith.constant 0.000000e+00 : f32
    %max3A_22 = vector.broadcast %max3A : f32 to vector<10000x64xf32>
    %max3A_23 = arith.maximumf %add3A_21, %max3A_22 : vector<10000x64xf32>
    %iota3A = tpu.iota {dimensions = array<i32: 0>} : vector<64x10000xi32>
    %get3A_24 = arith.constant 0 : index
    %get3A_25 = arith.constant 0 : index
    %get3A_26 = vector.load %arg4[%get3A_24, %get3A_25] : memref<1x10000xi32, #tpu.memory_space<vmem>>, vector<1x10000xi32>
    %eq3A = vector.broadcast %get3A_26 : vector<1x10000xi32> to vector<64x10000xi32>
    %eq3A_27 = arith.cmpi eq, %eq3A, %iota3A : vector<64x10000xi32>
    %convert_element_type3A = arith.extui %eq3A_27 : vector<64x10000xi1> to vector<64x10000xi32>
    %convert_element_type3A_28 = arith.sitofp %convert_element_type3A : vector<64x10000xi32> to vector<64x10000xf32>
    %dot_general3A = arith.constant dense<0.000000e+00> : vector<64x64xf32>
    %dot_general3A_29 = tpu.matmul %convert_element_type3A_28, %max3A_23, %dot_general3A {dimension_numbers = #tpu.dot_dimension_numbers<[1], [0], [0], [1], [0, 0, 1, 1], [], []>, transpose_lhs_hint = false} : vector<64x10000xf32>, vector<10000x64xf32>, vector<64x64xf32> -> vector<64x64xf32>
    %reduce_sum3A = arith.constant dense<0.000000e+00> : vector<64xf32>
    %reduce_sum3A_30 = vector.multi_reduction <add>, %convert_element_type3A_28, %reduce_sum3A [1] : vector<64x10000xf32> to vector<64xf32>
    %broadcast_in_dim3A = vector.shape_cast %reduce_sum3A_30 : vector<64xf32> to vector<64x1xf32>
    %max3A_31 = arith.constant 1.000000e+00 : f32
    %max3A_32 = vector.broadcast %max3A_31 : f32 to vector<64x1xf32>
    %max3A_33 = arith.maximumf %broadcast_in_dim3A, %max3A_32 : vector<64x1xf32>
    %div3A = vector.broadcast %max3A_33 : vector<64x1xf32> to vector<64x64xf32>
    %div3A_34 = arith.divf %dot_general3A_29, %div3A : vector<64x64xf32>
    %get3A_35 = arith.constant 0 : index
    %get3A_36 = arith.constant 0 : index
    %get3A_37 = vector.load %arg5[%get3A_35, %get3A_36] : memref<64x16xf32, #tpu.memory_space<vmem>>, vector<64x16xf32>
    %dot_general3A_38 = arith.constant dense<0.000000e+00> : vector<64x16xf32>
    %dot_general3A_39 = tpu.matmul %div3A_34, %get3A_37, %dot_general3A_38 {dimension_numbers = #tpu.dot_dimension_numbers<[1], [0], [0], [1], [0, 0, 1, 1], [], []>, transpose_lhs_hint = false} : vector<64x64xf32>, vector<64x16xf32>, vector<64x16xf32> -> vector<64x16xf32>
    %get3A_40 = arith.constant 0 : index
    %get3A_41 = arith.constant 0 : index
    %get3A_42 = vector.load %arg6[%get3A_40, %get3A_41] : memref<1x16xf32, #tpu.memory_space<vmem>>, vector<1x16xf32>
    %add3A_43 = vector.broadcast %get3A_42 : vector<1x16xf32> to vector<64x16xf32>
    %add3A_44 = arith.addf %dot_general3A_39, %add3A_43 : vector<64x16xf32>
    %swap3A = arith.constant 0 : index
    %swap3A_45 = arith.constant 0 : index
    %swap3A_46 = vector.load %arg7[%swap3A, %swap3A_45] : memref<64x16xf32, #tpu.memory_space<vmem>>, vector<64x16xf32>
    tpu.vector_store %arg7[%swap3A, %swap3A_45], %add3A_44 {strides = array<i32>} : memref<64x16xf32, #tpu.memory_space<vmem>>, vector<64x16xf32>,
    return
  }
}

</mosaic_0001>

<sc_bundles>
// kernel: kernel.12.cloned.1.call-start
scs
__scs_entry_jumppad:
0x0: {  	(pc) =	sbr.rel $0x88, $3  }
0x1: {  	(tag) =	ssettag $0x0;
	lr =	simm.s32 $0x1  }
0x2: {  	[smem:$0x3F98] =	sst lr;
	_ =	strace $0xD0000000  }
0x3: {  	_ = 	snop  }
0x4: {  	_ = 	snop  }
0x5: {  	_ = 	snop  }
0x6: {  	_ = 	snop  }
0x7: {  	_ = 	snop  }
__scs_overlays_trampoline_lowered:
0x8: {  	[smem:$0x3FA7] =	sst s0  }
0x9: {  	[smem:$0x3FA8] =	sst s1  }
0xa: {  	[smem:$0x3FA9] =	sst s2  }
0xb: {  	[smem:$0x3FAA] =	sst s3  }
0xc: {  	[smem:$0x3FAB] =	sst s4  }
0xd: {  	[smem:$0x3FAC] =	sst s5  }
0xe: {  	[smem:$0x3FAD] =	sst s6  }
0xf: {  	[smem:$0x3FAE] =	sst s7  }
0x10: {  	[smem:$0x3FAF] =	sst s8  }
0x11: {  	[smem:$0x3FB0] =	sst s9;
	s0 =	simm.s32 @!p0 $0x0  }
0x12: {  	s1 =	sld [smem:$0x3F96];
	s0 =	simm.s32 @p0 $0x1  }
0x13: {  	[smem:$0x3FB1] =	sst s0;
	s0 =	simm.s32 @!p1 $0x0  }
0x14: {  	s2 =	sld [smem:$0x3F95];
	s0 =	simm.s32 @p1 $0x1  }
0x15: {  	[smem:$0x3FB2] =	sst s0;
	s0 =	simm.s32 @!p2 $0x0  }
0x16: {  	s3 =	sld [smem:$0x3FDB];
	s0 =	simm.s32 @p2 $0x1  }
0x17: {  	s4 =	simm.s32 $0x1BF5;
	[smem:$0x3FB4] =	sst s0  }
0x18: {  	s0 =	sld [smem:$0x3F97];
	_ =	swait.ge [sflag:s4], $0x0  }
0x19: {  	s7 =	sld [smem:$0x3F98]  }
0x1a: {  	s8 =	sadd.s32 $0xFFFFE003, lr  }
0x1b: {  	s9 =	sadd.s32 $0xFFFFFEF7, lr;
	s5 =	simm.s32 $0xFFFFFFFF;
	p2 =	slt.u32 s8, $0xFFFFF086  }
0x1c: {  	p1 =	slt.u32 s9, $0xF7A;
	s5 =	simm.s32 @!p2 $0x0  }
0x1d: {  	s5 =	simm.s32 @p1 $0x1;
	p0 =	seq.s32 s7, s2  }
0x1e: {  	s7 =	smul.u32 @!p0 $0xF7A, s2;
	p2 =	seq.s32 @!p0 s5, $0x0  }
0x1f: {  	s9 =	smul.u32 $0xF7A, s1;
	s8 =	simm.s32 @!p0 $0x1BF5;
	p2 =	por !p2, p0  }
0x20: {  	[sflag:s8] =	ssyncset.s32 @!p0 $0xFFFFF086;
	s6 =	sadd.s32 @!p0 s3, s7;
	s7 =	simm.s32 @!p0 $0x108  }
0x21: {  	s3 =	sadd.s32 s3, s9;
	s6 =	sadd.s32 @!p0 $0x88, s6;
	s7 =	simm.s32 @p2 $0x1082  }
0x22: {  	[simem:s7], [sflag:s8] =	dma.local @!p0 [hbm:s6], $0xF7A  }
0x23: {  	s9 =	sor.u32 $0xD0000000, s2;
	s6 =	simm.s32 $0x108;
	_ =	swait.ge @!p0 [sflag:s8], $0x0  }
0x24: {  	s3 =	sadd.s32 $0x88, s3;
	s6 =	simm.s32 @!p1 $0x1082;
	[sflag:s4] =	ssyncset.s32 $0xFFFFF086  }
0x25: {  	[simem:s6], [sflag:s4] =	dma.local [hbm:s3], $0xF7A  }
0x26: {  	[smem:$0x3F98] =	sst s1;
	(tag) =	ssettag s2;
	_ =	strace s9  }
0x27: {  	s1 =	sld [smem:$0x3FA8]  }
0x28: {  	s2 =	sld [smem:$0x3FA9]  }
0x29: {  	s4 =	sld [smem:$0x3FAB]  }
0x2a: {  	p0 =	seq.s32 s5, $0x0;
	s5 =	sld [smem:$0x3FAC]  }
0x2b: {  	s6 =	sld [smem:$0x3FAD]  }
0x2c: {  	s7 =	sld [smem:$0x3FAE]  }
0x2d: {  	s3 =	simm.s32 $0x108;
	s8 =	sld [smem:$0x3FAF]  }
0x2e: {  	s3 =	simm.s32 @!p0 $0x1082;
	s9 =	sld [smem:$0x3FB0]  }
0x2f: {  	lr =	sadd.s32 s0, s3;
	s0 =	sld [smem:$0x3FA7]  }
0x30: {  	s3 =	sld [smem:$0x3FAA]  }
0x31: {  	[smem:$0x3FB3] =	sst s10  }
0x32: {  	s10 =	sld [smem:$0x3FB1];
	_ =	sdelay $0x3  }
0x33: {  	p0 =	seq.s32 s10, $0x1;
	s10 =	sld [smem:$0x3FB3];
	_ =	sdelay $0x3  }
0x34: {  	[smem:$0x3FB3] =	sst s10  }
0x35: {  	s10 =	sld [smem:$0x3FB2];
	_ =	sdelay $0x3  }
0x36: {  	p1 =	seq.s32 s10, $0x1;
	s10 =	sld [smem:$0x3FB3];
	_ =	sdelay $0x3  }
0x37: {  	[smem:$0x3FB3] =	sst s10  }
0x38: {  	s10 =	sld [smem:$0x3FB4]  }
0x39: {  	_ = 	snop;
	(pc) =	sbr.ind lr, $3  }
0x3a: {  	_ = 	snop  }
0x3b: {  	_ = 	snop  }
0x3c: {  	p2 =	seq.s32 s10, $0x1;
	s10 =	sld [smem:$0x3FB3]  }
0x3d: {  	_ =	shalt  }
0x3e: {  	_ =	shalt  }
0x3f: {  	_ =	shalt  }
0x40: {  	_ =	shalt  }
0x41: {  	_ =	shalt  }
0x42: {  	_ =	shalt  }
0x43: {  	_ =	shalt  }
0x44: {  	_ =	shalt  }
0x45: {  	_ =	shalt  }
0x46: {  	_ =	shalt  }
0x47: {  	_ =	shalt  }
0x48: {  	_ =	shalt  }
0x49: {  	_ =	shalt  }
0x4a: {  	_ =	shalt  }
0x4b: {  	_ =	shalt  }
0x4c: {  	_ =	shalt  }
0x4d: {  	_ =	shalt  }
0x4e: {  	_ =	shalt  }
0x4f: {  	_ =	shalt  }
0x50: {  	_ =	shalt  }
0x51: {  	_ =	shalt  }
0x52: {  	_ =	shalt  }
0x53: {  	_ =	shalt  }
0x54: {  	_ =	shalt  }
0x55: {  	_ =	shalt  }
0x56: {  	_ =	shalt  }
0x57: {  	_ =	shalt  }
0x58: {  	_ =	shalt  }
0x59: {  	_ =	shalt  }
0x5a: {  	_ =	shalt  }
0x5b: {  	_ =	shalt  }
0x5c: {  	_ =	shalt  }
0x5d: {  	_ =	shalt  }
0x5e: {  	_ =	shalt  }
0x5f: {  	_ =	shalt  }
0x60: {  	_ =	shalt  }
0x61: {  	_ =	shalt  }
0x62: {  	_ =	shalt  }
0x63: {  	_ =	shalt  }
0x64: {  	_ =	shalt  }
0x65: {  	_ =	shalt  }
0x66: {  	_ =	shalt  }
0x67: {  	_ =	shalt  }
0x68: {  	_ =	shalt  }
0x69: {  	_ =	shalt  }
0x6a: {  	_ =	shalt  }
0x6b: {  	_ =	shalt  }
0x6c: {  	_ =	shalt  }
0x6d: {  	_ =	shalt  }
0x6e: {  	_ =	shalt  }
0x6f: {  	_ =	shalt  }
0x70: {  	_ =	shalt  }
0x71: {  	_ =	shalt  }
0x72: {  	_ =	shalt  }
0x73: {  	_ =	shalt  }
0x74: {  	_ =	shalt  }
0x75: {  	_ =	shalt  }
0x76: {  	_ =	shalt  }
0x77: {  	_ =	shalt  }
0x78: {  	_ =	shalt  }
0x79: {  	_ =	shalt  }
0x7a: {  	_ =	shalt  }
0x7b: {  	_ =	shalt  }
0x7c: {  	_ =	shalt  }
0x7d: {  	_ =	shalt  }
0x7e: {  	_ =	shalt  }
0x7f: {  	_ =	shalt  }
0x80: {  	_ =	shalt  }
0x81: {  	_ =	shalt  }
0x82: {  	_ =	shalt  }
0x83: {  	_ =	shalt  }
0x84: {  	_ =	shalt  }
0x85: {  	_ =	shalt  }
0x86: {  	_ =	shalt  }
0x87: {  	_ =	shalt  }
.Lfunc_end0:
.L_simem_size_0:
called_computation.1_lowered:
.L_overlay_start_0:
0x88: {  	s2 =	sld [smem:$0x3FD9]  }
0x89: {  	s3 =	sld [smem:$0x3FFE];
	_ =	sdelay $0x1  }
0x8a: {  	s1 =	srdreg.scid  }
0x8b: {  	s0 =	sand.u32 $0x1, s1  }
0x8c: {  	s16 =	sshll.u32 s0, $0xA;
	s2 =	sadd.s32 s3, s2  }
0x8d: {  	s2 =	sadd.s32 s2, s16  }
0x8e: {  	[smem:$0x3FBF] =	sst s2  }
0x8f: {  	_ = 	snop  }
0x90: {  	(tm) =	ssettm $0x1  }
0x91: {  	s17 =	sld [smem:$0x3FFB];
	_ =	sdelay $0x3  }
0x92: {  	_ =	strace s17  }
0x93: {  	s2 =	sld [smem:$0x3FFC];
	_ =	sdelay $0x3  }
0x94: {  	_ =	strace s2  }
0x95: {  	s2 =	sld [smem:$0x3FFD];
	_ =	sdelay $0x3  }
0x96: {  	_ =	strace s2  }
0x97: {  	_ =	strace $0x8FFFFFFF  }
0x98: {  	s18 =	sld [smem:$0x3FDB];
	_ =	sdelay $0x1  }
0x99: {  	s19 =	simm.s32 $_scs_section_size  }
0x9a: {  	s4 =	simm.s32 $_size__tile_overlayer_lowered;
	s5 =	simm.s32 $_tile_overlayer_lowered  }
0x9b: {  	s22 =	simm.s32 $0x1BFF;
	s21 =	sshll.u32 s5, $0x1;
	s2 =	sadd.s32 s19, s18  }
0x9c: {  	s6 =	simm.s32 $0x0;
	s20 =	sshll.u32 s4, $0x1;
	s4 =	sadd.s32 s21, s2  }
0x9d: {  	[timem:s6], [sflag:s22] =	dma.local [hbm:s4], s20  }
0x9e: {  	_ =	swait.ge [sflag:s22], s20  }
0x9f: {  	s3 =	ssub.s32 $0x0, s20;
	[sflag:s22] =	ssyncset.done $0x0  }
0xa0: {  	[sflag:s22] =	ssyncadd.s32 s3;
	_ =	sdelay $0x1  }
0xa1: {  	s23 =	simm.s32 $0x1B8B  }
0xa2: {  	_ =	swait.ge [sflag:s23], $0x1  }
0xa3: {  	[sflag:s23] =	ssyncset.done $0x0  }
0xa4: {  	s25 =	simm.s32 $0x1B8E;
	s24 =	sld [smem:$0x3FFE];
	[sflag:s23] =	ssyncadd.s32 $0xFFFFFFFF  }
0xa5: {  	s26 =	simm.s32 $execute0_lowered;
	[smem:$0x3FD2] =	sst s25  }
0xa6: {  	s4 =	sshll.u32 s26, $0x1;
	_ =	strace $0x80000049;
	[dreg:$0x1] =	wrdreg $0xFFFFFFFF  }
0xa7: {  	s28 =	simm.s32 $_size_execute0_lowered;
	s2 =	sadd.s32 s2, s4;
	[dreg:$0x0] =	wrdreg $0x0  }
0xa8: {  	s4 =	sshll.u32 s28, $0x1;
	[dreg:$0x2] =	wrdreg s2  }
0xa9: {  	[dreg:$0x3] =	wrdreg s4  }
0xaa: {  	[dreg:$0x4] =	wrdreg $0xC0  }
0xab: {  	_ =	task [dreg:s6], $0x5FFFF  }
0xac: {  	[dreg:$0x1] =	wrdreg $0xFFFFFFFF  }
0xad: {  	[dreg:$0x0] =	wrdreg $0x60  }
0xae: {  	[dreg:$0x2] =	wrdreg s24  }
0xaf: {  	[dreg:$0x3] =	wrdreg $0x155400  }
0xb0: {  	[dreg:$0x4] =	wrdreg $0xB7400  }
0xb1: {  	[dreg:$0x5] =	wrdreg $0x9  }
0xb2: {  	_ =	task.clear_ibuf [dreg:s6], $0x6FFFF;
	_ =	strace $0x90000049  }
0xb3: {  	s29 =	simm.s32 $0x9;
	_ =	strace $0x8000004B  }
0xb4: {  	_ =	swait.ge [sflag:s29], $0x1  }
0xb5: {  	[sflag:s29] =	ssyncadd.s32 $0xFFFFFFFF  }
0xb6: {  	_ =	strace $0x9000004B  }
0xb7: {  	_ =	sfence  }
0xb8: {  	s30 =	sld [smem:$0x0];
	_ =	sdelay $0x2  }
0xb9: {  	s31 =	sshll.u32 s1, $0xD;
	s1 =	sshrl.u32 s1, $0x2  }
0xba: {  	s3 =	sand.u32 $0x4000, s31;
	s1 =	sadd.s32 s1, s30  }
0xbb: {  	s0 =	sor.u32 s3, s0;
	s1 =	sshll.u32 s1, $0x11  }
0xbc: {  	s0 =	sor.u32 s1, s0  }
0xbd: {  	s0 =	sadd.s32 $0x8F2B, s0  }
0xbe: {  	[sflag:s0] =	ssyncadd.remote.s32 $0x1  }
0xbf: {  	_ =	sfence.sel $0xFFFF  }
0xc0: {  	[dreg:$0x0] =	wrdreg $0xFFFFFFFF;
	(pc) =	sbr.abs _section_cstart, $3  }
0xc1: {  	[dreg:$0x1] =	wrdreg $0xFFFFFFFF  }
0xc2: {  	_ =	task.clear_ibuf [dreg:s6], $0x2FFFF;
	_ =	strace $0x9FFFFFFF  }
0xc3: {  	(tm) =	ssettm $0x7FFFFFFF  }
tec
execute0_lowered:
.L_overlay_start_1:
0x0: {  	(tag) =	ssettag $0x1  }
0x1: {  	s0 =	rddreg [dreg:$0x0]  }
0x2: {  	s1 =	rddreg [dreg:$0x1]  }
0x3: {  	s2 =	rddreg [dreg:$0x2];
	s3 =	srdreg.scid  }
0x4: {  	s4 =	simm.s32 $0x0;
	s14 =	simm.s32 $0xB540;
	s15 =	simm.s32 $0x5  }
0x5: {  	s19 =	simm.s32 $0x64;
	s20 =	simm.s32 $0x5140;
	s22 =	simm.s32 $0x6A40  }
0x6: {  	s29 =	simm.s32 $0x9C40;
	s30 =	simm.s32 $0x1;
	s31 =	simm.s32 $0x2  }
0x7: {  	s18 =	simm.s32 $0x5070;
	s21 =	simm.s32 $0x50D8;
	s23 =	simm.s32 $0x0  }
0x8: {  	s6 =	sand.u32 $0x1, s3;
	s3 =	stileid.u32;
	[smem:$0x7FF] =	sst s4  }
0x9: {  	s12 =	sadd.s32 $0x34600, s0;
	s17 =	sadd.s32 $0x94200, s2;
	s7 =	smul.u32 $0x9E00, s3  }
0xa: {  	s5 =	sshll.u32 s6, $0x4;
	_ =	strace $0x8000004A;
	s10 =	smul.u32 $0x27800, s3  }
0xb: {  	s9 =	ssub.s32 $0x2, s6;
	s6 =	smul.u32 $0x9C400, s6;
	p0 =	seq.s32 s3, $0xF  }
0xc: {  	s28 =	sshrl.u32 s17, $0x3;
	s17 =	simm.s32 $0x4;
	s5 =	sor.u32 s3, s5  }
0xd: {  	s24 =	sshrl.u32 s9, $0x1;
	[dreg:$0x6] =	wrdreg s28;
	s5 =	smul.u32 $0x514, s5  }
0xe: {  	s8 =	sshrl.u32 s7, $0x3;
	s13 =	ssub.s32 s9, s24;
	s25 =	sshrl.u32 s10, $0x2  }
0xf: {  	s16 =	sadd.s32 s7, s2;
	s26 =	sadd.s32 s7, s6;
	s6 =	sshrl.u32 s6, $0x3  }
0x10: {  	s8 =	sadd.s32 s8, s0;
	s6 =	sadd.s32 s12, s6;
	s13 =	smax.u32 s13, $0x1  }
0x11: {  	s11 =	sadd.s32 s5, s0;
	s5 =	sadd.s32 s25, s1;
	s8 =	sadd.s32 $0x20C00, s8  }
0x12: {  	s0 =	sadd.s32 $0x33440, s0;
	s25 =	sshrl.u32 s16, $0x3;
	[dreg:$0x4] =	wrdreg s8  }
0x13: {  	[dreg:$0x5] =	wrdreg s0;
	s8 =	sadd.s32 $0x16800, s11;
	s9 =	sadd.s32 $0xC400, s11  }
0x14: {  	s0 =	sshrl.u32 s26, $0x3;
	s11 =	sadd.s32 $0x12840, s6;
	s26 =	simm.s32 $0x8340  }
0x15: {  	s10 =	sadd.s32 s12, s0;
	s0 =	sadd.s32 s7, s1;
	s12 =	sadd.s32 $0x94200, s1  }
0x16: {  	v0 =	vimm.f32 $0.0e+00;
	s7 =	simm.s32 $0x5008;
	s24 =	sshrl.u32 @!p0 s0, $0x3;
	s0 =	simm.s32 $0x3  }
.LBB2_1:
0x17: {  	[tilespmem:$0xB540] =	vst v0  }
0x18: {  	[tilespmem:$0xB550] =	vst v0  }
0x19: {  	[tilespmem:$0xB560] =	vst v0  }
0x1a: {  	[tilespmem:$0xB570] =	vst v0  }
0x1b: {  	[tilespmem:$0xB580] =	vst v0  }
0x1c: {  	[tilespmem:$0xB590] =	vst v0  }
0x1d: {  	[tilespmem:$0xB5A0] =	vst v0  }
0x1e: {  	[tilespmem:$0xB5B0] =	vst v0  }
0x1f: {  	[tilespmem:$0xB5C0] =	vst v0  }
0x20: {  	[tilespmem:$0xB5D0] =	vst v0  }
0x21: {  	[tilespmem:$0xB5E0] =	vst v0  }
0x22: {  	[tilespmem:$0xB5F0] =	vst v0  }
0x23: {  	[tilespmem:$0xB600] =	vst v0  }
0x24: {  	[tilespmem:$0xB610] =	vst v0  }
0x25: {  	[tilespmem:$0xB620] =	vst v0  }
0x26: {  	[tilespmem:$0xB630] =	vst v0  }
0x27: {  	[tilespmem:$0xB640] =	vst v0  }
0x28: {  	[tilespmem:$0xB650] =	vst v0  }
0x29: {  	[tilespmem:$0xB660] =	vst v0  }
0x2a: {  	[tilespmem:$0xB670] =	vst v0  }
0x2b: {  	[tilespmem:$0xB680] =	vst v0  }
0x2c: {  	[tilespmem:$0xB690] =	vst v0  }
0x2d: {  	[tilespmem:$0xB6A0] =	vst v0  }
0x2e: {  	[tilespmem:$0xB6B0] =	vst v0  }
0x2f: {  	[tilespmem:$0xB6C0] =	vst v0  }
0x30: {  	[tilespmem:$0xB6D0] =	vst v0  }
0x31: {  	[tilespmem:$0xB6E0] =	vst v0  }
.Ltmp0:
0x32: {  	[tilespmem:$0xB6F0] =	vst v0;
	(pc) =	sbr.rel @!p0 .LBB2_2-.Ltmp0, $4  }
0x33: {  	[tilespmem:$0xB700] =	vst v0  }
0x34: {  	[tilespmem:$0xB710] =	vst v0  }
0x35: {  	[tilespmem:$0xB720] =	vst v0  }
0x36: {  	[tilespmem:$0xB730] =	vst v0;
	s16 =	sshra.s32 s4, $0x2  }
0x37: {  	s16 =	sadd.s32 s16, s12  }
0x38: {  	[spmem:s16] =	stream.linear.scatter [tilespmem:s14], [sflag:$0x5], $0x200, $0x38;
	[tilespmem:$0x1F180] =	vst v63  }
0x39: {  	s16 =	sadd.s32 $0x800, s4;
	_ =	swait.ge [sflag:s15], $0x200  }
.LBB2_6:
0x3a: {  	s28 =	sshra.s32 s16, $0x2;
	[sflag:s15] =	ssyncset.done $0x0;
	p1 =	sne.s32 s16, $0x20000  }
.Ltmp1:
0x3b: {  	s28 =	sadd.s32 s28, s12;
	[sflag:s15] =	ssyncadd.s32 $0xFFFFFE00;
	(pc) =	sbr.rel @p1 .LBB2_6-.Ltmp1, $3  }
0x3c: {  	[spmem:s28] =	stream.linear.scatter [tilespmem:s14], [sflag:$0x5], $0x200, $0x38;
	[tilespmem:$0x1F180] =	vst v63  }
0x3d: {  	s16 =	sadd.s32 $0x800, s16;
	_ =	sdelay $0x1  }
0x3e: {  	_ =	swait.ge [sflag:s15], $0x200  }
0x3f: {  	s6 =	rddreg [dreg:$0x5]  }
0x40: {  	[sflag:s15] =	ssyncset.done $0x0;
	s16 =	rddreg [dreg:$0x6]  }
.Ltmp2:
0x41: {  	s28 =	simm.s32 $0x1FC5;
	[sflag:s15] =	ssyncadd.s32 $0xFFFFFE00;
	(pc) =	sbr.rel .LBB2_8-.Ltmp2, $4  }
0x42: {  	[spmem:s16], [sflag:s28] =	dma.local [hbm:s6], $0x1040  }
0x43: {  	_ =	swait.ge [sflag:s15], $0x1040  }
0x44: {  	[sflag:s15] =	ssyncset.done $0x0  }
0x45: {  	[sflag:s15] =	ssyncadd.s32 $0xFFFFEFC0  }
.LBB2_2:
0x46: {  	s16 =	sadd.s32 s16, s5  }
0x47: {  	[spmem:s16] =	stream.linear.scatter [tilespmem:s14], [sflag:$0x5], $0x200, $0x38;
	[tilespmem:$0x1F180] =	vst v63  }
0x48: {  	s16 =	sadd.s32 $0x800, s4;
	_ =	swait.ge [sflag:s15], $0x200  }
.LBB2_3:
0x49: {  	s28 =	sshra.s32 s16, $0x2;
	[sflag:s15] =	ssyncset.done $0x0;
	p1 =	seq.s32 s16, $0x27000  }
.Ltmp3:
0x4a: {  	s28 =	sadd.s32 s28, s5;
	[sflag:s15] =	ssyncadd.s32 $0xFFFFFE00;
	(pc) =	sbr.rel @!p1 .LBB2_3-.Ltmp3, $3  }
0x4b: {  	[spmem:s28] =	stream.linear.scatter [tilespmem:s14], [sflag:$0x5], $0x200, $0x38;
	[tilespmem:$0x1F180] =	vst v63  }
0x4c: {  	s16 =	sadd.s32 $0x800, s16;
	_ =	sdelay $0x1  }
0x4d: {  	_ =	swait.ge [sflag:s15], $0x200  }
0x4e: {  	[sflag:s15] =	ssyncset.done $0x0;
	s16 =	sshll.u32 s3, $0x6  }
0x4f: {  	s6 =	rddreg [dreg:$0x4];
	[sflag:s15] =	ssyncadd.s32 $0xFFFFFE00;
	s16 =	sor.u32 $0x1C05, s16  }
0x50: {  	[spmem:s25], [sflag:s16] =	dma.local [hbm:s6], $0x13C0  }
0x51: {  	_ =	swait.ge [sflag:s15], $0x13C0  }
0x52: {  	[sflag:s15] =	ssyncset.done $0x0  }
0x53: {  	[sflag:s15] =	ssyncadd.s32 $0xFFFFEC40  }
.LBB2_8:
0x54: {  	s16 =	simm.s32 $0x0  }
0x55: {  	[tilespmem:s16], [sflag:$0x5] =	stream.linear.gather [hbm4b:s8+s16], $0x28A0, $0x38;
	[tilespmem:$0x1F180] =	vst v63  }
0x56: {  	_ =	swait.ge [sflag:s15], $0x28A0  }
0x57: {  	[sflag:s15] =	ssyncset.done $0x0  }
0x58: {  	s6 =	simm.s32 $0x28A0;
	[sflag:s15] =	ssyncadd.s32 $0xFFFFD760  }
0x59: {  	[tilespmem:s6], [sflag:$0x5] =	stream.linear.gather [hbm4b:s9+s16], $0x28A0, $0x38;
	[tilespmem:$0x1F180] =	vst v63  }
0x5a: {  	_ =	swait.ge [sflag:s15], $0x28A0  }
0x5b: {  	[sflag:s15] =	ssyncset.done $0x0  }
0x5c: {  	[sflag:s15] =	ssyncadd.s32 $0xFFFFD760  }
0x5d: {  	[bflag:$0x0] =	sbarrier.arrive $0xFFFF  }
0x5e: {  	[tilespmem:s20], [sflag:$0x1] =	stream.indirect.gather [spmem:s2], $0x40, s16, s19, $0xb8;
	[tilespmem:$0x1F180] =	vst v63  }
0x5f: {  	s16 =	simm.s32 $0x68  }
0x60: {  	[tilespmem:s22], [sflag:$0x2] =	stream.indirect.gather [spmem:s2], $0x40, s16, s19, $0xb8;
	[tilespmem:$0x1F180] =	vst v63  }
0x61: {  	s16 =	simm.s32 $0xD0  }
0x62: {  	[tilespmem:s26], [sflag:$0x3] =	stream.indirect.gather [spmem:s2], $0x40, s16, s19, $0xb8;
	[tilespmem:$0x1F180] =	vst v63  }
0x63: {  	s16 =	simm.s32 $0x138  }
0x64: {  	[tilespmem:s29], [sflag:$0x4] =	stream.indirect.gather [spmem:s2], $0x40, s16, s19, $0xb8;
	[tilespmem:$0x1F180] =	vst v63  }
0x65: {  	_ =	swait.ge [sflag:s30], $0x1900  }
0x66: {  	[sflag:s30] =	ssyncset.done $0x0  }
0x67: {  	s6 =	simm.s32 $0x28A0;
	[sflag:s30] =	ssyncadd.s32 $0xFFFFE700  }
0x68: {  	[spmem:s1] =	stream.indirect.scatter.add.f32 [tilespmem:s20], [sflag:$0x5], $0x40, s6, s19, $0xb8;
	[tilespmem:$0x1F180] =	vst v63  }
0x69: {  	_ =	swait.ge [sflag:s15], $0x1900  }
0x6a: {  	[sflag:s15] =	ssyncset.done $0x0  }
0x6b: {  	s6 =	simm.s32 $0x1A0;
	[sflag:s15] =	ssyncadd.s32 $0xFFFFE700  }
0x6c: {  	[tilespmem:s20], [sflag:$0x1] =	stream.indirect.gather [spmem:s2], $0x40, s6, s19, $0xb8;
	[tilespmem:$0x1F180] =	vst v63  }
0x6d: {  	_ =	swait.ge [sflag:s31], $0x1900  }
0x6e: {  	[sflag:s31] =	ssyncset.done $0x0  }
0x6f: {  	s6 =	simm.s32 $0x2908;
	[sflag:s31] =	ssyncadd.s32 $0xFFFFE700  }
0x70: {  	[spmem:s1] =	stream.indirect.scatter.add.f32 [tilespmem:s22], [sflag:$0x5], $0x40, s6, s19, $0xb8;
	[tilespmem:$0x1F180] =	vst v63  }
0x71: {  	_ =	swait.ge [sflag:s15], $0x1900  }
0x72: {  	[sflag:s15] =	ssyncset.done $0x0  }
0x73: {  	s6 =	simm.s32 $0x208;
	[sflag:s15] =	ssyncadd.s32 $0xFFFFE700  }
0x74: {  	[tilespmem:s22], [sflag:$0x2] =	stream.indirect.gather [spmem:s2], $0x40, s6, s19, $0xb8;
	[tilespmem:$0x1F180] =	vst v63  }
0x75: {  	_ =	swait.ge [sflag:s0], $0x1900  }
0x76: {  	[sflag:s0] =	ssyncset.done $0x0  }
0x77: {  	s6 =	simm.s32 $0x2970;
	[sflag:s0] =	ssyncadd.s32 $0xFFFFE700  }
0x78: {  	[spmem:s1] =	stream.indirect.scatter.add.f32 [tilespmem:s26], [sflag:$0x5], $0x40, s6, s19, $0xb8;
	[tilespmem:$0x1F180] =	vst v63  }
0x79: {  	_ =	swait.ge [sflag:s15], $0x1900  }
0x7a: {  	[sflag:s15] =	ssyncset.done $0x0  }
0x7b: {  	s6 =	simm.s32 $0x270;
	[sflag:s15] =	ssyncadd.s32 $0xFFFFE700  }
0x7c: {  	[tilespmem:s26], [sflag:$0x3] =	stream.indirect.gather [spmem:s2], $0x40, s6, s19, $0xb8;
	[tilespmem:$0x1F180] =	vst v63  }
0x7d: {  	_ =	swait.ge [sflag:s17], $0x1900  }
0x7e: {  	[sflag:s17] =	ssyncset.done $0x0  }
0x7f: {  	s6 =	simm.s32 $0x29D8;
	[sflag:s17] =	ssyncadd.s32 $0xFFFFE700  }
0x80: {  	[spmem:s1] =	stream.indirect.scatter.add.f32 [tilespmem:s29], [sflag:$0x5], $0x40, s6, s19, $0xb8;
	[tilespmem:$0x1F180] =	vst v63  }
0x81: {  	_ =	swait.ge [sflag:s15], $0x1900  }
0x82: {  	[sflag:s15] =	ssyncset.done $0x0  }
0x83: {  	s28 =	simm.s32 $0x2D8;
	s16 =	simm.s32 $0x680;
	[sflag:s15] =	ssyncadd.s32 $0xFFFFE700  }
.LBB2_9:
0x84: {  	[tilespmem:s29], [sflag:$0x4] =	stream.indirect.gather [spmem:s2], $0x40, s28, s19, $0xb8;
	[tilespmem:$0x1F180] =	vst v63  }
0x85: {  	s28 =	smov.u32 s16  }
0x86: {  	p1 =	sne.s32 s16, $0x9580;
	s16 =	sadd.s32 $0x680, s16;
	_ =	swait.ge [sflag:s30], $0x1900  }
0x87: {  	s28 =	sshra.s32 s28, $0x2;
	[sflag:s30] =	ssyncset.done $0x0  }
0x88: {  	s6 =	sadd.s32 $0x28A0, s28;
	[sflag:s30] =	ssyncadd.s32 $0xFFFFE700  }
0x89: {  	[spmem:s1] =	stream.indirect.scatter.add.f32 [tilespmem:s20], [sflag:$0x5], $0x40, s6, s19, $0xb8;
	[tilespmem:$0x1F180] =	vst v63  }
0x8a: {  	_ =	swait.ge [sflag:s15], $0x1900  }
0x8b: {  	[sflag:s15] =	ssyncset.done $0x0  }
0x8c: {  	s6 =	sadd.s32 $0x1A0, s28;
	[sflag:s15] =	ssyncadd.s32 $0xFFFFE700  }
0x8d: {  	[tilespmem:s20], [sflag:$0x1] =	stream.indirect.gather [spmem:s2], $0x40, s6, s19, $0xb8;
	[tilespmem:$0x1F180] =	vst v63  }
0x8e: {  	_ =	swait.ge [sflag:s31], $0x1900  }
0x8f: {  	[sflag:s31] =	ssyncset.done $0x0  }
0x90: {  	s6 =	sadd.s32 $0x2908, s28;
	[sflag:s31] =	ssyncadd.s32 $0xFFFFE700  }
0x91: {  	[spmem:s1] =	stream.indirect.scatter.add.f32 [tilespmem:s22], [sflag:$0x5], $0x40, s6, s19, $0xb8;
	[tilespmem:$0x1F180] =	vst v63  }
0x92: {  	_ =	swait.ge [sflag:s15], $0x1900  }
0x93: {  	[sflag:s15] =	ssyncset.done $0x0  }
0x94: {  	s6 =	sadd.s32 $0x208, s28;
	[sflag:s15] =	ssyncadd.s32 $0xFFFFE700  }
0x95: {  	[tilespmem:s22], [sflag:$0x2] =	stream.indirect.gather [spmem:s2], $0x40, s6, s19, $0xb8;
	[tilespmem:$0x1F180] =	vst v63  }
0x96: {  	_ =	swait.ge [sflag:s0], $0x1900  }
0x97: {  	[sflag:s0] =	ssyncset.done $0x0  }
0x98: {  	s6 =	sadd.s32 $0x2970, s28;
	[sflag:s0] =	ssyncadd.s32 $0xFFFFE700  }
0x99: {  	[spmem:s1] =	stream.indirect.scatter.add.f32 [tilespmem:s26], [sflag:$0x5], $0x40, s6, s19, $0xb8;
	[tilespmem:$0x1F180] =	vst v63  }
0x9a: {  	_ =	swait.ge [sflag:s15], $0x1900  }
0x9b: {  	[sflag:s15] =	ssyncset.done $0x0  }
0x9c: {  	s6 =	sadd.s32 $0x270, s28;
	[sflag:s15] =	ssyncadd.s32 $0xFFFFE700  }
0x9d: {  	[tilespmem:s26], [sflag:$0x3] =	stream.indirect.gather [spmem:s2], $0x40, s6, s19, $0xb8;
	[tilespmem:$0x1F180] =	vst v63  }
0x9e: {  	_ =	swait.ge [sflag:s17], $0x1900  }
0x9f: {  	[sflag:s17] =	ssyncset.done $0x0  }
.Ltmp4:
0xa0: {  	s6 =	sadd.s32 $0x29D8, s28;
	[sflag:s17] =	ssyncadd.s32 $0xFFFFE700;
	(pc) =	sbr.rel @p1 .LBB2_9-.Ltmp4, $4  }
0xa1: {  	[spmem:s1] =	stream.indirect.scatter.add.f32 [tilespmem:s29], [sflag:$0x5], $0x40, s6, s19, $0xb8;
	[tilespmem:$0x1F180] =	vst v63  }
0xa2: {  	_ =	swait.ge [sflag:s15], $0x1900  }
0xa3: {  	[sflag:s15] =	ssyncset.done $0x0  }
0xa4: {  	s28 =	sadd.s32 $0x2D8, s28;
	[sflag:s15] =	ssyncadd.s32 $0xFFFFE700  }
0xa5: {  	[tilespmem:s29], [sflag:$0x4] =	stream.indirect.gather [spmem:s2], $0x40, s28, s19, $0xb8;
	[tilespmem:$0x1F180] =	vst v63  }
0xa6: {  	_ =	swait.ge [sflag:s30], $0x1900  }
0xa7: {  	[sflag:s30] =	ssyncset.done $0x0  }
0xa8: {  	s6 =	simm.s32 $0x4FA0;
	[sflag:s30] =	ssyncadd.s32 $0xFFFFE700  }
0xa9: {  	[spmem:s1] =	stream.indirect.scatter.add.f32 [tilespmem:s20], [sflag:$0x5], $0x40, s6, s19, $0xb8;
	[tilespmem:$0x1F180] =	vst v63  }
0xaa: {  	_ =	swait.ge [sflag:s15], $0x1900  }
0xab: {  	[sflag:s15] =	ssyncset.done $0x0  }
0xac: {  	[sflag:s15] =	ssyncadd.s32 $0xFFFFE700  }
0xad: {  	_ =	swait.ge [sflag:s31], $0x1900  }
0xae: {  	[sflag:s31] =	ssyncset.done $0x0  }
0xaf: {  	[sflag:s31] =	ssyncadd.s32 $0xFFFFE700  }
0xb0: {  	[spmem:s1] =	stream.indirect.scatter.add.f32 [tilespmem:s22], [sflag:$0x5], $0x40, s7, s19, $0xb8;
	[tilespmem:$0x1F180] =	vst v63  }
0xb1: {  	_ =	swait.ge [sflag:s15], $0x1900  }
0xb2: {  	[sflag:s15] =	ssyncset.done $0x0  }
0xb3: {  	[sflag:s15] =	ssyncadd.s32 $0xFFFFE700  }
0xb4: {  	_ =	swait.ge [sflag:s0], $0x1900  }
0xb5: {  	[sflag:s0] =	ssyncset.done $0x0  }
0xb6: {  	[sflag:s0] =	ssyncadd.s32 $0xFFFFE700  }
0xb7: {  	[spmem:s1] =	stream.indirect.scatter.add.f32 [tilespmem:s26], [sflag:$0x5], $0x40, s18, s19, $0xb8;
	[tilespmem:$0x1F180] =	vst v63  }
0xb8: {  	_ =	swait.ge [sflag:s15], $0x1900  }
0xb9: {  	[sflag:s15] =	ssyncset.done $0x0  }
0xba: {  	[sflag:s15] =	ssyncadd.s32 $0xFFFFE700  }
0xbb: {  	_ =	swait.ge [sflag:s17], $0x1900  }
0xbc: {  	[sflag:s17] =	ssyncset.done $0x0  }
0xbd: {  	[sflag:s17] =	ssyncadd.s32 $0xFFFFE700  }
0xbe: {  	[spmem:s1] =	stream.indirect.scatter.add.f32 [tilespmem:s29], [sflag:$0x5], $0x40, s21, s19, $0xb8;
	[tilespmem:$0x1F180] =	vst v63  }
0xbf: {  	_ =	swait.ge [sflag:s15], $0x1900  }
0xc0: {  	[sflag:s15] =	ssyncset.done $0x0  }
0xc1: {  	[sflag:s15] =	ssyncadd.s32 $0xFFFFE700  }
0xc2: {  	s16 =	simm.s32 @p0 $0x1FC5;
	s6 =	sshrl.u32 @p0 s12, $0x3;
	[bflag:$0x0] =	sbarrier.arrive $0xFFFF  }
0xc3: {  	[hbm:s11], [sflag:s16] =	dma.local @p0 [spmem:s6], $0x1040  }
0xc4: {  	s6 =	simm.s32 @p0 $0x5  }
0xc5: {  	_ =	swait.ge @p0 [sflag:s6], $0x1040  }
0xc6: {  	s23 =	sadd.s32 $0x1, s23;
	s16 =	sshll.u32 @!p0 s3, $0x6;
	[sflag:s6] =	ssyncset.done @p0 $0x0  }
0xc7: {  	p1 =	sne.s32 s23, s13;
	[sflag:s6] =	ssyncadd.s32 @p0 $0xFFFFEFC0;
	s6 =	sor.u32 @!p0 $0x1C05, s16  }
0xc8: {  	[hbm:s10], [sflag:s6] =	dma.local @!p0 [spmem:s24], $0x13C0  }
.Ltmp5:
0xc9: {  	_ = 	snop;
	(pc) =	sbr.rel @p1 .LBB2_1-.Ltmp5, $4  }
0xca: {  	s6 =	simm.s32 @!p0 $0x5  }
0xcb: {  	_ =	swait.ge @!p0 [sflag:s6], $0x13C0  }
0xcc: {  	[sflag:s6] =	ssyncset.done @!p0 $0x0  }
0xcd: {  	[sflag:s6] =	ssyncadd.s32 @!p0 $0xFFFFEC40  }
0xce: {  	_ =	sfence.sel $0x180000  }
0xcf: {  	[bflag:$0x0] =	sbarrier.arrive $0xFFFF  }
0xd0: {  	_ =	strace $0x9000004A  }
0xd1: {  	[bflag:$0x2] =	sbarrier.arrive $0xFFFF  }
0xd2: {  	p0 =	sne.s32 s3, $0x0;
	s0 =	rddreg [dreg:$0x3]  }
0xd3: {  	s0 =	sadd.s32 @!p0 $0x100000, s0  }
0xd4: {  	[sflag:s0] =	ssyncadd.tile.s32 @!p0 $0x1;
	_ =	shalt  }
.Lfunc_end2:
_tile_overlayer_lowered:
.L_overlay_start_2:
0xd5: {  	(tag) =	ssettag $0x2  }
0xd6: {  	s0 =	rddreg [dreg:$0x0];
	s2 =	stileid.u32  }
0xd7: {  	s1 =	rddreg [dreg:$0x1];
	p0 =	sne.s32 s2, $0x0  }
0xd8: {  	s3 =	rddreg [dreg:$0x2];
	[bflag:$0x3] =	sbarrier.arrive $0xFFFF;
	s2 =	simm.s32 @!p0 $0x1C05  }
0xd9: {  	[timem:s3], [sflag:s2] =	dma.local @!p0 [hbm:s0], s1  }
0xda: {  	s0 =	simm.s32 @!p0 $0x5  }
0xdb: {  	_ =	swait.ge @!p0 [sflag:s0], s1  }
0xdc: {  	s1 =	ssub.s32 @!p0 $0x0, s1;
	[sflag:s0] =	ssyncset.done @!p0 $0x0  }
0xdd: {  	[sflag:s0] =	ssyncadd.s32 @!p0 s1  }
0xde: {  	[bflag:$0x3] =	sbarrier.arrive $0xFFFF  }
0xdf: {  	_ =	shalt  }

// kernel: kernel.15.cloned.1.call-start
scs
__scs_entry_jumppad:
0x0: {  	(pc) =	sbr.rel $0x88, $3  }
0x1: {  	(tag) =	ssettag $0x0;
	lr =	simm.s32 $0x1  }
0x2: {  	[smem:$0x3F98] =	sst lr;
	_ =	strace $0xD0000000  }
0x3: {  	_ = 	snop  }
0x4: {  	_ = 	snop  }
0x5: {  	_ = 	snop  }
0x6: {  	_ = 	snop  }
0x7: {  	_ = 	snop  }
__scs_overlays_trampoline_lowered:
0x8: {  	[smem:$0x3FA7] =	sst s0  }
0x9: {  	[smem:$0x3FA8] =	sst s1  }
0xa: {  	[smem:$0x3FA9] =	sst s2  }
0xb: {  	[smem:$0x3FAA] =	sst s3  }
0xc: {  	[smem:$0x3FAB] =	sst s4  }
0xd: {  	[smem:$0x3FAC] =	sst s5  }
0xe: {  	[smem:$0x3FAD] =	sst s6  }
0xf: {  	[smem:$0x3FAE] =	sst s7  }
0x10: {  	[smem:$0x3FAF] =	sst s8  }
0x11: {  	[smem:$0x3FB0] =	sst s9;
	s0 =	simm.s32 @!p0 $0x0  }
0x12: {  	s1 =	sld [smem:$0x3F96];
	s0 =	simm.s32 @p0 $0x1  }
0x13: {  	[smem:$0x3FB1] =	sst s0;
	s0 =	simm.s32 @!p1 $0x0  }
0x14: {  	s2 =	sld [smem:$0x3F95];
	s0 =	simm.s32 @p1 $0x1  }
0x15: {  	[smem:$0x3FB2] =	sst s0;
	s0 =	simm.s32 @!p2 $0x0  }
0x16: {  	s3 =	sld [smem:$0x3FDB];
	s0 =	simm.s32 @p2 $0x1  }
0x17: {  	s4 =	simm.s32 $0x1BF5;
	[smem:$0x3FB4] =	sst s0  }
0x18: {  	s0 =	sld [smem:$0x3F97];
	_ =	swait.ge [sflag:s4], $0x0  }
0x19: {  	s7 =	sld [smem:$0x3F98]  }
0x1a: {  	s8 =	sadd.s32 $0xFFFFE003, lr  }
0x1b: {  	s9 =	sadd.s32 $0xFFFFFEF7, lr;
	s5 =	simm.s32 $0xFFFFFFFF;
	p2 =	slt.u32 s8, $0xFFFFF086  }
0x1c: {  	p1 =	slt.u32 s9, $0xF7A;
	s5 =	simm.s32 @!p2 $0x0  }
0x1d: {  	s5 =	simm.s32 @p1 $0x1;
	p0 =	seq.s32 s7, s2  }
0x1e: {  	s7 =	smul.u32 @!p0 $0xF7A, s2;
	p2 =	seq.s32 @!p0 s5, $0x0  }
0x1f: {  	s9 =	smul.u32 $0xF7A, s1;
	s8 =	simm.s32 @!p0 $0x1BF5;
	p2 =	por !p2, p0  }
0x20: {  	[sflag:s8] =	ssyncset.s32 @!p0 $0xFFFFF086;
	s6 =	sadd.s32 @!p0 s3, s7;
	s7 =	simm.s32 @!p0 $0x108  }
0x21: {  	s3 =	sadd.s32 s3, s9;
	s6 =	sadd.s32 @!p0 $0x88, s6;
	s7 =	simm.s32 @p2 $0x1082  }
0x22: {  	[simem:s7], [sflag:s8] =	dma.local @!p0 [hbm:s6], $0xF7A  }
0x23: {  	s9 =	sor.u32 $0xD0000000, s2;
	s6 =	simm.s32 $0x108;
	_ =	swait.ge @!p0 [sflag:s8], $0x0  }
0x24: {  	s3 =	sadd.s32 $0x88, s3;
	s6 =	simm.s32 @!p1 $0x1082;
	[sflag:s4] =	ssyncset.s32 $0xFFFFF086  }
0x25: {  	[simem:s6], [sflag:s4] =	dma.local [hbm:s3], $0xF7A  }
0x26: {  	[smem:$0x3F98] =	sst s1;
	(tag) =	ssettag s2;
	_ =	strace s9  }
0x27: {  	s1 =	sld [smem:$0x3FA8]  }
0x28: {  	s2 =	sld [smem:$0x3FA9]  }
0x29: {  	s4 =	sld [smem:$0x3FAB]  }
0x2a: {  	p0 =	seq.s32 s5, $0x0;
	s5 =	sld [smem:$0x3FAC]  }
0x2b: {  	s6 =	sld [smem:$0x3FAD]  }
0x2c: {  	s7 =	sld [smem:$0x3FAE]  }
0x2d: {  	s3 =	simm.s32 $0x108;
	s8 =	sld [smem:$0x3FAF]  }
0x2e: {  	s3 =	simm.s32 @!p0 $0x1082;
	s9 =	sld [smem:$0x3FB0]  }
0x2f: {  	lr =	sadd.s32 s0, s3;
	s0 =	sld [smem:$0x3FA7]  }
0x30: {  	s3 =	sld [smem:$0x3FAA]  }
0x31: {  	[smem:$0x3FB3] =	sst s10  }
0x32: {  	s10 =	sld [smem:$0x3FB1];
	_ =	sdelay $0x3  }
0x33: {  	p0 =	seq.s32 s10, $0x1;
	s10 =	sld [smem:$0x3FB3];
	_ =	sdelay $0x3  }
0x34: {  	[smem:$0x3FB3] =	sst s10  }
0x35: {  	s10 =	sld [smem:$0x3FB2];
	_ =	sdelay $0x3  }
0x36: {  	p1 =	seq.s32 s10, $0x1;
	s10 =	sld [smem:$0x3FB3];
	_ =	sdelay $0x3  }
0x37: {  	[smem:$0x3FB3] =	sst s10  }
0x38: {  	s10 =	sld [smem:$0x3FB4]  }
0x39: {  	_ = 	snop;
	(pc) =	sbr.ind lr, $3  }
0x3a: {  	_ = 	snop  }
0x3b: {  	_ = 	snop  }
0x3c: {  	p2 =	seq.s32 s10, $0x1;
	s10 =	sld [smem:$0x3FB3]  }
0x3d: {  	_ =	shalt  }
0x3e: {  	_ =	shalt  }
0x3f: {  	_ =	shalt  }
0x40: {  	_ =	shalt  }
0x41: {  	_ =	shalt  }
0x42: {  	_ =	shalt  }
0x43: {  	_ =	shalt  }
0x44: {  	_ =	shalt  }
0x45: {  	_ =	shalt  }
0x46: {  	_ =	shalt  }
0x47: {  	_ =	shalt  }
0x48: {  	_ =	shalt  }
0x49: {  	_ =	shalt  }
0x4a: {  	_ =	shalt  }
0x4b: {  	_ =	shalt  }
0x4c: {  	_ =	shalt  }
0x4d: {  	_ =	shalt  }
0x4e: {  	_ =	shalt  }
0x4f: {  	_ =	shalt  }
0x50: {  	_ =	shalt  }
0x51: {  	_ =	shalt  }
0x52: {  	_ =	shalt  }
0x53: {  	_ =	shalt  }
0x54: {  	_ =	shalt  }
0x55: {  	_ =	shalt  }
0x56: {  	_ =	shalt  }
0x57: {  	_ =	shalt  }
0x58: {  	_ =	shalt  }
0x59: {  	_ =	shalt  }
0x5a: {  	_ =	shalt  }
0x5b: {  	_ =	shalt  }
0x5c: {  	_ =	shalt  }
0x5d: {  	_ =	shalt  }
0x5e: {  	_ =	shalt  }
0x5f: {  	_ =	shalt  }
0x60: {  	_ =	shalt  }
0x61: {  	_ =	shalt  }
0x62: {  	_ =	shalt  }
0x63: {  	_ =	shalt  }
0x64: {  	_ =	shalt  }
0x65: {  	_ =	shalt  }
0x66: {  	_ =	shalt  }
0x67: {  	_ =	shalt  }
0x68: {  	_ =	shalt  }
0x69: {  	_ =	shalt  }
0x6a: {  	_ =	shalt  }
0x6b: {  	_ =	shalt  }
0x6c: {  	_ =	shalt  }
0x6d: {  	_ =	shalt  }
0x6e: {  	_ =	shalt  }
0x6f: {  	_ =	shalt  }
0x70: {  	_ =	shalt  }
0x71: {  	_ =	shalt  }
0x72: {  	_ =	shalt  }
0x73: {  	_ =	shalt  }
0x74: {  	_ =	shalt  }
0x75: {  	_ =	shalt  }
0x76: {  	_ =	shalt  }
0x77: {  	_ =	shalt  }
0x78: {  	_ =	shalt  }
0x79: {  	_ =	shalt  }
0x7a: {  	_ =	shalt  }
0x7b: {  	_ =	shalt  }
0x7c: {  	_ =	shalt  }
0x7d: {  	_ =	shalt  }
0x7e: {  	_ =	shalt  }
0x7f: {  	_ =	shalt  }
0x80: {  	_ =	shalt  }
0x81: {  	_ =	shalt  }
0x82: {  	_ =	shalt  }
0x83: {  	_ =	shalt  }
0x84: {  	_ =	shalt  }
0x85: {  	_ =	shalt  }
0x86: {  	_ =	shalt  }
0x87: {  	_ =	shalt  }
.Lfunc_end0:
.L_simem_size_0:
called_computation.2_lowered:
.L_overlay_start_0:
0x88: {  	s2 =	sld [smem:$0x3FD9]  }
0x89: {  	s3 =	sld [smem:$0x3FFE];
	_ =	sdelay $0x1  }
0x8a: {  	s1 =	srdreg.scid  }
0x8b: {  	s0 =	sand.u32 $0x1, s1  }
0x8c: {  	s16 =	sshll.u32 s0, $0xA;
	s2 =	sadd.s32 s3, s2  }
0x8d: {  	s2 =	sadd.s32 s2, s16  }
0x8e: {  	[smem:$0x3FBF] =	sst s2  }
0x8f: {  	_ = 	snop  }
0x90: {  	(tm) =	ssettm $0x1  }
0x91: {  	s17 =	sld [smem:$0x3FFB];
	_ =	sdelay $0x3  }
0x92: {  	_ =	strace s17  }
0x93: {  	s2 =	sld [smem:$0x3FFC];
	_ =	sdelay $0x3  }
0x94: {  	_ =	strace s2  }
0x95: {  	s2 =	sld [smem:$0x3FFD];
	_ =	sdelay $0x3  }
0x96: {  	_ =	strace s2  }
0x97: {  	_ =	strace $0x8FFFFFFF  }
0x98: {  	s18 =	sld [smem:$0x3FDB];
	_ =	sdelay $0x1  }
0x99: {  	s19 =	simm.s32 $_scs_section_size  }
0x9a: {  	s4 =	simm.s32 $_size__tile_overlayer_lowered;
	s5 =	simm.s32 $_tile_overlayer_lowered  }
0x9b: {  	s22 =	simm.s32 $0x1BFF;
	s21 =	sshll.u32 s5, $0x1;
	s2 =	sadd.s32 s19, s18  }
0x9c: {  	s6 =	simm.s32 $0x0;
	s20 =	sshll.u32 s4, $0x1;
	s4 =	sadd.s32 s21, s2  }
0x9d: {  	[timem:s6], [sflag:s22] =	dma.local [hbm:s4], s20  }
0x9e: {  	_ =	swait.ge [sflag:s22], s20  }
0x9f: {  	s3 =	ssub.s32 $0x0, s20;
	[sflag:s22] =	ssyncset.done $0x0  }
0xa0: {  	[sflag:s22] =	ssyncadd.s32 s3;
	_ =	sdelay $0x1  }
0xa1: {  	s23 =	simm.s32 $0x1B8B  }
0xa2: {  	_ =	swait.ge [sflag:s23], $0x1  }
0xa3: {  	[sflag:s23] =	ssyncset.done $0x0  }
0xa4: {  	s25 =	simm.s32 $0x1B8E;
	s24 =	sld [smem:$0x3FFE];
	[sflag:s23] =	ssyncadd.s32 $0xFFFFFFFF  }
0xa5: {  	s26 =	simm.s32 $execute0_lowered;
	[smem:$0x3FD2] =	sst s25  }
0xa6: {  	s4 =	sshll.u32 s26, $0x1;
	_ =	strace $0x8000004C;
	[dreg:$0x1] =	wrdreg $0xFFFFFFFF  }
0xa7: {  	s28 =	simm.s32 $_size_execute0_lowered;
	s2 =	sadd.s32 s2, s4;
	[dreg:$0x0] =	wrdreg $0x0  }
0xa8: {  	s4 =	sshll.u32 s28, $0x1;
	[dreg:$0x2] =	wrdreg s2  }
0xa9: {  	[dreg:$0x3] =	wrdreg s4  }
0xaa: {  	[dreg:$0x4] =	wrdreg $0xC0  }
0xab: {  	_ =	task [dreg:s6], $0x5FFFF  }
0xac: {  	[dreg:$0x1] =	wrdreg $0xFFFFFFFF  }
0xad: {  	[dreg:$0x0] =	wrdreg $0x60  }
0xae: {  	[dreg:$0x2] =	wrdreg s24  }
0xaf: {  	[dreg:$0x3] =	wrdreg $0x155400  }
0xb0: {  	[dreg:$0x4] =	wrdreg $0xB7400  }
0xb1: {  	[dreg:$0x5] =	wrdreg $0x9  }
0xb2: {  	_ =	task.clear_ibuf [dreg:s6], $0x6FFFF;
	_ =	strace $0x9000004C  }
0xb3: {  	s29 =	simm.s32 $0x9;
	_ =	strace $0x8000004E  }
0xb4: {  	_ =	swait.ge [sflag:s29], $0x1  }
0xb5: {  	[sflag:s29] =	ssyncadd.s32 $0xFFFFFFFF  }
0xb6: {  	_ =	strace $0x9000004E  }
0xb7: {  	_ =	sfence  }
0xb8: {  	s30 =	sld [smem:$0x0];
	_ =	sdelay $0x2  }
0xb9: {  	s31 =	sshll.u32 s1, $0xD;
	s1 =	sshrl.u32 s1, $0x2  }
0xba: {  	s3 =	sand.u32 $0x4000, s31;
	s1 =	sadd.s32 s1, s30  }
0xbb: {  	s0 =	sor.u32 s3, s0;
	s1 =	sshll.u32 s1, $0x11  }
0xbc: {  	s0 =	sor.u32 s1, s0  }
0xbd: {  	s0 =	sadd.s32 $0x8F2B, s0  }
0xbe: {  	[sflag:s0] =	ssyncadd.remote.s32 $0x1  }
0xbf: {  	_ =	sfence.sel $0xFFFF  }
0xc0: {  	[dreg:$0x0] =	wrdreg $0xFFFFFFFF;
	(pc) =	sbr.abs _section_cstart, $3  }
0xc1: {  	[dreg:$0x1] =	wrdreg $0xFFFFFFFF  }
0xc2: {  	_ =	task.clear_ibuf [dreg:s6], $0x2FFFF;
	_ =	strace $0x9FFFFFFF  }
0xc3: {  	(tm) =	ssettm $0x7FFFFFFF  }
tec
execute0_lowered:
.L_overlay_start_1:
0x0: {  	(tag) =	ssettag $0x1  }
0x1: {  	s0 =	rddreg [dreg:$0x0]  }
0x2: {  	s1 =	rddreg [dreg:$0x1]  }
0x3: {  	s2 =	rddreg [dreg:$0x2];
	s3 =	srdreg.scid  }
0x4: {  	s4 =	simm.s32 $0x0;
	s14 =	simm.s32 $0xB540;
	s15 =	simm.s32 $0x5  }
0x5: {  	s19 =	simm.s32 $0x64;
	s20 =	simm.s32 $0x5140;
	s22 =	simm.s32 $0x6A40  }
0x6: {  	s29 =	simm.s32 $0x9C40;
	s30 =	simm.s32 $0x1;
	s31 =	simm.s32 $0x2  }
0x7: {  	s18 =	simm.s32 $0x5070;
	s21 =	simm.s32 $0x50D8;
	s23 =	simm.s32 $0x0  }
0x8: {  	s6 =	sand.u32 $0x1, s3;
	s3 =	stileid.u32;
	[smem:$0x7FF] =	sst s4  }
0x9: {  	s12 =	sadd.s32 $0x34600, s0;
	s17 =	sadd.s32 $0x94200, s2;
	s7 =	smul.u32 $0x9E00, s3  }
0xa: {  	s5 =	sshll.u32 s6, $0x4;
	_ =	strace $0x8000004D;
	s10 =	smul.u32 $0x27800, s3  }
0xb: {  	s9 =	ssub.s32 $0x2, s6;
	s6 =	smul.u32 $0x9C400, s6;
	p0 =	seq.s32 s3, $0xF  }
0xc: {  	s28 =	sshrl.u32 s17, $0x3;
	s17 =	simm.s32 $0x4;
	s5 =	sor.u32 s3, s5  }
0xd: {  	s24 =	sshrl.u32 s9, $0x1;
	[dreg:$0x6] =	wrdreg s28;
	s5 =	smul.u32 $0x514, s5  }
0xe: {  	s8 =	sshrl.u32 s7, $0x3;
	s13 =	ssub.s32 s9, s24;
	s25 =	sshrl.u32 s10, $0x2  }
0xf: {  	s16 =	sadd.s32 s7, s2;
	s26 =	sadd.s32 s7, s6;
	s6 =	sshrl.u32 s6, $0x3  }
0x10: {  	s8 =	sadd.s32 s8, s0;
	s6 =	sadd.s32 s12, s6;
	s13 =	smax.u32 s13, $0x1  }
0x11: {  	s11 =	sadd.s32 s5, s0;
	s5 =	sadd.s32 s25, s1;
	s8 =	sadd.s32 $0x20C00, s8  }
0x12: {  	s0 =	sadd.s32 $0x33440, s0;
	s25 =	sshrl.u32 s16, $0x3;
	[dreg:$0x4] =	wrdreg s8  }
0x13: {  	[dreg:$0x5] =	wrdreg s0;
	s8 =	sadd.s32 $0x16800, s11;
	s9 =	sadd.s32 $0xC400, s11  }
0x14: {  	s0 =	sshrl.u32 s26, $0x3;
	s11 =	sadd.s32 $0x12840, s6;
	s26 =	simm.s32 $0x8340  }
0x15: {  	s10 =	sadd.s32 s12, s0;
	s0 =	sadd.s32 s7, s1;
	s12 =	sadd.s32 $0x94200, s1  }
0x16: {  	v0 =	vimm.f32 $0.0e+00;
	s7 =	simm.s32 $0x5008;
	s24 =	sshrl.u32 @!p0 s0, $0x3;
	s0 =	simm.s32 $0x3  }
.LBB2_1:
0x17: {  	[tilespmem:$0xB540] =	vst v0  }
0x18: {  	[tilespmem:$0xB550] =	vst v0  }
0x19: {  	[tilespmem:$0xB560] =	vst v0  }
0x1a: {  	[tilespmem:$0xB570] =	vst v0  }
0x1b: {  	[tilespmem:$0xB580] =	vst v0  }
0x1c: {  	[tilespmem:$0xB590] =	vst v0  }
0x1d: {  	[tilespmem:$0xB5A0] =	vst v0  }
0x1e: {  	[tilespmem:$0xB5B0] =	vst v0  }
0x1f: {  	[tilespmem:$0xB5C0] =	vst v0  }
0x20: {  	[tilespmem:$0xB5D0] =	vst v0  }
0x21: {  	[tilespmem:$0xB5E0] =	vst v0  }
0x22: {  	[tilespmem:$0xB5F0] =	vst v0  }
0x23: {  	[tilespmem:$0xB600] =	vst v0  }
0x24: {  	[tilespmem:$0xB610] =	vst v0  }
0x25: {  	[tilespmem:$0xB620] =	vst v0  }
0x26: {  	[tilespmem:$0xB630] =	vst v0  }
0x27: {  	[tilespmem:$0xB640] =	vst v0  }
0x28: {  	[tilespmem:$0xB650] =	vst v0  }
0x29: {  	[tilespmem:$0xB660] =	vst v0  }
0x2a: {  	[tilespmem:$0xB670] =	vst v0  }
0x2b: {  	[tilespmem:$0xB680] =	vst v0  }
0x2c: {  	[tilespmem:$0xB690] =	vst v0  }
0x2d: {  	[tilespmem:$0xB6A0] =	vst v0  }
0x2e: {  	[tilespmem:$0xB6B0] =	vst v0  }
0x2f: {  	[tilespmem:$0xB6C0] =	vst v0  }
0x30: {  	[tilespmem:$0xB6D0] =	vst v0  }
0x31: {  	[tilespmem:$0xB6E0] =	vst v0  }
.Ltmp0:
0x32: {  	[tilespmem:$0xB6F0] =	vst v0;
	(pc) =	sbr.rel @!p0 .LBB2_2-.Ltmp0, $4  }
0x33: {  	[tilespmem:$0xB700] =	vst v0  }
0x34: {  	[tilespmem:$0xB710] =	vst v0  }
0x35: {  	[tilespmem:$0xB720] =	vst v0  }
0x36: {  	[tilespmem:$0xB730] =	vst v0;
	s16 =	sshra.s32 s4, $0x2  }
0x37: {  	s16 =	sadd.s32 s16, s12  }
0x38: {  	[spmem:s16] =	stream.linear.scatter [tilespmem:s14], [sflag:$0x5], $0x200, $0x38;
	[tilespmem:$0x1F180] =	vst v63  }
0x39: {  	s16 =	sadd.s32 $0x800, s4;
	_ =	swait.ge [sflag:s15], $0x200  }
.LBB2_6:
0x3a: {  	s28 =	sshra.s32 s16, $0x2;
	[sflag:s15] =	ssyncset.done $0x0;
	p1 =	sne.s32 s16, $0x20000  }
.Ltmp1:
0x3b: {  	s28 =	sadd.s32 s28, s12;
	[sflag:s15] =	ssyncadd.s32 $0xFFFFFE00;
	(pc) =	sbr.rel @p1 .LBB2_6-.Ltmp1, $3  }
0x3c: {  	[spmem:s28] =	stream.linear.scatter [tilespmem:s14], [sflag:$0x5], $0x200, $0x38;
	[tilespmem:$0x1F180] =	vst v63  }
0x3d: {  	s16 =	sadd.s32 $0x800, s16;
	_ =	sdelay $0x1  }
0x3e: {  	_ =	swait.ge [sflag:s15], $0x200  }
0x3f: {  	s6 =	rddreg [dreg:$0x5]  }
0x40: {  	[sflag:s15] =	ssyncset.done $0x0;
	s16 =	rddreg [dreg:$0x6]  }
.Ltmp2:
0x41: {  	s28 =	simm.s32 $0x1FC5;
	[sflag:s15] =	ssyncadd.s32 $0xFFFFFE00;
	(pc) =	sbr.rel .LBB2_8-.Ltmp2, $4  }
0x42: {  	[spmem:s16], [sflag:s28] =	dma.local [hbm:s6], $0x1040  }
0x43: {  	_ =	swait.ge [sflag:s15], $0x1040  }
0x44: {  	[sflag:s15] =	ssyncset.done $0x0  }
0x45: {  	[sflag:s15] =	ssyncadd.s32 $0xFFFFEFC0  }
.LBB2_2:
0x46: {  	s16 =	sadd.s32 s16, s5  }
0x47: {  	[spmem:s16] =	stream.linear.scatter [tilespmem:s14], [sflag:$0x5], $0x200, $0x38;
	[tilespmem:$0x1F180] =	vst v63  }
0x48: {  	s16 =	sadd.s32 $0x800, s4;
	_ =	swait.ge [sflag:s15], $0x200  }
.LBB2_3:
0x49: {  	s28 =	sshra.s32 s16, $0x2;
	[sflag:s15] =	ssyncset.done $0x0;
	p1 =	seq.s32 s16, $0x27000  }
.Ltmp3:
0x4a: {  	s28 =	sadd.s32 s28, s5;
	[sflag:s15] =	ssyncadd.s32 $0xFFFFFE00;
	(pc) =	sbr.rel @!p1 .LBB2_3-.Ltmp3, $3  }
0x4b: {  	[spmem:s28] =	stream.linear.scatter [tilespmem:s14], [sflag:$0x5], $0x200, $0x38;
	[tilespmem:$0x1F180] =	vst v63  }
0x4c: {  	s16 =	sadd.s32 $0x800, s16;
	_ =	sdelay $0x1  }
0x4d: {  	_ =	swait.ge [sflag:s15], $0x200  }
0x4e: {  	[sflag:s15] =	ssyncset.done $0x0;
	s16 =	sshll.u32 s3, $0x6  }
0x4f: {  	s6 =	rddreg [dreg:$0x4];
	[sflag:s15] =	ssyncadd.s32 $0xFFFFFE00;
	s16 =	sor.u32 $0x1C05, s16  }
0x50: {  	[spmem:s25], [sflag:s16] =	dma.local [hbm:s6], $0x13C0  }
0x51: {  	_ =	swait.ge [sflag:s15], $0x13C0  }
0x52: {  	[sflag:s15] =	ssyncset.done $0x0  }
0x53: {  	[sflag:s15] =	ssyncadd.s32 $0xFFFFEC40  }
.LBB2_8:
0x54: {  	s16 =	simm.s32 $0x0  }
0x55: {  	[tilespmem:s16], [sflag:$0x5] =	stream.linear.gather [hbm4b:s8+s16], $0x28A0, $0x38;
	[tilespmem:$0x1F180] =	vst v63  }
0x56: {  	_ =	swait.ge [sflag:s15], $0x28A0  }
0x57: {  	[sflag:s15] =	ssyncset.done $0x0  }
0x58: {  	s6 =	simm.s32 $0x28A0;
	[sflag:s15] =	ssyncadd.s32 $0xFFFFD760  }
0x59: {  	[tilespmem:s6], [sflag:$0x5] =	stream.linear.gather [hbm4b:s9+s16], $0x28A0, $0x38;
	[tilespmem:$0x1F180] =	vst v63  }
0x5a: {  	_ =	swait.ge [sflag:s15], $0x28A0  }
0x5b: {  	[sflag:s15] =	ssyncset.done $0x0  }
0x5c: {  	[sflag:s15] =	ssyncadd.s32 $0xFFFFD760  }
0x5d: {  	[bflag:$0x0] =	sbarrier.arrive $0xFFFF  }
0x5e: {  	[tilespmem:s20], [sflag:$0x1] =	stream.indirect.gather [spmem:s2], $0x40, s16, s19, $0xb8;
	[tilespmem:$0x1F180] =	vst v63  }
0x5f: {  	s16 =	simm.s32 $0x68  }
0x60: {  	[tilespmem:s22], [sflag:$0x2] =	stream.indirect.gather [spmem:s2], $0x40, s16, s19, $0xb8;
	[tilespmem:$0x1F180] =	vst v63  }
0x61: {  	s16 =	simm.s32 $0xD0  }
0x62: {  	[tilespmem:s26], [sflag:$0x3] =	stream.indirect.gather [spmem:s2], $0x40, s16, s19, $0xb8;
	[tilespmem:$0x1F180] =	vst v63  }
0x63: {  	s16 =	simm.s32 $0x138  }
0x64: {  	[tilespmem:s29], [sflag:$0x4] =	stream.indirect.gather [spmem:s2], $0x40, s16, s19, $0xb8;
	[tilespmem:$0x1F180] =	vst v63  }
0x65: {  	_ =	swait.ge [sflag:s30], $0x1900  }
0x66: {  	[sflag:s30] =	ssyncset.done $0x0  }
0x67: {  	s6 =	simm.s32 $0x28A0;
	[sflag:s30] =	ssyncadd.s32 $0xFFFFE700  }
0x68: {  	[spmem:s1] =	stream.indirect.scatter.add.f32 [tilespmem:s20], [sflag:$0x5], $0x40, s6, s19, $0xb8;
	[tilespmem:$0x1F180] =	vst v63  }
0x69: {  	_ =	swait.ge [sflag:s15], $0x1900  }
0x6a: {  	[sflag:s15] =	ssyncset.done $0x0  }
0x6b: {  	s6 =	simm.s32 $0x1A0;
	[sflag:s15] =	ssyncadd.s32 $0xFFFFE700  }
0x6c: {  	[tilespmem:s20], [sflag:$0x1] =	stream.indirect.gather [spmem:s2], $0x40, s6, s19, $0xb8;
	[tilespmem:$0x1F180] =	vst v63  }
0x6d: {  	_ =	swait.ge [sflag:s31], $0x1900  }
0x6e: {  	[sflag:s31] =	ssyncset.done $0x0  }
0x6f: {  	s6 =	simm.s32 $0x2908;
	[sflag:s31] =	ssyncadd.s32 $0xFFFFE700  }
0x70: {  	[spmem:s1] =	stream.indirect.scatter.add.f32 [tilespmem:s22], [sflag:$0x5], $0x40, s6, s19, $0xb8;
	[tilespmem:$0x1F180] =	vst v63  }
0x71: {  	_ =	swait.ge [sflag:s15], $0x1900  }
0x72: {  	[sflag:s15] =	ssyncset.done $0x0  }
0x73: {  	s6 =	simm.s32 $0x208;
	[sflag:s15] =	ssyncadd.s32 $0xFFFFE700  }
0x74: {  	[tilespmem:s22], [sflag:$0x2] =	stream.indirect.gather [spmem:s2], $0x40, s6, s19, $0xb8;
	[tilespmem:$0x1F180] =	vst v63  }
0x75: {  	_ =	swait.ge [sflag:s0], $0x1900  }
0x76: {  	[sflag:s0] =	ssyncset.done $0x0  }
0x77: {  	s6 =	simm.s32 $0x2970;
	[sflag:s0] =	ssyncadd.s32 $0xFFFFE700  }
0x78: {  	[spmem:s1] =	stream.indirect.scatter.add.f32 [tilespmem:s26], [sflag:$0x5], $0x40, s6, s19, $0xb8;
	[tilespmem:$0x1F180] =	vst v63  }
0x79: {  	_ =	swait.ge [sflag:s15], $0x1900  }
0x7a: {  	[sflag:s15] =	ssyncset.done $0x0  }
0x7b: {  	s6 =	simm.s32 $0x270;
	[sflag:s15] =	ssyncadd.s32 $0xFFFFE700  }
0x7c: {  	[tilespmem:s26], [sflag:$0x3] =	stream.indirect.gather [spmem:s2], $0x40, s6, s19, $0xb8;
	[tilespmem:$0x1F180] =	vst v63  }
0x7d: {  	_ =	swait.ge [sflag:s17], $0x1900  }
0x7e: {  	[sflag:s17] =	ssyncset.done $0x0  }
0x7f: {  	s6 =	simm.s32 $0x29D8;
	[sflag:s17] =	ssyncadd.s32 $0xFFFFE700  }
0x80: {  	[spmem:s1] =	stream.indirect.scatter.add.f32 [tilespmem:s29], [sflag:$0x5], $0x40, s6, s19, $0xb8;
	[tilespmem:$0x1F180] =	vst v63  }
0x81: {  	_ =	swait.ge [sflag:s15], $0x1900  }
0x82: {  	[sflag:s15] =	ssyncset.done $0x0  }
0x83: {  	s28 =	simm.s32 $0x2D8;
	s16 =	simm.s32 $0x680;
	[sflag:s15] =	ssyncadd.s32 $0xFFFFE700  }
.LBB2_9:
0x84: {  	[tilespmem:s29], [sflag:$0x4] =	stream.indirect.gather [spmem:s2], $0x40, s28, s19, $0xb8;
	[tilespmem:$0x1F180] =	vst v63  }
0x85: {  	s28 =	smov.u32 s16  }
0x86: {  	p1 =	sne.s32 s16, $0x9580;
	s16 =	sadd.s32 $0x680, s16;
	_ =	swait.ge [sflag:s30], $0x1900  }
0x87: {  	s28 =	sshra.s32 s28, $0x2;
	[sflag:s30] =	ssyncset.done $0x0  }
0x88: {  	s6 =	sadd.s32 $0x28A0, s28;
	[sflag:s30] =	ssyncadd.s32 $0xFFFFE700  }
0x89: {  	[spmem:s1] =	stream.indirect.scatter.add.f32 [tilespmem:s20], [sflag:$0x5], $0x40, s6, s19, $0xb8;
	[tilespmem:$0x1F180] =	vst v63  }
0x8a: {  	_ =	swait.ge [sflag:s15], $0x1900  }
0x8b: {  	[sflag:s15] =	ssyncset.done $0x0  }
0x8c: {  	s6 =	sadd.s32 $0x1A0, s28;
	[sflag:s15] =	ssyncadd.s32 $0xFFFFE700  }
0x8d: {  	[tilespmem:s20], [sflag:$0x1] =	stream.indirect.gather [spmem:s2], $0x40, s6, s19, $0xb8;
	[tilespmem:$0x1F180] =	vst v63  }
0x8e: {  	_ =	swait.ge [sflag:s31], $0x1900  }
0x8f: {  	[sflag:s31] =	ssyncset.done $0x0  }
0x90: {  	s6 =	sadd.s32 $0x2908, s28;
	[sflag:s31] =	ssyncadd.s32 $0xFFFFE700  }
0x91: {  	[spmem:s1] =	stream.indirect.scatter.add.f32 [tilespmem:s22], [sflag:$0x5], $0x40, s6, s19, $0xb8;
	[tilespmem:$0x1F180] =	vst v63  }
0x92: {  	_ =	swait.ge [sflag:s15], $0x1900  }
0x93: {  	[sflag:s15] =	ssyncset.done $0x0  }
0x94: {  	s6 =	sadd.s32 $0x208, s28;
	[sflag:s15] =	ssyncadd.s32 $0xFFFFE700  }
0x95: {  	[tilespmem:s22], [sflag:$0x2] =	stream.indirect.gather [spmem:s2], $0x40, s6, s19, $0xb8;
	[tilespmem:$0x1F180] =	vst v63  }
0x96: {  	_ =	swait.ge [sflag:s0], $0x1900  }
0x97: {  	[sflag:s0] =	ssyncset.done $0x0  }
0x98: {  	s6 =	sadd.s32 $0x2970, s28;
	[sflag:s0] =	ssyncadd.s32 $0xFFFFE700  }
0x99: {  	[spmem:s1] =	stream.indirect.scatter.add.f32 [tilespmem:s26], [sflag:$0x5], $0x40, s6, s19, $0xb8;
	[tilespmem:$0x1F180] =	vst v63  }
0x9a: {  	_ =	swait.ge [sflag:s15], $0x1900  }
0x9b: {  	[sflag:s15] =	ssyncset.done $0x0  }
0x9c: {  	s6 =	sadd.s32 $0x270, s28;
	[sflag:s15] =	ssyncadd.s32 $0xFFFFE700  }
0x9d: {  	[tilespmem:s26], [sflag:$0x3] =	stream.indirect.gather [spmem:s2], $0x40, s6, s19, $0xb8;
	[tilespmem:$0x1F180] =	vst v63  }
0x9e: {  	_ =	swait.ge [sflag:s17], $0x1900  }
0x9f: {  	[sflag:s17] =	ssyncset.done $0x0  }
.Ltmp4:
0xa0: {  	s6 =	sadd.s32 $0x29D8, s28;
	[sflag:s17] =	ssyncadd.s32 $0xFFFFE700;
	(pc) =	sbr.rel @p1 .LBB2_9-.Ltmp4, $4  }
0xa1: {  	[spmem:s1] =	stream.indirect.scatter.add.f32 [tilespmem:s29], [sflag:$0x5], $0x40, s6, s19, $0xb8;
	[tilespmem:$0x1F180] =	vst v63  }
0xa2: {  	_ =	swait.ge [sflag:s15], $0x1900  }
0xa3: {  	[sflag:s15] =	ssyncset.done $0x0  }
0xa4: {  	s28 =	sadd.s32 $0x2D8, s28;
	[sflag:s15] =	ssyncadd.s32 $0xFFFFE700  }
0xa5: {  	[tilespmem:s29], [sflag:$0x4] =	stream.indirect.gather [spmem:s2], $0x40, s28, s19, $0xb8;
	[tilespmem:$0x1F180] =	vst v63  }
0xa6: {  	_ =	swait.ge [sflag:s30], $0x1900  }
0xa7: {  	[sflag:s30] =	ssyncset.done $0x0  }
0xa8: {  	s6 =	simm.s32 $0x4FA0;
	[sflag:s30] =	ssyncadd.s32 $0xFFFFE700  }
0xa9: {  	[spmem:s1] =	stream.indirect.scatter.add.f32 [tilespmem:s20], [sflag:$0x5], $0x40, s6, s19, $0xb8;
	[tilespmem:$0x1F180] =	vst v63  }
0xaa: {  	_ =	swait.ge [sflag:s15], $0x1900  }
0xab: {  	[sflag:s15] =	ssyncset.done $0x0  }
0xac: {  	[sflag:s15] =	ssyncadd.s32 $0xFFFFE700  }
0xad: {  	_ =	swait.ge [sflag:s31], $0x1900  }
0xae: {  	[sflag:s31] =	ssyncset.done $0x0  }
0xaf: {  	[sflag:s31] =	ssyncadd.s32 $0xFFFFE700  }
0xb0: {  	[spmem:s1] =	stream.indirect.scatter.add.f32 [tilespmem:s22], [sflag:$0x5], $0x40, s7, s19, $0xb8;
	[tilespmem:$0x1F180] =	vst v63  }
0xb1: {  	_ =	swait.ge [sflag:s15], $0x1900  }
0xb2: {  	[sflag:s15] =	ssyncset.done $0x0  }
0xb3: {  	[sflag:s15] =	ssyncadd.s32 $0xFFFFE700  }
0xb4: {  	_ =	swait.ge [sflag:s0], $0x1900  }
0xb5: {  	[sflag:s0] =	ssyncset.done $0x0  }
0xb6: {  	[sflag:s0] =	ssyncadd.s32 $0xFFFFE700  }
0xb7: {  	[spmem:s1] =	stream.indirect.scatter.add.f32 [tilespmem:s26], [sflag:$0x5], $0x40, s18, s19, $0xb8;
	[tilespmem:$0x1F180] =	vst v63  }
0xb8: {  	_ =	swait.ge [sflag:s15], $0x1900  }
0xb9: {  	[sflag:s15] =	ssyncset.done $0x0  }
0xba: {  	[sflag:s15] =	ssyncadd.s32 $0xFFFFE700  }
0xbb: {  	_ =	swait.ge [sflag:s17], $0x1900  }
0xbc: {  	[sflag:s17] =	ssyncset.done $0x0  }
0xbd: {  	[sflag:s17] =	ssyncadd.s32 $0xFFFFE700  }
0xbe: {  	[spmem:s1] =	stream.indirect.scatter.add.f32 [tilespmem:s29], [sflag:$0x5], $0x40, s21, s19, $0xb8;
	[tilespmem:$0x1F180] =	vst v63  }
0xbf: {  	_ =	swait.ge [sflag:s15], $0x1900  }
0xc0: {  	[sflag:s15] =	ssyncset.done $0x0  }
0xc1: {  	[sflag:s15] =	ssyncadd.s32 $0xFFFFE700  }
0xc2: {  	s16 =	simm.s32 @p0 $0x1FC5;
	s6 =	sshrl.u32 @p0 s12, $0x3;
	[bflag:$0x0] =	sbarrier.arrive $0xFFFF  }
0xc3: {  	[hbm:s11], [sflag:s16] =	dma.local @p0 [spmem:s6], $0x1040  }
0xc4: {  	s6 =	simm.s32 @p0 $0x5  }
0xc5: {  	_ =	swait.ge @p0 [sflag:s6], $0x1040  }
0xc6: {  	s23 =	sadd.s32 $0x1, s23;
	s16 =	sshll.u32 @!p0 s3, $0x6;
	[sflag:s6] =	ssyncset.done @p0 $0x0  }
0xc7: {  	p1 =	sne.s32 s23, s13;
	[sflag:s6] =	ssyncadd.s32 @p0 $0xFFFFEFC0;
	s6 =	sor.u32 @!p0 $0x1C05, s16  }
0xc8: {  	[hbm:s10], [sflag:s6] =	dma.local @!p0 [spmem:s24], $0x13C0  }
.Ltmp5:
0xc9: {  	_ = 	snop;
	(pc) =	sbr.rel @p1 .LBB2_1-.Ltmp5, $4  }
0xca: {  	s6 =	simm.s32 @!p0 $0x5  }
0xcb: {  	_ =	swait.ge @!p0 [sflag:s6], $0x13C0  }
0xcc: {  	[sflag:s6] =	ssyncset.done @!p0 $0x0  }
0xcd: {  	[sflag:s6] =	ssyncadd.s32 @!p0 $0xFFFFEC40  }
0xce: {  	_ =	sfence.sel $0x180000  }
0xcf: {  	[bflag:$0x0] =	sbarrier.arrive $0xFFFF  }
0xd0: {  	_ =	strace $0x9000004D  }
0xd1: {  	[bflag:$0x2] =	sbarrier.arrive $0xFFFF  }
0xd2: {  	p0 =	sne.s32 s3, $0x0;
	s0 =	rddreg [dreg:$0x3]  }
0xd3: {  	s0 =	sadd.s32 @!p0 $0x100000, s0  }
0xd4: {  	[sflag:s0] =	ssyncadd.tile.s32 @!p0 $0x1;
	_ =	shalt  }
.Lfunc_end2:
_tile_overlayer_lowered:
.L_overlay_start_2:
0xd5: {  	(tag) =	ssettag $0x2  }
0xd6: {  	s0 =	rddreg [dreg:$0x0];
	s2 =	stileid.u32  }
0xd7: {  	s1 =	rddreg [dreg:$0x1];
	p0 =	sne.s32 s2, $0x0  }
0xd8: {  	s3 =	rddreg [dreg:$0x2];
	[bflag:$0x3] =	sbarrier.arrive $0xFFFF;
	s2 =	simm.s32 @!p0 $0x1C05  }
0xd9: {  	[timem:s3], [sflag:s2] =	dma.local @!p0 [hbm:s0], s1  }
0xda: {  	s0 =	simm.s32 @!p0 $0x5  }
0xdb: {  	_ =	swait.ge @!p0 [sflag:s0], s1  }
0xdc: {  	s1 =	ssub.s32 @!p0 $0x0, s1;
	[sflag:s0] =	ssyncset.done @!p0 $0x0  }
0xdd: {  	[sflag:s0] =	ssyncadd.s32 @!p0 s1  }
0xde: {  	[bflag:$0x3] =	sbarrier.arrive $0xFFFF  }
0xdf: {  	_ =	shalt  }

// kernel: kernel.9.cloned.1.call-start
scs
__scs_entry_jumppad:
0x0: {  	(pc) =	sbr.rel $0x88, $3  }
0x1: {  	(tag) =	ssettag $0x0;
	lr =	simm.s32 $0x1  }
0x2: {  	[smem:$0x3F98] =	sst lr;
	_ =	strace $0xD0000000  }
0x3: {  	_ = 	snop  }
0x4: {  	_ = 	snop  }
0x5: {  	_ = 	snop  }
0x6: {  	_ = 	snop  }
0x7: {  	_ = 	snop  }
__scs_overlays_trampoline_lowered:
0x8: {  	[smem:$0x3FA7] =	sst s0  }
0x9: {  	[smem:$0x3FA8] =	sst s1  }
0xa: {  	[smem:$0x3FA9] =	sst s2  }
0xb: {  	[smem:$0x3FAA] =	sst s3  }
0xc: {  	[smem:$0x3FAB] =	sst s4  }
0xd: {  	[smem:$0x3FAC] =	sst s5  }
0xe: {  	[smem:$0x3FAD] =	sst s6  }
0xf: {  	[smem:$0x3FAE] =	sst s7  }
0x10: {  	[smem:$0x3FAF] =	sst s8  }
0x11: {  	[smem:$0x3FB0] =	sst s9;
	s0 =	simm.s32 @!p0 $0x0  }
0x12: {  	s1 =	sld [smem:$0x3F96];
	s0 =	simm.s32 @p0 $0x1  }
0x13: {  	[smem:$0x3FB1] =	sst s0;
	s0 =	simm.s32 @!p1 $0x0  }
0x14: {  	s2 =	sld [smem:$0x3F95];
	s0 =	simm.s32 @p1 $0x1  }
0x15: {  	[smem:$0x3FB2] =	sst s0;
	s0 =	simm.s32 @!p2 $0x0  }
0x16: {  	s3 =	sld [smem:$0x3FDB];
	s0 =	simm.s32 @p2 $0x1  }
0x17: {  	s4 =	simm.s32 $0x1BF5;
	[smem:$0x3FB4] =	sst s0  }
0x18: {  	s0 =	sld [smem:$0x3F97];
	_ =	swait.ge [sflag:s4], $0x0  }
0x19: {  	s7 =	sld [smem:$0x3F98]  }
0x1a: {  	s8 =	sadd.s32 $0xFFFFE003, lr  }
0x1b: {  	s9 =	sadd.s32 $0xFFFFFEF7, lr;
	s5 =	simm.s32 $0xFFFFFFFF;
	p2 =	slt.u32 s8, $0xFFFFF086  }
0x1c: {  	p1 =	slt.u32 s9, $0xF7A;
	s5 =	simm.s32 @!p2 $0x0  }
0x1d: {  	s5 =	simm.s32 @p1 $0x1;
	p0 =	seq.s32 s7, s2  }
0x1e: {  	s7 =	smul.u32 @!p0 $0xF7A, s2;
	p2 =	seq.s32 @!p0 s5, $0x0  }
0x1f: {  	s9 =	smul.u32 $0xF7A, s1;
	s8 =	simm.s32 @!p0 $0x1BF5;
	p2 =	por !p2, p0  }
0x20: {  	[sflag:s8] =	ssyncset.s32 @!p0 $0xFFFFF086;
	s6 =	sadd.s32 @!p0 s3, s7;
	s7 =	simm.s32 @!p0 $0x108  }
0x21: {  	s3 =	sadd.s32 s3, s9;
	s6 =	sadd.s32 @!p0 $0x88, s6;
	s7 =	simm.s32 @p2 $0x1082  }
0x22: {  	[simem:s7], [sflag:s8] =	dma.local @!p0 [hbm:s6], $0xF7A  }
0x23: {  	s9 =	sor.u32 $0xD0000000, s2;
	s6 =	simm.s32 $0x108;
	_ =	swait.ge @!p0 [sflag:s8], $0x0  }
0x24: {  	s3 =	sadd.s32 $0x88, s3;
	s6 =	simm.s32 @!p1 $0x1082;
	[sflag:s4] =	ssyncset.s32 $0xFFFFF086  }
0x25: {  	[simem:s6], [sflag:s4] =	dma.local [hbm:s3], $0xF7A  }
0x26: {  	[smem:$0x3F98] =	sst s1;
	(tag) =	ssettag s2;
	_ =	strace s9  }
0x27: {  	s1 =	sld [smem:$0x3FA8]  }
0x28: {  	s2 =	sld [smem:$0x3FA9]  }
0x29: {  	s4 =	sld [smem:$0x3FAB]  }
0x2a: {  	p0 =	seq.s32 s5, $0x0;
	s5 =	sld [smem:$0x3FAC]  }
0x2b: {  	s6 =	sld [smem:$0x3FAD]  }
0x2c: {  	s7 =	sld [smem:$0x3FAE]  }
0x2d: {  	s3 =	simm.s32 $0x108;
	s8 =	sld [smem:$0x3FAF]  }
0x2e: {  	s3 =	simm.s32 @!p0 $0x1082;
	s9 =	sld [smem:$0x3FB0]  }
0x2f: {  	lr =	sadd.s32 s0, s3;
	s0 =	sld [smem:$0x3FA7]  }
0x30: {  	s3 =	sld [smem:$0x3FAA]  }
0x31: {  	[smem:$0x3FB3] =	sst s10  }
0x32: {  	s10 =	sld [smem:$0x3FB1];
	_ =	sdelay $0x3  }
0x33: {  	p0 =	seq.s32 s10, $0x1;
	s10 =	sld [smem:$0x3FB3];
	_ =	sdelay $0x3  }
0x34: {  	[smem:$0x3FB3] =	sst s10  }
0x35: {  	s10 =	sld [smem:$0x3FB2];
	_ =	sdelay $0x3  }
0x36: {  	p1 =	seq.s32 s10, $0x1;
	s10 =	sld [smem:$0x3FB3];
	_ =	sdelay $0x3  }
0x37: {  	[smem:$0x3FB3] =	sst s10  }
0x38: {  	s10 =	sld [smem:$0x3FB4]  }
0x39: {  	_ = 	snop;
	(pc) =	sbr.ind lr, $3  }
0x3a: {  	_ = 	snop  }
0x3b: {  	_ = 	snop  }
0x3c: {  	p2 =	seq.s32 s10, $0x1;
	s10 =	sld [smem:$0x3FB3]  }
0x3d: {  	_ =	shalt  }
0x3e: {  	_ =	shalt  }
0x3f: {  	_ =	shalt  }
0x40: {  	_ =	shalt  }
0x41: {  	_ =	shalt  }
0x42: {  	_ =	shalt  }
0x43: {  	_ =	shalt  }
0x44: {  	_ =	shalt  }
0x45: {  	_ =	shalt  }
0x46: {  	_ =	shalt  }
0x47: {  	_ =	shalt  }
0x48: {  	_ =	shalt  }
0x49: {  	_ =	shalt  }
0x4a: {  	_ =	shalt  }
0x4b: {  	_ =	shalt  }
0x4c: {  	_ =	shalt  }
0x4d: {  	_ =	shalt  }
0x4e: {  	_ =	shalt  }
0x4f: {  	_ =	shalt  }
0x50: {  	_ =	shalt  }
0x51: {  	_ =	shalt  }
0x52: {  	_ =	shalt  }
0x53: {  	_ =	shalt  }
0x54: {  	_ =	shalt  }
0x55: {  	_ =	shalt  }
0x56: {  	_ =	shalt  }
0x57: {  	_ =	shalt  }
0x58: {  	_ =	shalt  }
0x59: {  	_ =	shalt  }
0x5a: {  	_ =	shalt  }
0x5b: {  	_ =	shalt  }
0x5c: {  	_ =	shalt  }
0x5d: {  	_ =	shalt  }
0x5e: {  	_ =	shalt  }
0x5f: {  	_ =	shalt  }
0x60: {  	_ =	shalt  }
0x61: {  	_ =	shalt  }
0x62: {  	_ =	shalt  }
0x63: {  	_ =	shalt  }
0x64: {  	_ =	shalt  }
0x65: {  	_ =	shalt  }
0x66: {  	_ =	shalt  }
0x67: {  	_ =	shalt  }
0x68: {  	_ =	shalt  }
0x69: {  	_ =	shalt  }
0x6a: {  	_ =	shalt  }
0x6b: {  	_ =	shalt  }
0x6c: {  	_ =	shalt  }
0x6d: {  	_ =	shalt  }
0x6e: {  	_ =	shalt  }
0x6f: {  	_ =	shalt  }
0x70: {  	_ =	shalt  }
0x71: {  	_ =	shalt  }
0x72: {  	_ =	shalt  }
0x73: {  	_ =	shalt  }
0x74: {  	_ =	shalt  }
0x75: {  	_ =	shalt  }
0x76: {  	_ =	shalt  }
0x77: {  	_ =	shalt  }
0x78: {  	_ =	shalt  }
0x79: {  	_ =	shalt  }
0x7a: {  	_ =	shalt  }
0x7b: {  	_ =	shalt  }
0x7c: {  	_ =	shalt  }
0x7d: {  	_ =	shalt  }
0x7e: {  	_ =	shalt  }
0x7f: {  	_ =	shalt  }
0x80: {  	_ =	shalt  }
0x81: {  	_ =	shalt  }
0x82: {  	_ =	shalt  }
0x83: {  	_ =	shalt  }
0x84: {  	_ =	shalt  }
0x85: {  	_ =	shalt  }
0x86: {  	_ =	shalt  }
0x87: {  	_ =	shalt  }
.Lfunc_end0:
.L_simem_size_0:
called_computation_lowered:
.L_overlay_start_0:
0x88: {  	s2 =	sld [smem:$0x3FD9]  }
0x89: {  	s3 =	sld [smem:$0x3FFE];
	_ =	sdelay $0x1  }
0x8a: {  	s1 =	srdreg.scid  }
0x8b: {  	s0 =	sand.u32 $0x1, s1  }
0x8c: {  	s16 =	sshll.u32 s0, $0xA;
	s2 =	sadd.s32 s3, s2  }
0x8d: {  	s2 =	sadd.s32 s2, s16  }
0x8e: {  	[smem:$0x3FBF] =	sst s2  }
0x8f: {  	_ = 	snop  }
0x90: {  	(tm) =	ssettm $0x1  }
0x91: {  	s17 =	sld [smem:$0x3FFB];
	_ =	sdelay $0x3  }
0x92: {  	_ =	strace s17  }
0x93: {  	s2 =	sld [smem:$0x3FFC];
	_ =	sdelay $0x3  }
0x94: {  	_ =	strace s2  }
0x95: {  	s2 =	sld [smem:$0x3FFD];
	_ =	sdelay $0x3  }
0x96: {  	_ =	strace s2  }
0x97: {  	_ =	strace $0x8FFFFFFF  }
0x98: {  	s18 =	sld [smem:$0x3FDB];
	_ =	sdelay $0x1  }
0x99: {  	s19 =	simm.s32 $_scs_section_size  }
0x9a: {  	s4 =	simm.s32 $_size__tile_overlayer_lowered;
	s5 =	simm.s32 $_tile_overlayer_lowered  }
0x9b: {  	s22 =	simm.s32 $0x1BFF;
	s21 =	sshll.u32 s5, $0x1;
	s2 =	sadd.s32 s19, s18  }
0x9c: {  	s6 =	simm.s32 $0x0;
	s20 =	sshll.u32 s4, $0x1;
	s4 =	sadd.s32 s21, s2  }
0x9d: {  	[timem:s6], [sflag:s22] =	dma.local [hbm:s4], s20  }
0x9e: {  	_ =	swait.ge [sflag:s22], s20  }
0x9f: {  	s3 =	ssub.s32 $0x0, s20;
	[sflag:s22] =	ssyncset.done $0x0  }
0xa0: {  	[sflag:s22] =	ssyncadd.s32 s3;
	_ =	sdelay $0x1  }
0xa1: {  	s23 =	simm.s32 $0x1B8B  }
0xa2: {  	_ =	swait.ge [sflag:s23], $0x1  }
0xa3: {  	[sflag:s23] =	ssyncset.done $0x0  }
0xa4: {  	s25 =	simm.s32 $0x1B8E;
	s24 =	sld [smem:$0x3FFE];
	[sflag:s23] =	ssyncadd.s32 $0xFFFFFFFF  }
0xa5: {  	s26 =	simm.s32 $execute0_lowered;
	[smem:$0x3FD2] =	sst s25  }
0xa6: {  	s4 =	sshll.u32 s26, $0x1;
	_ =	strace $0x80000046;
	[dreg:$0x1] =	wrdreg $0xFFFFFFFF  }
0xa7: {  	s28 =	simm.s32 $_size_execute0_lowered;
	s2 =	sadd.s32 s2, s4;
	[dreg:$0x0] =	wrdreg $0x0  }
0xa8: {  	s4 =	sshll.u32 s28, $0x1;
	[dreg:$0x2] =	wrdreg s2  }
0xa9: {  	[dreg:$0x3] =	wrdreg s4  }
0xaa: {  	[dreg:$0x4] =	wrdreg $0xC0  }
0xab: {  	_ =	task [dreg:s6], $0x5FFFF  }
0xac: {  	[dreg:$0x1] =	wrdreg $0xFFFFFFFF  }
0xad: {  	[dreg:$0x0] =	wrdreg $0x60  }
0xae: {  	[dreg:$0x2] =	wrdreg s24  }
0xaf: {  	[dreg:$0x3] =	wrdreg $0x54300  }
0xb0: {  	[dreg:$0x4] =	wrdreg $0x9  }
0xb1: {  	_ =	task.clear_ibuf [dreg:s6], $0x5FFFF;
	_ =	strace $0x90000046  }
0xb2: {  	s29 =	simm.s32 $0x9;
	_ =	strace $0x80000048  }
0xb3: {  	_ =	swait.ge [sflag:s29], $0x1  }
0xb4: {  	[sflag:s29] =	ssyncadd.s32 $0xFFFFFFFF  }
0xb5: {  	_ =	strace $0x90000048  }
0xb6: {  	_ =	sfence  }
0xb7: {  	s30 =	sld [smem:$0x0];
	_ =	sdelay $0x2  }
0xb8: {  	s31 =	sshll.u32 s1, $0xD;
	s1 =	sshrl.u32 s1, $0x2  }
0xb9: {  	s3 =	sand.u32 $0x4000, s31;
	s1 =	sadd.s32 s1, s30  }
0xba: {  	s0 =	sor.u32 s3, s0;
	s1 =	sshll.u32 s1, $0x11  }
0xbb: {  	s0 =	sor.u32 s1, s0  }
0xbc: {  	s0 =	sadd.s32 $0x8F2B, s0  }
0xbd: {  	[sflag:s0] =	ssyncadd.remote.s32 $0x1  }
0xbe: {  	_ =	sfence.sel $0xFFFF  }
0xbf: {  	[dreg:$0x0] =	wrdreg $0xFFFFFFFF;
	(pc) =	sbr.abs _section_cstart, $3  }
0xc0: {  	[dreg:$0x1] =	wrdreg $0xFFFFFFFF  }
0xc1: {  	_ =	task.clear_ibuf [dreg:s6], $0x2FFFF;
	_ =	strace $0x9FFFFFFF  }
0xc2: {  	(tm) =	ssettm $0x7FFFFFFF  }
0xc3: {  	_ =	shalt  }
tec
execute0_lowered:
.L_overlay_start_1:
0x0: {  	(tag) =	ssettag $0x1  }
0x1: {  	s1 =	srdreg.scid  }
0x2: {  	s1 =	sand.u32 $0x1, s1  }
0x3: {  	p0 =	seq.s32 s1, $0x1  }
.Ltmp0:
0x4: {  	_ = 	snop;
	(pc) =	sbr.rel @p0 .LBB2_6-.Ltmp0, $4  }
0x5: {  	s2 =	rddreg [dreg:$0x0]  }
0x6: {  	s3 =	rddreg [dreg:$0x1];
	s4 =	simm.s32 $0x0  }
0x7: {  	[smem:$0x7FF] =	sst s4  }
0x8: {  	s0 =	rddreg [dreg:$0x2];
	_ =	strace $0x80000047;
	s1 =	stileid.u32  }
0x9: {  	v0 =	vimm.f32 $1.000000000e+00  }
0xa: {  	[tilespmem:$0x5140] =	vst v0  }
0xb: {  	[tilespmem:$0x5150] =	vst v0  }
0xc: {  	[tilespmem:$0x5160] =	vst v0  }
0xd: {  	[tilespmem:$0x5170] =	vst v0  }
0xe: {  	[tilespmem:$0x5180] =	vst v0  }
0xf: {  	[tilespmem:$0x5190] =	vst v0  }
0x10: {  	v63 =	vimm.f32 $0.0e+00;
	[tilespmem:$0x51A0] =	vst v0  }
0x11: {  	[tilespmem:$0x51B0] =	vst v63  }
0x12: {  	[tilespmem:$0x51C0] =	vst v63  }
0x13: {  	[tilespmem:$0x51D0] =	vst v63  }
0x14: {  	[tilespmem:$0x51E0] =	vst v63  }
0x15: {  	[tilespmem:$0x51F0] =	vst v63  }
0x16: {  	[tilespmem:$0x5200] =	vst v63  }
0x17: {  	[tilespmem:$0x5210] =	vst v63  }
0x18: {  	[tilespmem:$0x5220] =	vst v63  }
0x19: {  	[tilespmem:$0x5230] =	vst v63  }
0x1a: {  	[tilespmem:$0x5240] =	vst v63  }
0x1b: {  	[tilespmem:$0x5250] =	vst v63  }
0x1c: {  	[tilespmem:$0x5260] =	vst v63  }
0x1d: {  	[tilespmem:$0x5270] =	vst v63  }
0x1e: {  	[tilespmem:$0x5280] =	vst v63  }
0x1f: {  	[tilespmem:$0x5290] =	vst v63  }
0x20: {  	[tilespmem:$0x52A0] =	vst v63  }
0x21: {  	[tilespmem:$0x52B0] =	vst v63  }
0x22: {  	[tilespmem:$0x52C0] =	vst v63  }
0x23: {  	[tilespmem:$0x52D0] =	vst v63  }
0x24: {  	[tilespmem:$0x52E0] =	vst v63  }
0x25: {  	[tilespmem:$0x52F0] =	vst v63  }
0x26: {  	[tilespmem:$0x5300] =	vst v63  }
0x27: {  	[tilespmem:$0x5310] =	vst v63  }
0x28: {  	[tilespmem:$0x5320] =	vst v63  }
0x29: {  	[tilespmem:$0x5330] =	vst v63  }
0x2a: {  	[tilespmem:$0x5340] =	vst v63  }
0x2b: {  	[tilespmem:$0x5350] =	vst v63  }
0x2c: {  	[tilespmem:$0x5360] =	vst v63  }
0x2d: {  	[tilespmem:$0x5370] =	vst v63  }
0x2e: {  	[tilespmem:$0x5380] =	vst v63  }
0x2f: {  	[tilespmem:$0x5390] =	vst v63  }
0x30: {  	[tilespmem:$0x53A0] =	vst v63  }
0x31: {  	[tilespmem:$0x53B0] =	vst v63  }
0x32: {  	[tilespmem:$0x53C0] =	vst v63  }
0x33: {  	[tilespmem:$0x53D0] =	vst v63  }
0x34: {  	[tilespmem:$0x53E0] =	vst v63  }
0x35: {  	[tilespmem:$0x53F0] =	vst v63  }
0x36: {  	s8 =	smul.u32 $0x280, s1;
	[tilespmem:$0x5400] =	vst v63  }
0x37: {  	[tilespmem:$0x5410] =	vst v63  }
0x38: {  	s6 =	simm.s32 $0x51B0;
	[tilespmem:$0x5420] =	vst v63;
	s5 =	sadd.s32 s8, s3  }
0x39: {  	[spmem:s5] =	stream.linear.scatter [tilespmem:s6], [sflag:$0x1], $0x280, $0x38;
	[tilespmem:$0x56B0] =	vst v63  }
0x3a: {  	s6 =	simm.s32 $0x1  }
0x3b: {  	s7 =	smul.u32 $0xA28, s1;
	_ =	swait.ge [sflag:s6], $0x280  }
0x3c: {  	s9 =	sadd.s32 $0x1A00, s2;
	[sflag:s6] =	ssyncset.done $0x0  }
0x3d: {  	s7 =	sadd.s32 s9, s7;
	[sflag:s6] =	ssyncadd.s32 $0xFFFFFD80  }
0x3e: {  	[tilespmem:s4], [sflag:$0x1] =	stream.linear.gather [hbm4b:s7+s4], $0x5140, $0x38;
	[tilespmem:$0x56B0] =	vst v63  }
0x3f: {  	_ =	swait.ge [sflag:s6], $0x5140  }
0x40: {  	[sflag:s6] =	ssyncset.done $0x0  }
0x41: {  	s30 =	simm.s32 $0x0;
	s8 =	sshrl.u32 s8, $0x3;
	[sflag:s6] =	ssyncadd.s32 $0xFFFFAEC0  }
0x42: {  	s4 =	simm.s32 $0x64;
	s7 =	simm.s32 $0x5140;
	[bflag:$0x0] =	sbarrier.arrive $0xFFFF  }
0x43: {  	[spmem:s3] =	stream.indirect.scatter.add.f32 [tilespmem:s7], [sflag:$0x1], $0x1, s30, s4, $0xb8;
	[tilespmem:$0x56B0] =	vst v63  }
0x44: {  	s31 =	sadd.s32 s8, s2;
	_ =	swait.ge [sflag:s6], $0x64  }
0x45: {  	s8 =	simm.s32 $0x1A0;
	s2 =	sadd.s32 $0xBE00, s31;
	[sflag:s6] =	ssyncset.done $0x0  }
.LBB2_2:
0x46: {  	s9 =	sshra.s32 s8, $0x2;
	[sflag:s6] =	ssyncadd.s32 $0xFFFFFF9C;
	p0 =	sne.s32 s8, $0x14360  }
0x47: {  	[spmem:s3] =	stream.indirect.scatter.add.f32 [tilespmem:s7], [sflag:$0x1], $0x1, s9, s4, $0xb8;
	[tilespmem:$0x56B0] =	vst v63  }
.Ltmp1:
0x48: {  	_ = 	snop;
	(pc) =	sbr.rel @p0 .LBB2_2-.Ltmp1, $4  }
0x49: {  	_ = 	snop  }
0x4a: {  	s8 =	sadd.s32 $0x1A0, s8  }
0x4b: {  	_ =	swait.ge [sflag:s6], $0x64  }
0x4c: {  	[sflag:s6] =	ssyncset.done $0x0  }
0x4d: {  	[sflag:s6] =	ssyncadd.s32 $0xFFFFFF9C  }
0x4e: {  	s3 =	simm.s32 $0x51B0;
	s31 =	simm.s32 $0x1;
	[bflag:$0x0] =	sbarrier.arrive $0xFFFF  }
0x4f: {  	[tilespmem:s3], [sflag:$0x1] =	stream.linear.gather [spmem:s5], $0x280, $0x38;
	[tilespmem:$0x56B0] =	vst v63  }
0x50: {  	_ =	swait.ge [sflag:s31], $0x280  }
0x51: {  	[sflag:s31] =	ssyncset.done $0x0  }
0x52: {  	s4 =	simm.s32 $0x40;
	s3 =	simm.s32 $0x0;
	[sflag:s31] =	ssyncadd.s32 $0xFFFFFD80  }
.LBB2_4:
0x53: {  	p0 =	sne.s32 s4, $0x9C0;
	v0 =	vld [tilespmem:s3+$0x51B0];
	_ =	sdelay $0x4  }
0x54: {  	v0 =	vadd.f32 $1.000000000e+00, v0;
	_ =	sdelay $0x1  }
0x55: {  	v1 =	vshra.s32 v0, $0x1;
	v0 =	vmul.f32 $5.000000000e-01, v0  }
0x56: {  	v1 =	vsub.s32 $0x5F3759DF, v1  }
0x57: {  	v2 =	vmul.f32 v1, v0;
	_ =	sdelay $0x1  }
0x58: {  	v2 =	vmul.f32 v1, v2;
	_ =	sdelay $0x1  }
0x59: {  	v2 =	vsub.f32 $1.500000000e+00, v2;
	_ =	sdelay $0x1  }
0x5a: {  	v1 =	vmul.f32 v1, v2;
	_ =	sdelay $0x1  }
0x5b: {  	v2 =	vmul.f32 v1, v0;
	_ =	sdelay $0x1  }
0x5c: {  	v2 =	vmul.f32 v2, v1;
	_ =	sdelay $0x1  }
0x5d: {  	v2 =	vsub.f32 $1.500000000e+00, v2;
	_ =	sdelay $0x1  }
0x5e: {  	v1 =	vmul.f32 v2, v1;
	_ =	sdelay $0x1  }
0x5f: {  	v0 =	vmul.f32 v1, v0;
	_ =	sdelay $0x1  }
0x60: {  	v0 =	vmul.f32 v0, v1;
	_ =	sdelay $0x1  }
.Ltmp2:
0x61: {  	v0 =	vsub.f32 $1.500000000e+00, v0;
	(pc) =	sbr.rel @p0 .LBB2_4-.Ltmp2, $3  }
0x62: {  	_ = 	snop  }
0x63: {  	v0 =	vmul.f32 v0, v1;
	_ =	sdelay $0x1  }
0x64: {  	[tilespmem:s3+$0x51B0] =	vst v0;
	s3 =	sshra.s32 s4, $0x2;
	s4 =	sadd.s32 $0x40, s4  }
0x65: {  	v0 =	vld [tilespmem:s3+$0x51B0];
	_ =	sdelay $0x4  }
0x66: {  	v0 =	vadd.f32 $1.000000000e+00, v0;
	_ =	sdelay $0x1  }
0x67: {  	v1 =	vshra.s32 v0, $0x1;
	v0 =	vmul.f32 $5.000000000e-01, v0  }
0x68: {  	v1 =	vsub.s32 $0x5F3759DF, v1  }
0x69: {  	v2 =	vmul.f32 v1, v0;
	_ =	sdelay $0x1  }
0x6a: {  	v2 =	vmul.f32 v1, v2;
	_ =	sdelay $0x1  }
0x6b: {  	v2 =	vsub.f32 $1.500000000e+00, v2;
	_ =	sdelay $0x1  }
0x6c: {  	v1 =	vmul.f32 v1, v2;
	_ =	sdelay $0x1  }
0x6d: {  	v2 =	vmul.f32 v1, v0;
	_ =	sdelay $0x1  }
0x6e: {  	v2 =	vmul.f32 v2, v1;
	_ =	sdelay $0x1  }
0x6f: {  	v2 =	vsub.f32 $1.500000000e+00, v2;
	_ =	sdelay $0x1  }
0x70: {  	v1 =	vmul.f32 v2, v1;
	_ =	sdelay $0x1  }
0x71: {  	v0 =	vmul.f32 v1, v0;
	_ =	sdelay $0x1  }
0x72: {  	v0 =	vmul.f32 v0, v1;
	_ =	sdelay $0x1  }
0x73: {  	v0 =	vsub.f32 $1.500000000e+00, v0;
	_ =	sdelay $0x1  }
0x74: {  	v0 =	vmul.f32 v0, v1;
	_ =	sdelay $0x1  }
0x75: {  	s30 =	simm.s32 $0x0;
	s4 =	simm.s32 $0x51B0;
	s31 =	simm.s32 $0x1;
	[tilespmem:s3+$0x51B0] =	vst v0  }
0x76: {  	[hbm4b:s2+s30] =	stream.linear.scatter [tilespmem:s4], [sflag:$0x1], $0x280, $0x38;
	[tilespmem:$0x56B0] =	vst v63  }
0x77: {  	_ =	swait.ge [sflag:s31], $0x280  }
0x78: {  	[sflag:s31] =	ssyncset.done $0x0  }
0x79: {  	[sflag:s31] =	ssyncadd.s32 $0xFFFFFD80  }
.LBB2_6:
0x7a: {  	_ =	sfence.sel $0x180000  }
0x7b: {  	[bflag:$0x0] =	sbarrier.arrive $0xFFFF  }
0x7c: {  	p0 =	sne.s32 s1, $0x0;
	_ =	strace $0x90000047  }
0x7d: {  	s0 =	sadd.s32 @!p0 $0x100000, s0;
	[bflag:$0x2] =	sbarrier.arrive $0xFFFF  }
0x7e: {  	[sflag:s0] =	ssyncadd.tile.s32 @!p0 $0x1;
	_ =	shalt  }
.Lfunc_end2:
_tile_overlayer_lowered:
.L_overlay_start_2:
0x7f: {  	(tag) =	ssettag $0x2  }
0x80: {  	s0 =	rddreg [dreg:$0x0];
	s2 =	stileid.u32  }
0x81: {  	s1 =	rddreg [dreg:$0x1];
	p0 =	sne.s32 s2, $0x0  }
0x82: {  	s3 =	rddreg [dreg:$0x2];
	[bflag:$0x3] =	sbarrier.arrive $0xFFFF;
	s2 =	simm.s32 @!p0 $0x1C01  }
0x83: {  	[timem:s3], [sflag:s2] =	dma.local @!p0 [hbm:s0], s1  }
0x84: {  	s0 =	simm.s32 @!p0 $0x1  }
0x85: {  	_ =	swait.ge @!p0 [sflag:s0], s1  }
0x86: {  	s1 =	ssub.s32 @!p0 $0x0, s1;
	[sflag:s0] =	ssyncset.done @!p0 $0x0  }
0x87: {  	[sflag:s0] =	ssyncadd.s32 @!p0 s1  }
0x88: {  	[bflag:$0x3] =	sbarrier.arrive $0xFFFF  }
0x89: {  	_ =	shalt  }

</sc_bundles>
